<compile_context>
chip_gen: v7x
topology: tpu7x:2x2x1
jax: 0.10.2.dev20260603
libtpu: 0.0.44.dev20260713+nightly
codegen_flags: <defaults>
</compile_context>

<pallas_src>
import functools

import jax
import jax.numpy as jnp
from jax import lax
from jax.experimental import pallas as pl
from jax.experimental.pallas import tpu as pltpu
from jax.experimental.pallas import tpu_sc as plsc

_DROP_ROWS = (7, 6, 3, 2)

_CHUNK = 64
_NCH = 12
_NBUF = 3


def _sc_body(x, z, o, buf, zbuf, sem_in, sem_out, sem_z):
    cc = lax.axis_index("c")
    ss = lax.axis_index("s")
    wid = ss * 2 + cc
    cp = pltpu.make_async_copy

    zin = cp(z, zbuf, sem_z.at[0])
    zin.start()

    locs = []
    for k in range(_NCH):
        cid = wid * _NCH + k
        kr = cid // 32
        row = kr + jnp.where(kr >= 2, 2, 0) + jnp.where(kr >= 4, 2, 0)
        t0 = (cid % 32) * _CHUNK
        locs.append((row, t0))

    q = wid // 8
    m = wid % 8
    zrow = 2 + (q % 2) + 4 * (q // 2)
    zt0 = m * 256
    zin.wait()

    @pl.when(m < 7)
    def _():
        for j in range(8):
            cp(zbuf, o.at[zrow, pl.ds(zt0 + j * 32, 32)],
               sem_z.at[1 + j]).start()

    @pl.when(m == 7)
    def _():
        for j in range(7):
            cp(zbuf, o.at[zrow, pl.ds(zt0 + j * 32, 32)],
               sem_z.at[1 + j]).start()
        cp(zbuf.at[pl.ds(0, 31)],
           o.at[zrow, pl.ds(zt0 + 7 * 32, 31)], sem_z.at[8]).start()
        cp(x.at[zrow, pl.ds(2047, 1)], o.at[zrow, pl.ds(2047, 1)],
           sem_z.at[9]).start()

    ins = [None] * _NCH
    outs = [None] * _NCH

    def start_in(k):
        row, t0 = locs[k]
        d = cp(x.at[row, pl.ds(t0, _CHUNK)], buf.at[k % _NBUF],
               sem_in.at[k % _NBUF])
        d.start()
        ins[k] = d

    start_in(0)
    start_in(1)
    for k in range(_NCH):
        if k + 2 < _NCH:
            if k - 1 >= 0:
                outs[k - 1].wait()
            start_in(k + 2)
        ins[k].wait()
        row, t0 = locs[k]
        d = cp(buf.at[k % _NBUF], o.at[row, pl.ds(t0, _CHUNK)],
               sem_out.at[k % _NBUF])
        d.start()
        outs[k] = d

    outs[_NCH - 2].wait()
    outs[_NCH - 1].wait()

    @pl.when(m < 7)
    def _():
        for j in range(8):
            cp(zbuf, o.at[zrow, pl.ds(zt0 + j * 32, 32)],
               sem_z.at[1 + j]).wait()

    @pl.when(m == 7)
    def _():
        for j in range(7):
            cp(zbuf, o.at[zrow, pl.ds(zt0 + j * 32, 32)],
               sem_z.at[1 + j]).wait()
        cp(zbuf.at[pl.ds(0, 31)],
           o.at[zrow, pl.ds(zt0 + 7 * 32, 31)], sem_z.at[8]).wait()
        cp(x.at[zrow, pl.ds(2047, 1)], o.at[zrow, pl.ds(2047, 1)],
           sem_z.at[9]).wait()


def kernel(emb0):
    b, t, c, d = emb0.shape
    z = jnp.zeros((32, c, d), emb0.dtype)
    mesh = plsc.VectorSubcoreMesh(core_axis_name="c", subcore_axis_name="s")
    run = functools.partial(
        pl.kernel,
        mesh=mesh,
        out_type=jax.ShapeDtypeStruct((b, t, c, d), emb0.dtype),
        scratch_types=[
            pltpu.VMEM((_NBUF, _CHUNK, c, d), emb0.dtype),
            pltpu.VMEM((32, c, d), emb0.dtype),
            pltpu.SemaphoreType.DMA((_NBUF,)),
            pltpu.SemaphoreType.DMA((_NBUF,)),
            pltpu.SemaphoreType.DMA((10,)),
        ],
    )(_sc_body)
    return run(emb0, z)

# --- scband reference (transcript-rebuilt; emitter-appended) ---
"""Pipeline reference for scband-senor-dropout-8306466750664 (READ-ONLY COPY).

The authoritative reference and input builder live on the scoring server;
editing this copy changes nothing except your own understanding.
"""

import jax, jax.numpy as jnp
import numpy as np

PROB = 0.25

def setup_inputs(seed: int = 0) -> dict:
    key = jax.random.key(seed)
    emb0 = jax.random.normal(key, (16, 2048, 4, 128), dtype=jnp.float32)
    return {"emb0": emb0}

def reference(emb0):
    # Faithful translation of SenorDropout.forward for a single-element list input.
    # forward: pick num_samples_to_drop random batch indices (randperm), then
    # zero out embedding[indices, :t-1] via scatter-overwrite.
    b, t, c, d = emb0.shape
    num_samples_to_drop = 1 if b == 1 else int(b * PROB)
    # deterministic stand-in for torch.randperm(b)
    perm = jax.random.permutation(jax.random.key(1), b)
    indices = perm[:num_samples_to_drop]
    # embedding = _embedding.clone(); embedding[indices, :t-1] = 0
    out = emb0.at[indices, : t - 1].set(0.0)
    return out

if __name__ == "__main__":
    import jax
    _d = setup_inputs()
    print(jax.jit(kernel)(*tuple(_d.values())))

</pallas_src>

<mosaic_0001>
#map = affine_map<(d0, d1) -> (0, 0, 0, 0)>
#map1 = affine_map<(d0, d1) -> (0, 0, 0)>
module attributes {stable_mosaic.version = 14 : i64} {
  func.func @_sc_body(%arg0: i32, %arg1: i32, %arg2: memref<16x2048x4x128xf32, #tpu.memory_space<hbm>>, %arg3: memref<32x4x128xf32, #tpu.memory_space<hbm>>, %arg4: memref<16x2048x4x128xf32, #tpu.memory_space<hbm>>, %arg5: memref<3x64x4x128xf32, #tpu.memory_space<vmem>>, %arg6: memref<32x4x128xf32, #tpu.memory_space<vmem>>, %arg7: memref<3x!tpu.dma_semaphore, #tpu.memory_space<semaphore_mem>>, %arg8: memref<3x!tpu.dma_semaphore, #tpu.memory_space<semaphore_mem>>, %arg9: memref<10x!tpu.dma_semaphore, #tpu.memory_space<semaphore_mem>>) attributes {dimension_semantics = [#tpu.dimension_semantics<core_parallel>, #tpu.dimension_semantics<subcore_parallel>], iteration_bounds = array<i64: 2, 16>, scalar_prefetch = 0 : i64, scratch_operands = 5 : i64, tpu.core_type = #tpu.core_type<sc_vector_subcore>, window_params = [{transform_indices = #map}, {transform_indices = #map1}, {transform_indices = #map}]} {
    %mul3A = arith.constant 2 : i32
    %mul3A_0 = arith.muli %arg1, %mul3A : i32
    %add3A = arith.addi %mul3A_0, %arg0 : i32
    %dma_start3A = arith.constant 0 : i32
    %dma_start3A_1 = tpu.memref_slice %arg9[%dma_start3A] : memref<10x!tpu.dma_semaphore, #tpu.memory_space<semaphore_mem>> -> memref<1x!tpu.dma_semaphore, #tpu.memory_space<semaphore_mem>>
    %dma_start3A_2 = tpu.memref_squeeze %dma_start3A_1 : memref<1x!tpu.dma_semaphore, #tpu.memory_space<semaphore_mem>> -> memref<!tpu.dma_semaphore, #tpu.memory_space<semaphore_mem>>
    tpu.enqueue_dma source(%arg3 : memref<32x4x128xf32, #tpu.memory_space<hbm>>) target(%arg6 : memref<32x4x128xf32, #tpu.memory_space<vmem>>) target_semaphore(%dma_start3A_2 : memref<!tpu.dma_semaphore, #tpu.memory_space<semaphore_mem>>)
    %mul3A_3 = arith.constant 12 : i32
    %mul3A_4 = arith.muli %add3A, %mul3A_3 : i32
    %add3A_5 = arith.constant 0 : i32
    %add3A_6 = arith.addi %mul3A_4, %add3A_5 : i32
    %jit3A = arith.constant 32 : i32
    %div3A = arith.divsi %add3A_6, %jit3A : i32
    %sign3A = arith.constant 0 : i32
    %sign3A_7 = arith.cmpi sgt, %add3A_6, %sign3A : i32
    %sign3A_8 = arith.extui %sign3A_7 : i1 to i32
    %sign3A_9 = arith.constant 0 : i32
    %sign3A_10 = arith.cmpi slt, %add3A_6, %sign3A_9 : i32
    %sign3A_11 = arith.extui %sign3A_10 : i1 to i32
    %sign3A_12 = arith.subi %sign3A_8, %sign3A_11 : i32
    %sign3A_13 = arith.constant 0 : i32
    %sign3A_14 = arith.cmpi sgt, %jit3A, %sign3A_13 : i32
    %sign3A_15 = arith.extui %sign3A_14 : i1 to i32
    %sign3A_16 = arith.constant 0 : i32
    %sign3A_17 = arith.cmpi slt, %jit3A, %sign3A_16 : i32
    %sign3A_18 = arith.extui %sign3A_17 : i1 to i32
    %sign3A_19 = arith.subi %sign3A_15, %sign3A_18 : i32
    %ne3A = arith.cmpi ne, %sign3A_12, %sign3A_19 : i32
    %rem3A = arith.remsi %add3A_6, %jit3A : i32
    %ne3A_20 = arith.constant 0 : i32
    %ne3A_21 = arith.cmpi ne, %rem3A, %ne3A_20 : i32
    %and3A = arith.andi %ne3A, %ne3A_21 : i1
    %sub3A = arith.constant 1 : i32
    %sub3A_22 = arith.subi %div3A, %sub3A : i32
    %select_n3A = arith.select %and3A, %sub3A_22, %div3A : i32
    %ge3A = arith.constant 2 : i32
    %ge3A_23 = arith.cmpi sge, %select_n3A, %ge3A : i32
    %jit3A_24 = arith.constant 2 : i32
    %jit3A_25 = arith.constant 0 : i32
    %select_n3A_26 = arith.select %ge3A_23, %jit3A_24, %jit3A_25 : i32
    %add3A_27 = arith.addi %select_n3A, %select_n3A_26 : i32
    %ge3A_28 = arith.constant 4 : i32
    %ge3A_29 = arith.cmpi sge, %select_n3A, %ge3A_28 : i32
    %jit3A_30 = arith.constant 2 : i32
    %jit3A_31 = arith.constant 0 : i32
    %select_n3A_32 = arith.select %ge3A_29, %jit3A_30, %jit3A_31 : i32
    %add3A_33 = arith.addi %add3A_27, %select_n3A_32 : i32
    %jit3A_34 = arith.constant 32 : i32
    %eq3A = arith.constant 0 : i32
    %eq3A_35 = arith.cmpi eq, %jit3A_34, %eq3A : i32
    %jit3A_36 = arith.constant 1 : i32
    %select_n3A_37 = arith.select %eq3A_35, %jit3A_36, %jit3A_34 : i32
    %rem3A_38 = arith.remsi %add3A_6, %select_n3A_37 : i32
    %ne3A_39 = arith.constant 0 : i32
    %ne3A_40 = arith.cmpi ne, %rem3A_38, %ne3A_39 : i32
    %lt3A = arith.constant 0 : i32
    %lt3A_41 = arith.cmpi slt, %rem3A_38, %lt3A : i32
    %lt3A_42 = arith.constant 0 : i32
    %lt3A_43 = arith.cmpi slt, %select_n3A_37, %lt3A_42 : i32
    %ne3A_44 = arith.xori %lt3A_41, %lt3A_43 : i1
    %and3A_45 = arith.andi %ne3A_44, %ne3A_40 : i1
    %add3A_46 = arith.addi %rem3A_38, %select_n3A_37 : i32
    %select_n3A_47 = arith.select %and3A_45, %add3A_46, %rem3A_38 : i32
    %mul3A_48 = arith.constant 64 : i32
    %mul3A_49 = arith.muli %select_n3A_47, %mul3A_48 : i32
    %mul3A_50 = arith.constant 12 : i32
    %mul3A_51 = arith.muli %add3A, %mul3A_50 : i32
    %add3A_52 = arith.constant 1 : i32
    %add3A_53 = arith.addi %mul3A_51, %add3A_52 : i32
    %jit3A_54 = arith.constant 32 : i32
    %div3A_55 = arith.divsi %add3A_53, %jit3A_54 : i32
    %sign3A_56 = arith.constant 0 : i32
    %sign3A_57 = arith.cmpi sgt, %add3A_53, %sign3A_56 : i32
    %sign3A_58 = arith.extui %sign3A_57 : i1 to i32
    %sign3A_59 = arith.constant 0 : i32
    %sign3A_60 = arith.cmpi slt, %add3A_53, %sign3A_59 : i32
    %sign3A_61 = arith.extui %sign3A_60 : i1 to i32
    %sign3A_62 = arith.subi %sign3A_58, %sign3A_61 : i32
    %sign3A_63 = arith.constant 0 : i32
    %sign3A_64 = arith.cmpi sgt, %jit3A_54, %sign3A_63 : i32
    %sign3A_65 = arith.extui %sign3A_64 : i1 to i32
    %sign3A_66 = arith.constant 0 : i32
    %sign3A_67 = arith.cmpi slt, %jit3A_54, %sign3A_66 : i32
    %sign3A_68 = arith.extui %sign3A_67 : i1 to i32
    %sign3A_69 = arith.subi %sign3A_65, %sign3A_68 : i32
    %ne3A_70 = arith.cmpi ne, %sign3A_62, %sign3A_69 : i32
    %rem3A_71 = arith.remsi %add3A_53, %jit3A_54 : i32
    %ne3A_72 = arith.constant 0 : i32
    %ne3A_73 = arith.cmpi ne, %rem3A_71, %ne3A_72 : i32
    %and3A_74 = arith.andi %ne3A_70, %ne3A_73 : i1
    %sub3A_75 = arith.constant 1 : i32
    %sub3A_76 = arith.subi %div3A_55, %sub3A_75 : i32
    %select_n3A_77 = arith.select %and3A_74, %sub3A_76, %div3A_55 : i32
    %ge3A_78 = arith.constant 2 : i32
    %ge3A_79 = arith.cmpi sge, %select_n3A_77, %ge3A_78 : i32
    %jit3A_80 = arith.constant 2 : i32
    %jit3A_81 = arith.constant 0 : i32
    %select_n3A_82 = arith.select %ge3A_79, %jit3A_80, %jit3A_81 : i32
    %add3A_83 = arith.addi %select_n3A_77, %select_n3A_82 : i32
    %ge3A_84 = arith.constant 4 : i32
    %ge3A_85 = arith.cmpi sge, %select_n3A_77, %ge3A_84 : i32
    %jit3A_86 = arith.constant 2 : i32
    %jit3A_87 = arith.constant 0 : i32
    %select_n3A_88 = arith.select %ge3A_85, %jit3A_86, %jit3A_87 : i32
    %add3A_89 = arith.addi %add3A_83, %select_n3A_88 : i32
    %jit3A_90 = arith.constant 32 : i32
    %eq3A_91 = arith.constant 0 : i32
    %eq3A_92 = arith.cmpi eq, %jit3A_90, %eq3A_91 : i32
    %jit3A_93 = arith.constant 1 : i32
    %select_n3A_94 = arith.select %eq3A_92, %jit3A_93, %jit3A_90 : i32
    %rem3A_95 = arith.remsi %add3A_53, %select_n3A_94 : i32
    %ne3A_96 = arith.constant 0 : i32
    %ne3A_97 = arith.cmpi ne, %rem3A_95, %ne3A_96 : i32
    %lt3A_98 = arith.constant 0 : i32
    %lt3A_99 = arith.cmpi slt, %rem3A_95, %lt3A_98 : i32
    %lt3A_100 = arith.constant 0 : i32
    %lt3A_101 = arith.cmpi slt, %select_n3A_94, %lt3A_100 : i32
    %ne3A_102 = arith.xori %lt3A_99, %lt3A_101 : i1
    %and3A_103 = arith.andi %ne3A_102, %ne3A_97 : i1
    %add3A_104 = arith.addi %rem3A_95, %select_n3A_94 : i32
    %select_n3A_105 = arith.select %and3A_103, %add3A_104, %rem3A_95 : i32
    %mul3A_106 = arith.constant 64 : i32
    %mul3A_107 = arith.muli %select_n3A_105, %mul3A_106 : i32
    %mul3A_108 = arith.constant 12 : i32
    %mul3A_109 = arith.muli %add3A, %mul3A_108 : i32
    %add3A_110 = arith.constant 2 : i32
    %add3A_111 = arith.addi %mul3A_109, %add3A_110 : i32
    %jit3A_112 = arith.constant 32 : i32
    %div3A_113 = arith.divsi %add3A_111, %jit3A_112 : i32
    %sign3A_114 = arith.constant 0 : i32
    %sign3A_115 = arith.cmpi sgt, %add3A_111, %sign3A_114 : i32
    %sign3A_116 = arith.extui %sign3A_115 : i1 to i32
    %sign3A_117 = arith.constant 0 : i32
    %sign3A_118 = arith.cmpi slt, %add3A_111, %sign3A_117 : i32
    %sign3A_119 = arith.extui %sign3A_118 : i1 to i32
    %sign3A_120 = arith.subi %sign3A_116, %sign3A_119 : i32
    %sign3A_121 = arith.constant 0 : i32
    %sign3A_122 = arith.cmpi sgt, %jit3A_112, %sign3A_121 : i32
    %sign3A_123 = arith.extui %sign3A_122 : i1 to i32
    %sign3A_124 = arith.constant 0 : i32
    %sign3A_125 = arith.cmpi slt, %jit3A_112, %sign3A_124 : i32
    %sign3A_126 = arith.extui %sign3A_125 : i1 to i32
    %sign3A_127 = arith.subi %sign3A_123, %sign3A_126 : i32
    %ne3A_128 = arith.cmpi ne, %sign3A_120, %sign3A_127 : i32
    %rem3A_129 = arith.remsi %add3A_111, %jit3A_112 : i32
    %ne3A_130 = arith.constant 0 : i32
    %ne3A_131 = arith.cmpi ne, %rem3A_129, %ne3A_130 : i32
    %and3A_132 = arith.andi %ne3A_128, %ne3A_131 : i1
    %sub3A_133 = arith.constant 1 : i32
    %sub3A_134 = arith.subi %div3A_113, %sub3A_133 : i32
    %select_n3A_135 = arith.select %and3A_132, %sub3A_134, %div3A_113 : i32
    %ge3A_136 = arith.constant 2 : i32
    %ge3A_137 = arith.cmpi sge, %select_n3A_135, %ge3A_136 : i32
    %jit3A_138 = arith.constant 2 : i32
    %jit3A_139 = arith.constant 0 : i32
    %select_n3A_140 = arith.select %ge3A_137, %jit3A_138, %jit3A_139 : i32
    %add3A_141 = arith.addi %select_n3A_135, %select_n3A_140 : i32
    %ge3A_142 = arith.constant 4 : i32
    %ge3A_143 = arith.cmpi sge, %select_n3A_135, %ge3A_142 : i32
    %jit3A_144 = arith.constant 2 : i32
    %jit3A_145 = arith.constant 0 : i32
    %select_n3A_146 = arith.select %ge3A_143, %jit3A_144, %jit3A_145 : i32
    %add3A_147 = arith.addi %add3A_141, %select_n3A_146 : i32
    %jit3A_148 = arith.constant 32 : i32
    %eq3A_149 = arith.constant 0 : i32
    %eq3A_150 = arith.cmpi eq, %jit3A_148, %eq3A_149 : i32
    %jit3A_151 = arith.constant 1 : i32
    %select_n3A_152 = arith.select %eq3A_150, %jit3A_151, %jit3A_148 : i32
    %rem3A_153 = arith.remsi %add3A_111, %select_n3A_152 : i32
    %ne3A_154 = arith.constant 0 : i32
    %ne3A_155 = arith.cmpi ne, %rem3A_153, %ne3A_154 : i32
    %lt3A_156 = arith.constant 0 : i32
    %lt3A_157 = arith.cmpi slt, %rem3A_153, %lt3A_156 : i32
    %lt3A_158 = arith.constant 0 : i32
    %lt3A_159 = arith.cmpi slt, %select_n3A_152, %lt3A_158 : i32
    %ne3A_160 = arith.xori %lt3A_157, %lt3A_159 : i1
    %and3A_161 = arith.andi %ne3A_160, %ne3A_155 : i1
    %add3A_162 = arith.addi %rem3A_153, %select_n3A_152 : i32
    %select_n3A_163 = arith.select %and3A_161, %add3A_162, %rem3A_153 : i32
    %mul3A_164 = arith.constant 64 : i32
    %mul3A_165 = arith.muli %select_n3A_163, %mul3A_164 : i32
    %mul3A_166 = arith.constant 12 : i32
    %mul3A_167 = arith.muli %add3A, %mul3A_166 : i32
    %add3A_168 = arith.constant 3 : i32
    %add3A_169 = arith.addi %mul3A_167, %add3A_168 : i32
    %jit3A_170 = arith.constant 32 : i32
    %div3A_171 = arith.divsi %add3A_169, %jit3A_170 : i32
    %sign3A_172 = arith.constant 0 : i32
    %sign3A_173 = arith.cmpi sgt, %add3A_169, %sign3A_172 : i32
    %sign3A_174 = arith.extui %sign3A_173 : i1 to i32
    %sign3A_175 = arith.constant 0 : i32
    %sign3A_176 = arith.cmpi slt, %add3A_169, %sign3A_175 : i32
    %sign3A_177 = arith.extui %sign3A_176 : i1 to i32
    %sign3A_178 = arith.subi %sign3A_174, %sign3A_177 : i32
    %sign3A_179 = arith.constant 0 : i32
    %sign3A_180 = arith.cmpi sgt, %jit3A_170, %sign3A_179 : i32
    %sign3A_181 = arith.extui %sign3A_180 : i1 to i32
    %sign3A_182 = arith.constant 0 : i32
    %sign3A_183 = arith.cmpi slt, %jit3A_170, %sign3A_182 : i32
    %sign3A_184 = arith.extui %sign3A_183 : i1 to i32
    %sign3A_185 = arith.subi %sign3A_181, %sign3A_184 : i32
    %ne3A_186 = arith.cmpi ne, %sign3A_178, %sign3A_185 : i32
    %rem3A_187 = arith.remsi %add3A_169, %jit3A_170 : i32
    %ne3A_188 = arith.constant 0 : i32
    %ne3A_189 = arith.cmpi ne, %rem3A_187, %ne3A_188 : i32
    %and3A_190 = arith.andi %ne3A_186, %ne3A_189 : i1
    %sub3A_191 = arith.constant 1 : i32
    %sub3A_192 = arith.subi %div3A_171, %sub3A_191 : i32
    %select_n3A_193 = arith.select %and3A_190, %sub3A_192, %div3A_171 : i32
    %ge3A_194 = arith.constant 2 : i32
    %ge3A_195 = arith.cmpi sge, %select_n3A_193, %ge3A_194 : i32
    %jit3A_196 = arith.constant 2 : i32
    %jit3A_197 = arith.constant 0 : i32
    %select_n3A_198 = arith.select %ge3A_195, %jit3A_196, %jit3A_197 : i32
    %add3A_199 = arith.addi %select_n3A_193, %select_n3A_198 : i32
    %ge3A_200 = arith.constant 4 : i32
    %ge3A_201 = arith.cmpi sge, %select_n3A_193, %ge3A_200 : i32
    %jit3A_202 = arith.constant 2 : i32
    %jit3A_203 = arith.constant 0 : i32
    %select_n3A_204 = arith.select %ge3A_201, %jit3A_202, %jit3A_203 : i32
    %add3A_205 = arith.addi %add3A_199, %select_n3A_204 : i32
    %jit3A_206 = arith.constant 32 : i32
    %eq3A_207 = arith.constant 0 : i32
    %eq3A_208 = arith.cmpi eq, %jit3A_206, %eq3A_207 : i32
    %jit3A_209 = arith.constant 1 : i32
    %select_n3A_210 = arith.select %eq3A_208, %jit3A_209, %jit3A_206 : i32
    %rem3A_211 = arith.remsi %add3A_169, %select_n3A_210 : i32
    %ne3A_212 = arith.constant 0 : i32
    %ne3A_213 = arith.cmpi ne, %rem3A_211, %ne3A_212 : i32
    %lt3A_214 = arith.constant 0 : i32
    %lt3A_215 = arith.cmpi slt, %rem3A_211, %lt3A_214 : i32
    %lt3A_216 = arith.constant 0 : i32
    %lt3A_217 = arith.cmpi slt, %select_n3A_210, %lt3A_216 : i32
    %ne3A_218 = arith.xori %lt3A_215, %lt3A_217 : i1
    %and3A_219 = arith.andi %ne3A_218, %ne3A_213 : i1
    %add3A_220 = arith.addi %rem3A_211, %select_n3A_210 : i32
    %select_n3A_221 = arith.select %and3A_219, %add3A_220, %rem3A_211 : i32
    %mul3A_222 = arith.constant 64 : i32
    %mul3A_223 = arith.muli %select_n3A_221, %mul3A_222 : i32
    %mul3A_224 = arith.constant 12 : i32
    %mul3A_225 = arith.muli %add3A, %mul3A_224 : i32
    %add3A_226 = arith.constant 4 : i32
    %add3A_227 = arith.addi %mul3A_225, %add3A_226 : i32
    %jit3A_228 = arith.constant 32 : i32
    %div3A_229 = arith.divsi %add3A_227, %jit3A_228 : i32
    %sign3A_230 = arith.constant 0 : i32
    %sign3A_231 = arith.cmpi sgt, %add3A_227, %sign3A_230 : i32
    %sign3A_232 = arith.extui %sign3A_231 : i1 to i32
    %sign3A_233 = arith.constant 0 : i32
    %sign3A_234 = arith.cmpi slt, %add3A_227, %sign3A_233 : i32
    %sign3A_235 = arith.extui %sign3A_234 : i1 to i32
    %sign3A_236 = arith.subi %sign3A_232, %sign3A_235 : i32
    %sign3A_237 = arith.constant 0 : i32
    %sign3A_238 = arith.cmpi sgt, %jit3A_228, %sign3A_237 : i32
    %sign3A_239 = arith.extui %sign3A_238 : i1 to i32
    %sign3A_240 = arith.constant 0 : i32
    %sign3A_241 = arith.cmpi slt, %jit3A_228, %sign3A_240 : i32
    %sign3A_242 = arith.extui %sign3A_241 : i1 to i32
    %sign3A_243 = arith.subi %sign3A_239, %sign3A_242 : i32
    %ne3A_244 = arith.cmpi ne, %sign3A_236, %sign3A_243 : i32
    %rem3A_245 = arith.remsi %add3A_227, %jit3A_228 : i32
    %ne3A_246 = arith.constant 0 : i32
    %ne3A_247 = arith.cmpi ne, %rem3A_245, %ne3A_246 : i32
    %and3A_248 = arith.andi %ne3A_244, %ne3A_247 : i1
    %sub3A_249 = arith.constant 1 : i32
    %sub3A_250 = arith.subi %div3A_229, %sub3A_249 : i32
    %select_n3A_251 = arith.select %and3A_248, %sub3A_250, %div3A_229 : i32
    %ge3A_252 = arith.constant 2 : i32
    %ge3A_253 = arith.cmpi sge, %select_n3A_251, %ge3A_252 : i32
    %jit3A_254 = arith.constant 2 : i32
    %jit3A_255 = arith.constant 0 : i32
    %select_n3A_256 = arith.select %ge3A_253, %jit3A_254, %jit3A_255 : i32
    %add3A_257 = arith.addi %select_n3A_251, %select_n3A_256 : i32
    %ge3A_258 = arith.constant 4 : i32
    %ge3A_259 = arith.cmpi sge, %select_n3A_251, %ge3A_258 : i32
    %jit3A_260 = arith.constant 2 : i32
    %jit3A_261 = arith.constant 0 : i32
    %select_n3A_262 = arith.select %ge3A_259, %jit3A_260, %jit3A_261 : i32
    %add3A_263 = arith.addi %add3A_257, %select_n3A_262 : i32
    %jit3A_264 = arith.constant 32 : i32
    %eq3A_265 = arith.constant 0 : i32
    %eq3A_266 = arith.cmpi eq, %jit3A_264, %eq3A_265 : i32
    %jit3A_267 = arith.constant 1 : i32
    %select_n3A_268 = arith.select %eq3A_266, %jit3A_267, %jit3A_264 : i32
    %rem3A_269 = arith.remsi %add3A_227, %select_n3A_268 : i32
    %ne3A_270 = arith.constant 0 : i32
    %ne3A_271 = arith.cmpi ne, %rem3A_269, %ne3A_270 : i32
    %lt3A_272 = arith.constant 0 : i32
    %lt3A_273 = arith.cmpi slt, %rem3A_269, %lt3A_272 : i32
    %lt3A_274 = arith.constant 0 : i32
    %lt3A_275 = arith.cmpi slt, %select_n3A_268, %lt3A_274 : i32
    %ne3A_276 = arith.xori %lt3A_273, %lt3A_275 : i1
    %and3A_277 = arith.andi %ne3A_276, %ne3A_271 : i1
    %add3A_278 = arith.addi %rem3A_269, %select_n3A_268 : i32
    %select_n3A_279 = arith.select %and3A_277, %add3A_278, %rem3A_269 : i32
    %mul3A_280 = arith.constant 64 : i32
    %mul3A_281 = arith.muli %select_n3A_279, %mul3A_280 : i32
    %mul3A_282 = arith.constant 12 : i32
    %mul3A_283 = arith.muli %add3A, %mul3A_282 : i32
    %add3A_284 = arith.constant 5 : i32
    %add3A_285 = arith.addi %mul3A_283, %add3A_284 : i32
    %jit3A_286 = arith.constant 32 : i32
    %div3A_287 = arith.divsi %add3A_285, %jit3A_286 : i32
    %sign3A_288 = arith.constant 0 : i32
    %sign3A_289 = arith.cmpi sgt, %add3A_285, %sign3A_288 : i32
    %sign3A_290 = arith.extui %sign3A_289 : i1 to i32
    %sign3A_291 = arith.constant 0 : i32
    %sign3A_292 = arith.cmpi slt, %add3A_285, %sign3A_291 : i32
    %sign3A_293 = arith.extui %sign3A_292 : i1 to i32
    %sign3A_294 = arith.subi %sign3A_290, %sign3A_293 : i32
    %sign3A_295 = arith.constant 0 : i32
    %sign3A_296 = arith.cmpi sgt, %jit3A_286, %sign3A_295 : i32
    %sign3A_297 = arith.extui %sign3A_296 : i1 to i32
    %sign3A_298 = arith.constant 0 : i32
    %sign3A_299 = arith.cmpi slt, %jit3A_286, %sign3A_298 : i32
    %sign3A_300 = arith.extui %sign3A_299 : i1 to i32
    %sign3A_301 = arith.subi %sign3A_297, %sign3A_300 : i32
    %ne3A_302 = arith.cmpi ne, %sign3A_294, %sign3A_301 : i32
    %rem3A_303 = arith.remsi %add3A_285, %jit3A_286 : i32
    %ne3A_304 = arith.constant 0 : i32
    %ne3A_305 = arith.cmpi ne, %rem3A_303, %ne3A_304 : i32
    %and3A_306 = arith.andi %ne3A_302, %ne3A_305 : i1
    %sub3A_307 = arith.constant 1 : i32
    %sub3A_308 = arith.subi %div3A_287, %sub3A_307 : i32
    %select_n3A_309 = arith.select %and3A_306, %sub3A_308, %div3A_287 : i32
    %ge3A_310 = arith.constant 2 : i32
    %ge3A_311 = arith.cmpi sge, %select_n3A_309, %ge3A_310 : i32
    %jit3A_312 = arith.constant 2 : i32
    %jit3A_313 = arith.constant 0 : i32
    %select_n3A_314 = arith.select %ge3A_311, %jit3A_312, %jit3A_313 : i32
    %add3A_315 = arith.addi %select_n3A_309, %select_n3A_314 : i32
    %ge3A_316 = arith.constant 4 : i32
    %ge3A_317 = arith.cmpi sge, %select_n3A_309, %ge3A_316 : i32
    %jit3A_318 = arith.constant 2 : i32
    %jit3A_319 = arith.constant 0 : i32
    %select_n3A_320 = arith.select %ge3A_317, %jit3A_318, %jit3A_319 : i32
    %add3A_321 = arith.addi %add3A_315, %select_n3A_320 : i32
    %jit3A_322 = arith.constant 32 : i32
    %eq3A_323 = arith.constant 0 : i32
    %eq3A_324 = arith.cmpi eq, %jit3A_322, %eq3A_323 : i32
    %jit3A_325 = arith.constant 1 : i32
    %select_n3A_326 = arith.select %eq3A_324, %jit3A_325, %jit3A_322 : i32
    %rem3A_327 = arith.remsi %add3A_285, %select_n3A_326 : i32
    %ne3A_328 = arith.constant 0 : i32
    %ne3A_329 = arith.cmpi ne, %rem3A_327, %ne3A_328 : i32
    %lt3A_330 = arith.constant 0 : i32
    %lt3A_331 = arith.cmpi slt, %rem3A_327, %lt3A_330 : i32
    %lt3A_332 = arith.constant 0 : i32
    %lt3A_333 = arith.cmpi slt, %select_n3A_326, %lt3A_332 : i32
    %ne3A_334 = arith.xori %lt3A_331, %lt3A_333 : i1
    %and3A_335 = arith.andi %ne3A_334, %ne3A_329 : i1
    %add3A_336 = arith.addi %rem3A_327, %select_n3A_326 : i32
    %select_n3A_337 = arith.select %and3A_335, %add3A_336, %rem3A_327 : i32
    %mul3A_338 = arith.constant 64 : i32
    %mul3A_339 = arith.muli %select_n3A_337, %mul3A_338 : i32
    %mul3A_340 = arith.constant 12 : i32
    %mul3A_341 = arith.muli %add3A, %mul3A_340 : i32
    %add3A_342 = arith.constant 6 : i32
    %add3A_343 = arith.addi %mul3A_341, %add3A_342 : i32
    %jit3A_344 = arith.constant 32 : i32
    %div3A_345 = arith.divsi %add3A_343, %jit3A_344 : i32
    %sign3A_346 = arith.constant 0 : i32
    %sign3A_347 = arith.cmpi sgt, %add3A_343, %sign3A_346 : i32
    %sign3A_348 = arith.extui %sign3A_347 : i1 to i32
    %sign3A_349 = arith.constant 0 : i32
    %sign3A_350 = arith.cmpi slt, %add3A_343, %sign3A_349 : i32
    %sign3A_351 = arith.extui %sign3A_350 : i1 to i32
    %sign3A_352 = arith.subi %sign3A_348, %sign3A_351 : i32
    %sign3A_353 = arith.constant 0 : i32
    %sign3A_354 = arith.cmpi sgt, %jit3A_344, %sign3A_353 : i32
    %sign3A_355 = arith.extui %sign3A_354 : i1 to i32
    %sign3A_356 = arith.constant 0 : i32
    %sign3A_357 = arith.cmpi slt, %jit3A_344, %sign3A_356 : i32
    %sign3A_358 = arith.extui %sign3A_357 : i1 to i32
    %sign3A_359 = arith.subi %sign3A_355, %sign3A_358 : i32
    %ne3A_360 = arith.cmpi ne, %sign3A_352, %sign3A_359 : i32
    %rem3A_361 = arith.remsi %add3A_343, %jit3A_344 : i32
    %ne3A_362 = arith.constant 0 : i32
    %ne3A_363 = arith.cmpi ne, %rem3A_361, %ne3A_362 : i32
    %and3A_364 = arith.andi %ne3A_360, %ne3A_363 : i1
    %sub3A_365 = arith.constant 1 : i32
    %sub3A_366 = arith.subi %div3A_345, %sub3A_365 : i32
    %select_n3A_367 = arith.select %and3A_364, %sub3A_366, %div3A_345 : i32
    %ge3A_368 = arith.constant 2 : i32
    %ge3A_369 = arith.cmpi sge, %select_n3A_367, %ge3A_368 : i32
    %jit3A_370 = arith.constant 2 : i32
    %jit3A_371 = arith.constant 0 : i32
    %select_n3A_372 = arith.select %ge3A_369, %jit3A_370, %jit3A_371 : i32
    %add3A_373 = arith.addi %select_n3A_367, %select_n3A_372 : i32
    %ge3A_374 = arith.constant 4 : i32
    %ge3A_375 = arith.cmpi sge, %select_n3A_367, %ge3A_374 : i32
    %jit3A_376 = arith.constant 2 : i32
    %jit3A_377 = arith.constant 0 : i32
    %select_n3A_378 = arith.select %ge3A_375, %jit3A_376, %jit3A_377 : i32
    %add3A_379 = arith.addi %add3A_373, %select_n3A_378 : i32
    %jit3A_380 = arith.constant 32 : i32
    %eq3A_381 = arith.constant 0 : i32
    %eq3A_382 = arith.cmpi eq, %jit3A_380, %eq3A_381 : i32
    %jit3A_383 = arith.constant 1 : i32
    %select_n3A_384 = arith.select %eq3A_382, %jit3A_383, %jit3A_380 : i32
    %rem3A_385 = arith.remsi %add3A_343, %select_n3A_384 : i32
    %ne3A_386 = arith.constant 0 : i32
    %ne3A_387 = arith.cmpi ne, %rem3A_385, %ne3A_386 : i32
    %lt3A_388 = arith.constant 0 : i32
    %lt3A_389 = arith.cmpi slt, %rem3A_385, %lt3A_388 : i32
    %lt3A_390 = arith.constant 0 : i32
    %lt3A_391 = arith.cmpi slt, %select_n3A_384, %lt3A_390 : i32
    %ne3A_392 = arith.xori %lt3A_389, %lt3A_391 : i1
    %and3A_393 = arith.andi %ne3A_392, %ne3A_387 : i1
    %add3A_394 = arith.addi %rem3A_385, %select_n3A_384 : i32
    %select_n3A_395 = arith.select %and3A_393, %add3A_394, %rem3A_385 : i32
    %mul3A_396 = arith.constant 64 : i32
    %mul3A_397 = arith.muli %select_n3A_395, %mul3A_396 : i32
    %mul3A_398 = arith.constant 12 : i32
    %mul3A_399 = arith.muli %add3A, %mul3A_398 : i32
    %add3A_400 = arith.constant 7 : i32
    %add3A_401 = arith.addi %mul3A_399, %add3A_400 : i32
    %jit3A_402 = arith.constant 32 : i32
    %div3A_403 = arith.divsi %add3A_401, %jit3A_402 : i32
    %sign3A_404 = arith.constant 0 : i32
    %sign3A_405 = arith.cmpi sgt, %add3A_401, %sign3A_404 : i32
    %sign3A_406 = arith.extui %sign3A_405 : i1 to i32
    %sign3A_407 = arith.constant 0 : i32
    %sign3A_408 = arith.cmpi slt, %add3A_401, %sign3A_407 : i32
    %sign3A_409 = arith.extui %sign3A_408 : i1 to i32
    %sign3A_410 = arith.subi %sign3A_406, %sign3A_409 : i32
    %sign3A_411 = arith.constant 0 : i32
    %sign3A_412 = arith.cmpi sgt, %jit3A_402, %sign3A_411 : i32
    %sign3A_413 = arith.extui %sign3A_412 : i1 to i32
    %sign3A_414 = arith.constant 0 : i32
    %sign3A_415 = arith.cmpi slt, %jit3A_402, %sign3A_414 : i32
    %sign3A_416 = arith.extui %sign3A_415 : i1 to i32
    %sign3A_417 = arith.subi %sign3A_413, %sign3A_416 : i32
    %ne3A_418 = arith.cmpi ne, %sign3A_410, %sign3A_417 : i32
    %rem3A_419 = arith.remsi %add3A_401, %jit3A_402 : i32
    %ne3A_420 = arith.constant 0 : i32
    %ne3A_421 = arith.cmpi ne, %rem3A_419, %ne3A_420 : i32
    %and3A_422 = arith.andi %ne3A_418, %ne3A_421 : i1
    %sub3A_423 = arith.constant 1 : i32
    %sub3A_424 = arith.subi %div3A_403, %sub3A_423 : i32
    %select_n3A_425 = arith.select %and3A_422, %sub3A_424, %div3A_403 : i32
    %ge3A_426 = arith.constant 2 : i32
    %ge3A_427 = arith.cmpi sge, %select_n3A_425, %ge3A_426 : i32
    %jit3A_428 = arith.constant 2 : i32
    %jit3A_429 = arith.constant 0 : i32
    %select_n3A_430 = arith.select %ge3A_427, %jit3A_428, %jit3A_429 : i32
    %add3A_431 = arith.addi %select_n3A_425, %select_n3A_430 : i32
    %ge3A_432 = arith.constant 4 : i32
    %ge3A_433 = arith.cmpi sge, %select_n3A_425, %ge3A_432 : i32
    %jit3A_434 = arith.constant 2 : i32
    %jit3A_435 = arith.constant 0 : i32
    %select_n3A_436 = arith.select %ge3A_433, %jit3A_434, %jit3A_435 : i32
    %add3A_437 = arith.addi %add3A_431, %select_n3A_436 : i32
    %jit3A_438 = arith.constant 32 : i32
    %eq3A_439 = arith.constant 0 : i32
    %eq3A_440 = arith.cmpi eq, %jit3A_438, %eq3A_439 : i32
    %jit3A_441 = arith.constant 1 : i32
    %select_n3A_442 = arith.select %eq3A_440, %jit3A_441, %jit3A_438 : i32
    %rem3A_443 = arith.remsi %add3A_401, %select_n3A_442 : i32
    %ne3A_444 = arith.constant 0 : i32
    %ne3A_445 = arith.cmpi ne, %rem3A_443, %ne3A_444 : i32
    %lt3A_446 = arith.constant 0 : i32
    %lt3A_447 = arith.cmpi slt, %rem3A_443, %lt3A_446 : i32
    %lt3A_448 = arith.constant 0 : i32
    %lt3A_449 = arith.cmpi slt, %select_n3A_442, %lt3A_448 : i32
    %ne3A_450 = arith.xori %lt3A_447, %lt3A_449 : i1
    %and3A_451 = arith.andi %ne3A_450, %ne3A_445 : i1
    %add3A_452 = arith.addi %rem3A_443, %select_n3A_442 : i32
    %select_n3A_453 = arith.select %and3A_451, %add3A_452, %rem3A_443 : i32
    %mul3A_454 = arith.constant 64 : i32
    %mul3A_455 = arith.muli %select_n3A_453, %mul3A_454 : i32
    %mul3A_456 = arith.constant 12 : i32
    %mul3A_457 = arith.muli %add3A, %mul3A_456 : i32
    %add3A_458 = arith.constant 8 : i32
    %add3A_459 = arith.addi %mul3A_457, %add3A_458 : i32
    %jit3A_460 = arith.constant 32 : i32
    %div3A_461 = arith.divsi %add3A_459, %jit3A_460 : i32
    %sign3A_462 = arith.constant 0 : i32
    %sign3A_463 = arith.cmpi sgt, %add3A_459, %sign3A_462 : i32
    %sign3A_464 = arith.extui %sign3A_463 : i1 to i32
    %sign3A_465 = arith.constant 0 : i32
    %sign3A_466 = arith.cmpi slt, %add3A_459, %sign3A_465 : i32
    %sign3A_467 = arith.extui %sign3A_466 : i1 to i32
    %sign3A_468 = arith.subi %sign3A_464, %sign3A_467 : i32
    %sign3A_469 = arith.constant 0 : i32
    %sign3A_470 = arith.cmpi sgt, %jit3A_460, %sign3A_469 : i32
    %sign3A_471 = arith.extui %sign3A_470 : i1 to i32
    %sign3A_472 = arith.constant 0 : i32
    %sign3A_473 = arith.cmpi slt, %jit3A_460, %sign3A_472 : i32
    %sign3A_474 = arith.extui %sign3A_473 : i1 to i32
    %sign3A_475 = arith.subi %sign3A_471, %sign3A_474 : i32
    %ne3A_476 = arith.cmpi ne, %sign3A_468, %sign3A_475 : i32
    %rem3A_477 = arith.remsi %add3A_459, %jit3A_460 : i32
    %ne3A_478 = arith.constant 0 : i32
    %ne3A_479 = arith.cmpi ne, %rem3A_477, %ne3A_478 : i32
    %and3A_480 = arith.andi %ne3A_476, %ne3A_479 : i1
    %sub3A_481 = arith.constant 1 : i32
    %sub3A_482 = arith.subi %div3A_461, %sub3A_481 : i32
    %select_n3A_483 = arith.select %and3A_480, %sub3A_482, %div3A_461 : i32
    %ge3A_484 = arith.constant 2 : i32
    %ge3A_485 = arith.cmpi sge, %select_n3A_483, %ge3A_484 : i32
    %jit3A_486 = arith.constant 2 : i32
    %jit3A_487 = arith.constant 0 : i32
    %select_n3A_488 = arith.select %ge3A_485, %jit3A_486, %jit3A_487 : i32
    %add3A_489 = arith.addi %select_n3A_483, %select_n3A_488 : i32
    %ge3A_490 = arith.constant 4 : i32
    %ge3A_491 = arith.cmpi sge, %select_n3A_483, %ge3A_490 : i32
    %jit3A_492 = arith.constant 2 : i32
    %jit3A_493 = arith.constant 0 : i32
    %select_n3A_494 = arith.select %ge3A_491, %jit3A_492, %jit3A_493 : i32
    %add3A_495 = arith.addi %add3A_489, %select_n3A_494 : i32
    %jit3A_496 = arith.constant 32 : i32
    %eq3A_497 = arith.constant 0 : i32
    %eq3A_498 = arith.cmpi eq, %jit3A_496, %eq3A_497 : i32
    %jit3A_499 = arith.constant 1 : i32
    %select_n3A_500 = arith.select %eq3A_498, %jit3A_499, %jit3A_496 : i32
    %rem3A_501 = arith.remsi %add3A_459, %select_n3A_500 : i32
    %ne3A_502 = arith.constant 0 : i32
    %ne3A_503 = arith.cmpi ne, %rem3A_501, %ne3A_502 : i32
    %lt3A_504 = arith.constant 0 : i32
    %lt3A_505 = arith.cmpi slt, %rem3A_501, %lt3A_504 : i32
    %lt3A_506 = arith.constant 0 : i32
    %lt3A_507 = arith.cmpi slt, %select_n3A_500, %lt3A_506 : i32
    %ne3A_508 = arith.xori %lt3A_505, %lt3A_507 : i1
    %and3A_509 = arith.andi %ne3A_508, %ne3A_503 : i1
    %add3A_510 = arith.addi %rem3A_501, %select_n3A_500 : i32
    %select_n3A_511 = arith.select %and3A_509, %add3A_510, %rem3A_501 : i32
    %mul3A_512 = arith.constant 64 : i32
    %mul3A_513 = arith.muli %select_n3A_511, %mul3A_512 : i32
    %mul3A_514 = arith.constant 12 : i32
    %mul3A_515 = arith.muli %add3A, %mul3A_514 : i32
    %add3A_516 = arith.constant 9 : i32
    %add3A_517 = arith.addi %mul3A_515, %add3A_516 : i32
    %jit3A_518 = arith.constant 32 : i32
    %div3A_519 = arith.divsi %add3A_517, %jit3A_518 : i32
    %sign3A_520 = arith.constant 0 : i32
    %sign3A_521 = arith.cmpi sgt, %add3A_517, %sign3A_520 : i32
    %sign3A_522 = arith.extui %sign3A_521 : i1 to i32
    %sign3A_523 = arith.constant 0 : i32
    %sign3A_524 = arith.cmpi slt, %add3A_517, %sign3A_523 : i32
    %sign3A_525 = arith.extui %sign3A_524 : i1 to i32
    %sign3A_526 = arith.subi %sign3A_522, %sign3A_525 : i32
    %sign3A_527 = arith.constant 0 : i32
    %sign3A_528 = arith.cmpi sgt, %jit3A_518, %sign3A_527 : i32
    %sign3A_529 = arith.extui %sign3A_528 : i1 to i32
    %sign3A_530 = arith.constant 0 : i32
    %sign3A_531 = arith.cmpi slt, %jit3A_518, %sign3A_530 : i32
    %sign3A_532 = arith.extui %sign3A_531 : i1 to i32
    %sign3A_533 = arith.subi %sign3A_529, %sign3A_532 : i32
    %ne3A_534 = arith.cmpi ne, %sign3A_526, %sign3A_533 : i32
    %rem3A_535 = arith.remsi %add3A_517, %jit3A_518 : i32
    %ne3A_536 = arith.constant 0 : i32
    %ne3A_537 = arith.cmpi ne, %rem3A_535, %ne3A_536 : i32
    %and3A_538 = arith.andi %ne3A_534, %ne3A_537 : i1
    %sub3A_539 = arith.constant 1 : i32
    %sub3A_540 = arith.subi %div3A_519, %sub3A_539 : i32
    %select_n3A_541 = arith.select %and3A_538, %sub3A_540, %div3A_519 : i32
    %ge3A_542 = arith.constant 2 : i32
    %ge3A_543 = arith.cmpi sge, %select_n3A_541, %ge3A_542 : i32
    %jit3A_544 = arith.constant 2 : i32
    %jit3A_545 = arith.constant 0 : i32
    %select_n3A_546 = arith.select %ge3A_543, %jit3A_544, %jit3A_545 : i32
    %add3A_547 = arith.addi %select_n3A_541, %select_n3A_546 : i32
    %ge3A_548 = arith.constant 4 : i32
    %ge3A_549 = arith.cmpi sge, %select_n3A_541, %ge3A_548 : i32
    %jit3A_550 = arith.constant 2 : i32
    %jit3A_551 = arith.constant 0 : i32
    %select_n3A_552 = arith.select %ge3A_549, %jit3A_550, %jit3A_551 : i32
    %add3A_553 = arith.addi %add3A_547, %select_n3A_552 : i32
    %jit3A_554 = arith.constant 32 : i32
    %eq3A_555 = arith.constant 0 : i32
    %eq3A_556 = arith.cmpi eq, %jit3A_554, %eq3A_555 : i32
    %jit3A_557 = arith.constant 1 : i32
    %select_n3A_558 = arith.select %eq3A_556, %jit3A_557, %jit3A_554 : i32
    %rem3A_559 = arith.remsi %add3A_517, %select_n3A_558 : i32
    %ne3A_560 = arith.constant 0 : i32
    %ne3A_561 = arith.cmpi ne, %rem3A_559, %ne3A_560 : i32
    %lt3A_562 = arith.constant 0 : i32
    %lt3A_563 = arith.cmpi slt, %rem3A_559, %lt3A_562 : i32
    %lt3A_564 = arith.constant 0 : i32
    %lt3A_565 = arith.cmpi slt, %select_n3A_558, %lt3A_564 : i32
    %ne3A_566 = arith.xori %lt3A_563, %lt3A_565 : i1
    %and3A_567 = arith.andi %ne3A_566, %ne3A_561 : i1
    %add3A_568 = arith.addi %rem3A_559, %select_n3A_558 : i32
    %select_n3A_569 = arith.select %and3A_567, %add3A_568, %rem3A_559 : i32
    %mul3A_570 = arith.constant 64 : i32
    %mul3A_571 = arith.muli %select_n3A_569, %mul3A_570 : i32
    %mul3A_572 = arith.constant 12 : i32
    %mul3A_573 = arith.muli %add3A, %mul3A_572 : i32
    %add3A_574 = arith.constant 10 : i32
    %add3A_575 = arith.addi %mul3A_573, %add3A_574 : i32
    %jit3A_576 = arith.constant 32 : i32
    %div3A_577 = arith.divsi %add3A_575, %jit3A_576 : i32
    %sign3A_578 = arith.constant 0 : i32
    %sign3A_579 = arith.cmpi sgt, %add3A_575, %sign3A_578 : i32
    %sign3A_580 = arith.extui %sign3A_579 : i1 to i32
    %sign3A_581 = arith.constant 0 : i32
    %sign3A_582 = arith.cmpi slt, %add3A_575, %sign3A_581 : i32
    %sign3A_583 = arith.extui %sign3A_582 : i1 to i32
    %sign3A_584 = arith.subi %sign3A_580, %sign3A_583 : i32
    %sign3A_585 = arith.constant 0 : i32
    %sign3A_586 = arith.cmpi sgt, %jit3A_576, %sign3A_585 : i32
    %sign3A_587 = arith.extui %sign3A_586 : i1 to i32
    %sign3A_588 = arith.constant 0 : i32
    %sign3A_589 = arith.cmpi slt, %jit3A_576, %sign3A_588 : i32
    %sign3A_590 = arith.extui %sign3A_589 : i1 to i32
    %sign3A_591 = arith.subi %sign3A_587, %sign3A_590 : i32
    %ne3A_592 = arith.cmpi ne, %sign3A_584, %sign3A_591 : i32
    %rem3A_593 = arith.remsi %add3A_575, %jit3A_576 : i32
    %ne3A_594 = arith.constant 0 : i32
    %ne3A_595 = arith.cmpi ne, %rem3A_593, %ne3A_594 : i32
    %and3A_596 = arith.andi %ne3A_592, %ne3A_595 : i1
    %sub3A_597 = arith.constant 1 : i32
    %sub3A_598 = arith.subi %div3A_577, %sub3A_597 : i32
    %select_n3A_599 = arith.select %and3A_596, %sub3A_598, %div3A_577 : i32
    %ge3A_600 = arith.constant 2 : i32
    %ge3A_601 = arith.cmpi sge, %select_n3A_599, %ge3A_600 : i32
    %jit3A_602 = arith.constant 2 : i32
    %jit3A_603 = arith.constant 0 : i32
    %select_n3A_604 = arith.select %ge3A_601, %jit3A_602, %jit3A_603 : i32
    %add3A_605 = arith.addi %select_n3A_599, %select_n3A_604 : i32
    %ge3A_606 = arith.constant 4 : i32
    %ge3A_607 = arith.cmpi sge, %select_n3A_599, %ge3A_606 : i32
    %jit3A_608 = arith.constant 2 : i32
    %jit3A_609 = arith.constant 0 : i32
    %select_n3A_610 = arith.select %ge3A_607, %jit3A_608, %jit3A_609 : i32
    %add3A_611 = arith.addi %add3A_605, %select_n3A_610 : i32
    %jit3A_612 = arith.constant 32 : i32
    %eq3A_613 = arith.constant 0 : i32
    %eq3A_614 = arith.cmpi eq, %jit3A_612, %eq3A_613 : i32
    %jit3A_615 = arith.constant 1 : i32
    %select_n3A_616 = arith.select %eq3A_614, %jit3A_615, %jit3A_612 : i32
    %rem3A_617 = arith.remsi %add3A_575, %select_n3A_616 : i32
    %ne3A_618 = arith.constant 0 : i32
    %ne3A_619 = arith.cmpi ne, %rem3A_617, %ne3A_618 : i32
    %lt3A_620 = arith.constant 0 : i32
    %lt3A_621 = arith.cmpi slt, %rem3A_617, %lt3A_620 : i32
    %lt3A_622 = arith.constant 0 : i32
    %lt3A_623 = arith.cmpi slt, %select_n3A_616, %lt3A_622 : i32
    %ne3A_624 = arith.xori %lt3A_621, %lt3A_623 : i1
    %and3A_625 = arith.andi %ne3A_624, %ne3A_619 : i1
    %add3A_626 = arith.addi %rem3A_617, %select_n3A_616 : i32
    %select_n3A_627 = arith.select %and3A_625, %add3A_626, %rem3A_617 : i32
    %mul3A_628 = arith.constant 64 : i32
    %mul3A_629 = arith.muli %select_n3A_627, %mul3A_628 : i32
    %mul3A_630 = arith.constant 12 : i32
    %mul3A_631 = arith.muli %add3A, %mul3A_630 : i32
    %add3A_632 = arith.constant 11 : i32
    %add3A_633 = arith.addi %mul3A_631, %add3A_632 : i32
    %jit3A_634 = arith.constant 32 : i32
    %div3A_635 = arith.divsi %add3A_633, %jit3A_634 : i32
    %sign3A_636 = arith.constant 0 : i32
    %sign3A_637 = arith.cmpi sgt, %add3A_633, %sign3A_636 : i32
    %sign3A_638 = arith.extui %sign3A_637 : i1 to i32
    %sign3A_639 = arith.constant 0 : i32
    %sign3A_640 = arith.cmpi slt, %add3A_633, %sign3A_639 : i32
    %sign3A_641 = arith.extui %sign3A_640 : i1 to i32
    %sign3A_642 = arith.subi %sign3A_638, %sign3A_641 : i32
    %sign3A_643 = arith.constant 0 : i32
    %sign3A_644 = arith.cmpi sgt, %jit3A_634, %sign3A_643 : i32
    %sign3A_645 = arith.extui %sign3A_644 : i1 to i32
    %sign3A_646 = arith.constant 0 : i32
    %sign3A_647 = arith.cmpi slt, %jit3A_634, %sign3A_646 : i32
    %sign3A_648 = arith.extui %sign3A_647 : i1 to i32
    %sign3A_649 = arith.subi %sign3A_645, %sign3A_648 : i32
    %ne3A_650 = arith.cmpi ne, %sign3A_642, %sign3A_649 : i32
    %rem3A_651 = arith.remsi %add3A_633, %jit3A_634 : i32
    %ne3A_652 = arith.constant 0 : i32
    %ne3A_653 = arith.cmpi ne, %rem3A_651, %ne3A_652 : i32
    %and3A_654 = arith.andi %ne3A_650, %ne3A_653 : i1
    %sub3A_655 = arith.constant 1 : i32
    %sub3A_656 = arith.subi %div3A_635, %sub3A_655 : i32
    %select_n3A_657 = arith.select %and3A_654, %sub3A_656, %div3A_635 : i32
    %ge3A_658 = arith.constant 2 : i32
    %ge3A_659 = arith.cmpi sge, %select_n3A_657, %ge3A_658 : i32
    %jit3A_660 = arith.constant 2 : i32
    %jit3A_661 = arith.constant 0 : i32
    %select_n3A_662 = arith.select %ge3A_659, %jit3A_660, %jit3A_661 : i32
    %add3A_663 = arith.addi %select_n3A_657, %select_n3A_662 : i32
    %ge3A_664 = arith.constant 4 : i32
    %ge3A_665 = arith.cmpi sge, %select_n3A_657, %ge3A_664 : i32
    %jit3A_666 = arith.constant 2 : i32
    %jit3A_667 = arith.constant 0 : i32
    %select_n3A_668 = arith.select %ge3A_665, %jit3A_666, %jit3A_667 : i32
    %add3A_669 = arith.addi %add3A_663, %select_n3A_668 : i32
    %jit3A_670 = arith.constant 32 : i32
    %eq3A_671 = arith.constant 0 : i32
    %eq3A_672 = arith.cmpi eq, %jit3A_670, %eq3A_671 : i32
    %jit3A_673 = arith.constant 1 : i32
    %select_n3A_674 = arith.select %eq3A_672, %jit3A_673, %jit3A_670 : i32
    %rem3A_675 = arith.remsi %add3A_633, %select_n3A_674 : i32
    %ne3A_676 = arith.constant 0 : i32
    %ne3A_677 = arith.cmpi ne, %rem3A_675, %ne3A_676 : i32
    %lt3A_678 = arith.constant 0 : i32
    %lt3A_679 = arith.cmpi slt, %rem3A_675, %lt3A_678 : i32
    %lt3A_680 = arith.constant 0 : i32
    %lt3A_681 = arith.cmpi slt, %select_n3A_674, %lt3A_680 : i32
    %ne3A_682 = arith.xori %lt3A_679, %lt3A_681 : i1
    %and3A_683 = arith.andi %ne3A_682, %ne3A_677 : i1
    %add3A_684 = arith.addi %rem3A_675, %select_n3A_674 : i32
    %select_n3A_685 = arith.select %and3A_683, %add3A_684, %rem3A_675 : i32
    %mul3A_686 = arith.constant 64 : i32
    %mul3A_687 = arith.muli %select_n3A_685, %mul3A_686 : i32
    %jit3A_688 = arith.constant 8 : i32
    %div3A_689 = arith.divsi %add3A, %jit3A_688 : i32
    %sign3A_690 = arith.constant 0 : i32
    %sign3A_691 = arith.cmpi sgt, %add3A, %sign3A_690 : i32
    %sign3A_692 = arith.extui %sign3A_691 : i1 to i32
    %sign3A_693 = arith.constant 0 : i32
    %sign3A_694 = arith.cmpi slt, %add3A, %sign3A_693 : i32
    %sign3A_695 = arith.extui %sign3A_694 : i1 to i32
    %sign3A_696 = arith.subi %sign3A_692, %sign3A_695 : i32
    %sign3A_697 = arith.constant 0 : i32
    %sign3A_698 = arith.cmpi sgt, %jit3A_688, %sign3A_697 : i32
    %sign3A_699 = arith.extui %sign3A_698 : i1 to i32
    %sign3A_700 = arith.constant 0 : i32
    %sign3A_701 = arith.cmpi slt, %jit3A_688, %sign3A_700 : i32
    %sign3A_702 = arith.extui %sign3A_701 : i1 to i32
    %sign3A_703 = arith.subi %sign3A_699, %sign3A_702 : i32
    %ne3A_704 = arith.cmpi ne, %sign3A_696, %sign3A_703 : i32
    %rem3A_705 = arith.remsi %add3A, %jit3A_688 : i32
    %ne3A_706 = arith.constant 0 : i32
    %ne3A_707 = arith.cmpi ne, %rem3A_705, %ne3A_706 : i32
    %and3A_708 = arith.andi %ne3A_704, %ne3A_707 : i1
    %sub3A_709 = arith.constant 1 : i32
    %sub3A_710 = arith.subi %div3A_689, %sub3A_709 : i32
    %select_n3A_711 = arith.select %and3A_708, %sub3A_710, %div3A_689 : i32
    %jit3A_712 = arith.constant 8 : i32
    %eq3A_713 = arith.constant 0 : i32
    %eq3A_714 = arith.cmpi eq, %jit3A_712, %eq3A_713 : i32
    %jit3A_715 = arith.constant 1 : i32
    %select_n3A_716 = arith.select %eq3A_714, %jit3A_715, %jit3A_712 : i32
    %rem3A_717 = arith.remsi %add3A, %select_n3A_716 : i32
    %ne3A_718 = arith.constant 0 : i32
    %ne3A_719 = arith.cmpi ne, %rem3A_717, %ne3A_718 : i32
    %lt3A_720 = arith.constant 0 : i32
    %lt3A_721 = arith.cmpi slt, %rem3A_717, %lt3A_720 : i32
    %lt3A_722 = arith.constant 0 : i32
    %lt3A_723 = arith.cmpi slt, %select_n3A_716, %lt3A_722 : i32
    %ne3A_724 = arith.xori %lt3A_721, %lt3A_723 : i1
    %and3A_725 = arith.andi %ne3A_724, %ne3A_719 : i1
    %add3A_726 = arith.addi %rem3A_717, %select_n3A_716 : i32
    %select_n3A_727 = arith.select %and3A_725, %add3A_726, %rem3A_717 : i32
    %jit3A_728 = arith.constant 2 : i32
    %eq3A_729 = arith.constant 0 : i32
    %eq3A_730 = arith.cmpi eq, %jit3A_728, %eq3A_729 : i32
    %jit3A_731 = arith.constant 1 : i32
    %select_n3A_732 = arith.select %eq3A_730, %jit3A_731, %jit3A_728 : i32
    %rem3A_733 = arith.remsi %select_n3A_711, %select_n3A_732 : i32
    %ne3A_734 = arith.constant 0 : i32
    %ne3A_735 = arith.cmpi ne, %rem3A_733, %ne3A_734 : i32
    %lt3A_736 = arith.constant 0 : i32
    %lt3A_737 = arith.cmpi slt, %rem3A_733, %lt3A_736 : i32
    %lt3A_738 = arith.constant 0 : i32
    %lt3A_739 = arith.cmpi slt, %select_n3A_732, %lt3A_738 : i32
    %ne3A_740 = arith.xori %lt3A_737, %lt3A_739 : i1
    %and3A_741 = arith.andi %ne3A_740, %ne3A_735 : i1
    %add3A_742 = arith.addi %rem3A_733, %select_n3A_732 : i32
    %select_n3A_743 = arith.select %and3A_741, %add3A_742, %rem3A_733 : i32
    %add3A_744 = arith.constant 2 : i32
    %add3A_745 = arith.addi %add3A_744, %select_n3A_743 : i32
    %jit3A_746 = arith.constant 2 : i32
    %div3A_747 = arith.divsi %select_n3A_711, %jit3A_746 : i32
    %sign3A_748 = arith.constant 0 : i32
    %sign3A_749 = arith.cmpi sgt, %select_n3A_711, %sign3A_748 : i32
    %sign3A_750 = arith.extui %sign3A_749 : i1 to i32
    %sign3A_751 = arith.constant 0 : i32
    %sign3A_752 = arith.cmpi slt, %select_n3A_711, %sign3A_751 : i32
    %sign3A_753 = arith.extui %sign3A_752 : i1 to i32
    %sign3A_754 = arith.subi %sign3A_750, %sign3A_753 : i32
    %sign3A_755 = arith.constant 0 : i32
    %sign3A_756 = arith.cmpi sgt, %jit3A_746, %sign3A_755 : i32
    %sign3A_757 = arith.extui %sign3A_756 : i1 to i32
    %sign3A_758 = arith.constant 0 : i32
    %sign3A_759 = arith.cmpi slt, %jit3A_746, %sign3A_758 : i32
    %sign3A_760 = arith.extui %sign3A_759 : i1 to i32
    %sign3A_761 = arith.subi %sign3A_757, %sign3A_760 : i32
    %ne3A_762 = arith.cmpi ne, %sign3A_754, %sign3A_761 : i32
    %rem3A_763 = arith.remsi %select_n3A_711, %jit3A_746 : i32
    %ne3A_764 = arith.constant 0 : i32
    %ne3A_765 = arith.cmpi ne, %rem3A_763, %ne3A_764 : i32
    %and3A_766 = arith.andi %ne3A_762, %ne3A_765 : i1
    %sub3A_767 = arith.constant 1 : i32
    %sub3A_768 = arith.subi %div3A_747, %sub3A_767 : i32
    %select_n3A_769 = arith.select %and3A_766, %sub3A_768, %div3A_747 : i32
    %mul3A_770 = arith.constant 4 : i32
    %mul3A_771 = arith.muli %mul3A_770, %select_n3A_769 : i32
    %add3A_772 = arith.addi %add3A_745, %mul3A_771 : i32
    %mul3A_773 = arith.constant 256 : i32
    %mul3A_774 = arith.muli %select_n3A_727, %mul3A_773 : i32
    %dma_wait3A = arith.constant 0 : i32
    %dma_wait3A_775 = tpu.memref_slice %arg9[%dma_wait3A] : memref<10x!tpu.dma_semaphore, #tpu.memory_space<semaphore_mem>> -> memref<1x!tpu.dma_semaphore, #tpu.memory_space<semaphore_mem>>
    %dma_wait3A_776 = tpu.memref_squeeze %dma_wait3A_775 : memref<1x!tpu.dma_semaphore, #tpu.memory_space<semaphore_mem>> -> memref<!tpu.dma_semaphore, #tpu.memory_space<semaphore_mem>>
    tpu.wait_dma2 semaphore(%dma_wait3A_776 : memref<!tpu.dma_semaphore, #tpu.memory_space<semaphore_mem>>) src(%arg3 : memref<32x4x128xf32, #tpu.memory_space<hbm>>) dst(%arg6 : memref<32x4x128xf32, #tpu.memory_space<vmem>>)
    %lt3A_777 = arith.constant 7 : i32
    %lt3A_778 = arith.cmpi slt, %select_n3A_727, %lt3A_777 : i32
    %convert_element_type3A = arith.extui %lt3A_778 : i1 to i32
    %cond3A = arith.constant 0 : i32
    %cond3A_779 = arith.cmpi ne, %convert_element_type3A, %cond3A : i32
    scf.if %cond3A_779 {
      %add3A_1829 = arith.constant 0 : i32
      %add3A_1830 = arith.addi %mul3A_774, %add3A_1829 : i32
      %dma_start3A_1831 = arith.constant 1 : i32
      %dma_start3A_1832 = arith.constant 0 : i32
      %dma_start3A_1833 = arith.constant 0 : i32
      %dma_start3A_1834 = tpu.memref_slice %arg4[%add3A_772, %add3A_1830, %dma_start3A_1832, %dma_start3A_1833] : memref<16x2048x4x128xf32, #tpu.memory_space<hbm>> -> memref<1x32x4x128xf32, #tpu.memory_space<hbm>>
      %dma_start3A_1835 = tpu.memref_squeeze %dma_start3A_1834 : memref<1x32x4x128xf32, #tpu.memory_space<hbm>> -> memref<32x4x128xf32, #tpu.memory_space<hbm>>
      %dma_start3A_1836 = tpu.memref_slice %arg9[%dma_start3A_1831] : memref<10x!tpu.dma_semaphore, #tpu.memory_space<semaphore_mem>> -> memref<1x!tpu.dma_semaphore, #tpu.memory_space<semaphore_mem>>
      %dma_start3A_1837 = tpu.memref_squeeze %dma_start3A_1836 : memref<1x!tpu.dma_semaphore, #tpu.memory_space<semaphore_mem>> -> memref<!tpu.dma_semaphore, #tpu.memory_space<semaphore_mem>>
      %dma_start3A_1838 = arith.constant 0 : i32
      %dma_start3A_1839 = arith.constant 0 : i32
      %dma_start3A_1840 = tpu.memref_slice %arg4[%add3A_772, %add3A_1830, %dma_start3A_1838, %dma_start3A_1839] : memref<16x2048x4x128xf32, #tpu.memory_space<hbm>> -> memref<1x32x4x128xf32, #tpu.memory_space<hbm>>
      %dma_start3A_1841 = tpu.memref_squeeze %dma_start3A_1840 : memref<1x32x4x128xf32, #tpu.memory_space<hbm>> -> memref<32x4x128xf32, #tpu.memory_space<hbm>>
      tpu.enqueue_dma source(%arg6 : memref<32x4x128xf32, #tpu.memory_space<vmem>>) target(%dma_start3A_1841 : memref<32x4x128xf32, #tpu.memory_space<hbm>>) target_semaphore(%dma_start3A_1837 : memref<!tpu.dma_semaphore, #tpu.memory_space<semaphore_mem>>)
      %add3A_1842 = arith.constant 32 : i32
      %add3A_1843 = arith.addi %mul3A_774, %add3A_1842 : i32
      %dma_start3A_1844 = arith.constant 2 : i32
      %dma_start3A_1845 = arith.constant 0 : i32
      %dma_start3A_1846 = arith.constant 0 : i32
      %dma_start3A_1847 = tpu.memref_slice %arg4[%add3A_772, %add3A_1843, %dma_start3A_1845, %dma_start3A_1846] : memref<16x2048x4x128xf32, #tpu.memory_space<hbm>> -> memref<1x32x4x128xf32, #tpu.memory_space<hbm>>
      %dma_start3A_1848 = tpu.memref_squeeze %dma_start3A_1847 : memref<1x32x4x128xf32, #tpu.memory_space<hbm>> -> memref<32x4x128xf32, #tpu.memory_space<hbm>>
      %dma_start3A_1849 = tpu.memref_slice %arg9[%dma_start3A_1844] : memref<10x!tpu.dma_semaphore, #tpu.memory_space<semaphore_mem>> -> memref<1x!tpu.dma_semaphore, #tpu.memory_space<semaphore_mem>>
      %dma_start3A_1850 = tpu.memref_squeeze %dma_start3A_1849 : memref<1x!tpu.dma_semaphore, #tpu.memory_space<semaphore_mem>> -> memref<!tpu.dma_semaphore, #tpu.memory_space<semaphore_mem>>
      %dma_start3A_1851 = arith.constant 0 : i32
      %dma_start3A_1852 = arith.constant 0 : i32
      %dma_start3A_1853 = tpu.memref_slice %arg4[%add3A_772, %add3A_1843, %dma_start3A_1851, %dma_start3A_1852] : memref<16x2048x4x128xf32, #tpu.memory_space<hbm>> -> memref<1x32x4x128xf32, #tpu.memory_space<hbm>>
      %dma_start3A_1854 = tpu.memref_squeeze %dma_start3A_1853 : memref<1x32x4x128xf32, #tpu.memory_space<hbm>> -> memref<32x4x128xf32, #tpu.memory_space<hbm>>
      tpu.enqueue_dma source(%arg6 : memref<32x4x128xf32, #tpu.memory_space<vmem>>) target(%dma_start3A_1854 : memref<32x4x128xf32, #tpu.memory_space<hbm>>) target_semaphore(%dma_start3A_1850 : memref<!tpu.dma_semaphore, #tpu.memory_space<semaphore_mem>>)
      %add3A_1855 = arith.constant 64 : i32
      %add3A_1856 = arith.addi %mul3A_774, %add3A_1855 : i32
      %dma_start3A_1857 = arith.constant 3 : i32
      %dma_start3A_1858 = arith.constant 0 : i32
      %dma_start3A_1859 = arith.constant 0 : i32
      %dma_start3A_1860 = tpu.memref_slice %arg4[%add3A_772, %add3A_1856, %dma_start3A_1858, %dma_start3A_1859] : memref<16x2048x4x128xf32, #tpu.memory_space<hbm>> -> memref<1x32x4x128xf32, #tpu.memory_space<hbm>>
      %dma_start3A_1861 = tpu.memref_squeeze %dma_start3A_1860 : memref<1x32x4x128xf32, #tpu.memory_space<hbm>> -> memref<32x4x128xf32, #tpu.memory_space<hbm>>
      %dma_start3A_1862 = tpu.memref_slice %arg9[%dma_start3A_1857] : memref<10x!tpu.dma_semaphore, #tpu.memory_space<semaphore_mem>> -> memref<1x!tpu.dma_semaphore, #tpu.memory_space<semaphore_mem>>
      %dma_start3A_1863 = tpu.memref_squeeze %dma_start3A_1862 : memref<1x!tpu.dma_semaphore, #tpu.memory_space<semaphore_mem>> -> memref<!tpu.dma_semaphore, #tpu.memory_space<semaphore_mem>>
      %dma_start3A_1864 = arith.constant 0 : i32
      %dma_start3A_1865 = arith.constant 0 : i32
      %dma_start3A_1866 = tpu.memref_slice %arg4[%add3A_772, %add3A_1856, %dma_start3A_1864, %dma_start3A_1865] : memref<16x2048x4x128xf32, #tpu.memory_space<hbm>> -> memref<1x32x4x128xf32, #tpu.memory_space<hbm>>
      %dma_start3A_1867 = tpu.memref_squeeze %dma_start3A_1866 : memref<1x32x4x128xf32, #tpu.memory_space<hbm>> -> memref<32x4x128xf32, #tpu.memory_space<hbm>>
      tpu.enqueue_dma source(%arg6 : memref<32x4x128xf32, #tpu.memory_space<vmem>>) target(%dma_start3A_1867 : memref<32x4x128xf32, #tpu.memory_space<hbm>>) target_semaphore(%dma_start3A_1863 : memref<!tpu.dma_semaphore, #tpu.memory_space<semaphore_mem>>)
      %add3A_1868 = arith.constant 96 : i32
      %add3A_1869 = arith.addi %mul3A_774, %add3A_1868 : i32
      %dma_start3A_1870 = arith.constant 4 : i32
      %dma_start3A_1871 = arith.constant 0 : i32
      %dma_start3A_1872 = arith.constant 0 : i32
      %dma_start3A_1873 = tpu.memref_slice %arg4[%add3A_772, %add3A_1869, %dma_start3A_1871, %dma_start3A_1872] : memref<16x2048x4x128xf32, #tpu.memory_space<hbm>> -> memref<1x32x4x128xf32, #tpu.memory_space<hbm>>
      %dma_start3A_1874 = tpu.memref_squeeze %dma_start3A_1873 : memref<1x32x4x128xf32, #tpu.memory_space<hbm>> -> memref<32x4x128xf32, #tpu.memory_space<hbm>>
      %dma_start3A_1875 = tpu.memref_slice %arg9[%dma_start3A_1870] : memref<10x!tpu.dma_semaphore, #tpu.memory_space<semaphore_mem>> -> memref<1x!tpu.dma_semaphore, #tpu.memory_space<semaphore_mem>>
      %dma_start3A_1876 = tpu.memref_squeeze %dma_start3A_1875 : memref<1x!tpu.dma_semaphore, #tpu.memory_space<semaphore_mem>> -> memref<!tpu.dma_semaphore, #tpu.memory_space<semaphore_mem>>
      %dma_start3A_1877 = arith.constant 0 : i32
      %dma_start3A_1878 = arith.constant 0 : i32
      %dma_start3A_1879 = tpu.memref_slice %arg4[%add3A_772, %add3A_1869, %dma_start3A_1877, %dma_start3A_1878] : memref<16x2048x4x128xf32, #tpu.memory_space<hbm>> -> memref<1x32x4x128xf32, #tpu.memory_space<hbm>>
      %dma_start3A_1880 = tpu.memref_squeeze %dma_start3A_1879 : memref<1x32x4x128xf32, #tpu.memory_space<hbm>> -> memref<32x4x128xf32, #tpu.memory_space<hbm>>
      tpu.enqueue_dma source(%arg6 : memref<32x4x128xf32, #tpu.memory_space<vmem>>) target(%dma_start3A_1880 : memref<32x4x128xf32, #tpu.memory_space<hbm>>) target_semaphore(%dma_start3A_1876 : memref<!tpu.dma_semaphore, #tpu.memory_space<semaphore_mem>>)
      %add3A_1881 = arith.constant 128 : i32
      %add3A_1882 = arith.addi %mul3A_774, %add3A_1881 : i32
      %dma_start3A_1883 = arith.constant 5 : i32
      %dma_start3A_1884 = arith.constant 0 : i32
      %dma_start3A_1885 = arith.constant 0 : i32
      %dma_start3A_1886 = tpu.memref_slice %arg4[%add3A_772, %add3A_1882, %dma_start3A_1884, %dma_start3A_1885] : memref<16x2048x4x128xf32, #tpu.memory_space<hbm>> -> memref<1x32x4x128xf32, #tpu.memory_space<hbm>>
      %dma_start3A_1887 = tpu.memref_squeeze %dma_start3A_1886 : memref<1x32x4x128xf32, #tpu.memory_space<hbm>> -> memref<32x4x128xf32, #tpu.memory_space<hbm>>
      %dma_start3A_1888 = tpu.memref_slice %arg9[%dma_start3A_1883] : memref<10x!tpu.dma_semaphore, #tpu.memory_space<semaphore_mem>> -> memref<1x!tpu.dma_semaphore, #tpu.memory_space<semaphore_mem>>
      %dma_start3A_1889 = tpu.memref_squeeze %dma_start3A_1888 : memref<1x!tpu.dma_semaphore, #tpu.memory_space<semaphore_mem>> -> memref<!tpu.dma_semaphore, #tpu.memory_space<semaphore_mem>>
      %dma_start3A_1890 = arith.constant 0 : i32
      %dma_start3A_1891 = arith.constant 0 : i32
      %dma_start3A_1892 = tpu.memref_slice %arg4[%add3A_772, %add3A_1882, %dma_start3A_1890, %dma_start3A_1891] : memref<16x2048x4x128xf32, #tpu.memory_space<hbm>> -> memref<1x32x4x128xf32, #tpu.memory_space<hbm>>
      %dma_start3A_1893 = tpu.memref_squeeze %dma_start3A_1892 : memref<1x32x4x128xf32, #tpu.memory_space<hbm>> -> memref<32x4x128xf32, #tpu.memory_space<hbm>>
      tpu.enqueue_dma source(%arg6 : memref<32x4x128xf32, #tpu.memory_space<vmem>>) target(%dma_start3A_1893 : memref<32x4x128xf32, #tpu.memory_space<hbm>>) target_semaphore(%dma_start3A_1889 : memref<!tpu.dma_semaphore, #tpu.memory_space<semaphore_mem>>)
      %add3A_1894 = arith.constant 160 : i32
      %add3A_1895 = arith.addi %mul3A_774, %add3A_1894 : i32
      %dma_start3A_1896 = arith.constant 6 : i32
      %dma_start3A_1897 = arith.constant 0 : i32
      %dma_start3A_1898 = arith.constant 0 : i32
      %dma_start3A_1899 = tpu.memref_slice %arg4[%add3A_772, %add3A_1895, %dma_start3A_1897, %dma_start3A_1898] : memref<16x2048x4x128xf32, #tpu.memory_space<hbm>> -> memref<1x32x4x128xf32, #tpu.memory_space<hbm>>
      %dma_start3A_1900 = tpu.memref_squeeze %dma_start3A_1899 : memref<1x32x4x128xf32, #tpu.memory_space<hbm>> -> memref<32x4x128xf32, #tpu.memory_space<hbm>>
      %dma_start3A_1901 = tpu.memref_slice %arg9[%dma_start3A_1896] : memref<10x!tpu.dma_semaphore, #tpu.memory_space<semaphore_mem>> -> memref<1x!tpu.dma_semaphore, #tpu.memory_space<semaphore_mem>>
      %dma_start3A_1902 = tpu.memref_squeeze %dma_start3A_1901 : memref<1x!tpu.dma_semaphore, #tpu.memory_space<semaphore_mem>> -> memref<!tpu.dma_semaphore, #tpu.memory_space<semaphore_mem>>
      %dma_start3A_1903 = arith.constant 0 : i32
      %dma_start3A_1904 = arith.constant 0 : i32
      %dma_start3A_1905 = tpu.memref_slice %arg4[%add3A_772, %add3A_1895, %dma_start3A_1903, %dma_start3A_1904] : memref<16x2048x4x128xf32, #tpu.memory_space<hbm>> -> memref<1x32x4x128xf32, #tpu.memory_space<hbm>>
      %dma_start3A_1906 = tpu.memref_squeeze %dma_start3A_1905 : memref<1x32x4x128xf32, #tpu.memory_space<hbm>> -> memref<32x4x128xf32, #tpu.memory_space<hbm>>
      tpu.enqueue_dma source(%arg6 : memref<32x4x128xf32, #tpu.memory_space<vmem>>) target(%dma_start3A_1906 : memref<32x4x128xf32, #tpu.memory_space<hbm>>) target_semaphore(%dma_start3A_1902 : memref<!tpu.dma_semaphore, #tpu.memory_space<semaphore_mem>>)
      %add3A_1907 = arith.constant 192 : i32
      %add3A_1908 = arith.addi %mul3A_774, %add3A_1907 : i32
      %dma_start3A_1909 = arith.constant 7 : i32
      %dma_start3A_1910 = arith.constant 0 : i32
      %dma_start3A_1911 = arith.constant 0 : i32
      %dma_start3A_1912 = tpu.memref_slice %arg4[%add3A_772, %add3A_1908, %dma_start3A_1910, %dma_start3A_1911] : memref<16x2048x4x128xf32, #tpu.memory_space<hbm>> -> memref<1x32x4x128xf32, #tpu.memory_space<hbm>>
      %dma_start3A_1913 = tpu.memref_squeeze %dma_start3A_1912 : memref<1x32x4x128xf32, #tpu.memory_space<hbm>> -> memref<32x4x128xf32, #tpu.memory_space<hbm>>
      %dma_start3A_1914 = tpu.memref_slice %arg9[%dma_start3A_1909] : memref<10x!tpu.dma_semaphore, #tpu.memory_space<semaphore_mem>> -> memref<1x!tpu.dma_semaphore, #tpu.memory_space<semaphore_mem>>
      %dma_start3A_1915 = tpu.memref_squeeze %dma_start3A_1914 : memref<1x!tpu.dma_semaphore, #tpu.memory_space<semaphore_mem>> -> memref<!tpu.dma_semaphore, #tpu.memory_space<semaphore_mem>>
      %dma_start3A_1916 = arith.constant 0 : i32
      %dma_start3A_1917 = arith.constant 0 : i32
      %dma_start3A_1918 = tpu.memref_slice %arg4[%add3A_772, %add3A_1908, %dma_start3A_1916, %dma_start3A_1917] : memref<16x2048x4x128xf32, #tpu.memory_space<hbm>> -> memref<1x32x4x128xf32, #tpu.memory_space<hbm>>
      %dma_start3A_1919 = tpu.memref_squeeze %dma_start3A_1918 : memref<1x32x4x128xf32, #tpu.memory_space<hbm>> -> memref<32x4x128xf32, #tpu.memory_space<hbm>>
      tpu.enqueue_dma source(%arg6 : memref<32x4x128xf32, #tpu.memory_space<vmem>>) target(%dma_start3A_1919 : memref<32x4x128xf32, #tpu.memory_space<hbm>>) target_semaphore(%dma_start3A_1915 : memref<!tpu.dma_semaphore, #tpu.memory_space<semaphore_mem>>)
      %add3A_1920 = arith.constant 224 : i32
      %add3A_1921 = arith.addi %mul3A_774, %add3A_1920 : i32
      %dma_start3A_1922 = arith.constant 8 : i32
      %dma_start3A_1923 = arith.constant 0 : i32
      %dma_start3A_1924 = arith.constant 0 : i32
      %dma_start3A_1925 = tpu.memref_slice %arg4[%add3A_772, %add3A_1921, %dma_start3A_1923, %dma_start3A_1924] : memref<16x2048x4x128xf32, #tpu.memory_space<hbm>> -> memref<1x32x4x128xf32, #tpu.memory_space<hbm>>
      %dma_start3A_1926 = tpu.memref_squeeze %dma_start3A_1925 : memref<1x32x4x128xf32, #tpu.memory_space<hbm>> -> memref<32x4x128xf32, #tpu.memory_space<hbm>>
      %dma_start3A_1927 = tpu.memref_slice %arg9[%dma_start3A_1922] : memref<10x!tpu.dma_semaphore, #tpu.memory_space<semaphore_mem>> -> memref<1x!tpu.dma_semaphore, #tpu.memory_space<semaphore_mem>>
      %dma_start3A_1928 = tpu.memref_squeeze %dma_start3A_1927 : memref<1x!tpu.dma_semaphore, #tpu.memory_space<semaphore_mem>> -> memref<!tpu.dma_semaphore, #tpu.memory_space<semaphore_mem>>
      %dma_start3A_1929 = arith.constant 0 : i32
      %dma_start3A_1930 = arith.constant 0 : i32
      %dma_start3A_1931 = tpu.memref_slice %arg4[%add3A_772, %add3A_1921, %dma_start3A_1929, %dma_start3A_1930] : memref<16x2048x4x128xf32, #tpu.memory_space<hbm>> -> memref<1x32x4x128xf32, #tpu.memory_space<hbm>>
      %dma_start3A_1932 = tpu.memref_squeeze %dma_start3A_1931 : memref<1x32x4x128xf32, #tpu.memory_space<hbm>> -> memref<32x4x128xf32, #tpu.memory_space<hbm>>
      tpu.enqueue_dma source(%arg6 : memref<32x4x128xf32, #tpu.memory_space<vmem>>) target(%dma_start3A_1932 : memref<32x4x128xf32, #tpu.memory_space<hbm>>) target_semaphore(%dma_start3A_1928 : memref<!tpu.dma_semaphore, #tpu.memory_space<semaphore_mem>>)
    } else {
    }
    %eq3A_780 = arith.constant 7 : i32
    %eq3A_781 = arith.cmpi eq, %select_n3A_727, %eq3A_780 : i32
    %convert_element_type3A_782 = arith.extui %eq3A_781 : i1 to i32
    %cond3A_783 = arith.constant 0 : i32
    %cond3A_784 = arith.cmpi ne, %convert_element_type3A_782, %cond3A_783 : i32
    scf.if %cond3A_784 {
      %add3A_1829 = arith.constant 0 : i32
      %add3A_1830 = arith.addi %mul3A_774, %add3A_1829 : i32
      %dma_start3A_1831 = arith.constant 1 : i32
      %dma_start3A_1832 = arith.constant 0 : i32
      %dma_start3A_1833 = arith.constant 0 : i32
      %dma_start3A_1834 = tpu.memref_slice %arg4[%add3A_772, %add3A_1830, %dma_start3A_1832, %dma_start3A_1833] : memref<16x2048x4x128xf32, #tpu.memory_space<hbm>> -> memref<1x32x4x128xf32, #tpu.memory_space<hbm>>
      %dma_start3A_1835 = tpu.memref_squeeze %dma_start3A_1834 : memref<1x32x4x128xf32, #tpu.memory_space<hbm>> -> memref<32x4x128xf32, #tpu.memory_space<hbm>>
      %dma_start3A_1836 = tpu.memref_slice %arg9[%dma_start3A_1831] : memref<10x!tpu.dma_semaphore, #tpu.memory_space<semaphore_mem>> -> memref<1x!tpu.dma_semaphore, #tpu.memory_space<semaphore_mem>>
      %dma_start3A_1837 = tpu.memref_squeeze %dma_start3A_1836 : memref<1x!tpu.dma_semaphore, #tpu.memory_space<semaphore_mem>> -> memref<!tpu.dma_semaphore, #tpu.memory_space<semaphore_mem>>
      %dma_start3A_1838 = arith.constant 0 : i32
      %dma_start3A_1839 = arith.constant 0 : i32
      %dma_start3A_1840 = tpu.memref_slice %arg4[%add3A_772, %add3A_1830, %dma_start3A_1838, %dma_start3A_1839] : memref<16x2048x4x128xf32, #tpu.memory_space<hbm>> -> memref<1x32x4x128xf32, #tpu.memory_space<hbm>>
      %dma_start3A_1841 = tpu.memref_squeeze %dma_start3A_1840 : memref<1x32x4x128xf32, #tpu.memory_space<hbm>> -> memref<32x4x128xf32, #tpu.memory_space<hbm>>
      tpu.enqueue_dma source(%arg6 : memref<32x4x128xf32, #tpu.memory_space<vmem>>) target(%dma_start3A_1841 : memref<32x4x128xf32, #tpu.memory_space<hbm>>) target_semaphore(%dma_start3A_1837 : memref<!tpu.dma_semaphore, #tpu.memory_space<semaphore_mem>>)
      %add3A_1842 = arith.constant 32 : i32
      %add3A_1843 = arith.addi %mul3A_774, %add3A_1842 : i32
      %dma_start3A_1844 = arith.constant 2 : i32
      %dma_start3A_1845 = arith.constant 0 : i32
      %dma_start3A_1846 = arith.constant 0 : i32
      %dma_start3A_1847 = tpu.memref_slice %arg4[%add3A_772, %add3A_1843, %dma_start3A_1845, %dma_start3A_1846] : memref<16x2048x4x128xf32, #tpu.memory_space<hbm>> -> memref<1x32x4x128xf32, #tpu.memory_space<hbm>>
      %dma_start3A_1848 = tpu.memref_squeeze %dma_start3A_1847 : memref<1x32x4x128xf32, #tpu.memory_space<hbm>> -> memref<32x4x128xf32, #tpu.memory_space<hbm>>
      %dma_start3A_1849 = tpu.memref_slice %arg9[%dma_start3A_1844] : memref<10x!tpu.dma_semaphore, #tpu.memory_space<semaphore_mem>> -> memref<1x!tpu.dma_semaphore, #tpu.memory_space<semaphore_mem>>
      %dma_start3A_1850 = tpu.memref_squeeze %dma_start3A_1849 : memref<1x!tpu.dma_semaphore, #tpu.memory_space<semaphore_mem>> -> memref<!tpu.dma_semaphore, #tpu.memory_space<semaphore_mem>>
      %dma_start3A_1851 = arith.constant 0 : i32
      %dma_start3A_1852 = arith.constant 0 : i32
      %dma_start3A_1853 = tpu.memref_slice %arg4[%add3A_772, %add3A_1843, %dma_start3A_1851, %dma_start3A_1852] : memref<16x2048x4x128xf32, #tpu.memory_space<hbm>> -> memref<1x32x4x128xf32, #tpu.memory_space<hbm>>
      %dma_start3A_1854 = tpu.memref_squeeze %dma_start3A_1853 : memref<1x32x4x128xf32, #tpu.memory_space<hbm>> -> memref<32x4x128xf32, #tpu.memory_space<hbm>>
      tpu.enqueue_dma source(%arg6 : memref<32x4x128xf32, #tpu.memory_space<vmem>>) target(%dma_start3A_1854 : memref<32x4x128xf32, #tpu.memory_space<hbm>>) target_semaphore(%dma_start3A_1850 : memref<!tpu.dma_semaphore, #tpu.memory_space<semaphore_mem>>)
      %add3A_1855 = arith.constant 64 : i32
      %add3A_1856 = arith.addi %mul3A_774, %add3A_1855 : i32
      %dma_start3A_1857 = arith.constant 3 : i32
      %dma_start3A_1858 = arith.constant 0 : i32
      %dma_start3A_1859 = arith.constant 0 : i32
      %dma_start3A_1860 = tpu.memref_slice %arg4[%add3A_772, %add3A_1856, %dma_start3A_1858, %dma_start3A_1859] : memref<16x2048x4x128xf32, #tpu.memory_space<hbm>> -> memref<1x32x4x128xf32, #tpu.memory_space<hbm>>
      %dma_start3A_1861 = tpu.memref_squeeze %dma_start3A_1860 : memref<1x32x4x128xf32, #tpu.memory_space<hbm>> -> memref<32x4x128xf32, #tpu.memory_space<hbm>>
      %dma_start3A_1862 = tpu.memref_slice %arg9[%dma_start3A_1857] : memref<10x!tpu.dma_semaphore, #tpu.memory_space<semaphore_mem>> -> memref<1x!tpu.dma_semaphore, #tpu.memory_space<semaphore_mem>>
      %dma_start3A_1863 = tpu.memref_squeeze %dma_start3A_1862 : memref<1x!tpu.dma_semaphore, #tpu.memory_space<semaphore_mem>> -> memref<!tpu.dma_semaphore, #tpu.memory_space<semaphore_mem>>
      %dma_start3A_1864 = arith.constant 0 : i32
      %dma_start3A_1865 = arith.constant 0 : i32
      %dma_start3A_1866 = tpu.memref_slice %arg4[%add3A_772, %add3A_1856, %dma_start3A_1864, %dma_start3A_1865] : memref<16x2048x4x128xf32, #tpu.memory_space<hbm>> -> memref<1x32x4x128xf32, #tpu.memory_space<hbm>>
      %dma_start3A_1867 = tpu.memref_squeeze %dma_start3A_1866 : memref<1x32x4x128xf32, #tpu.memory_space<hbm>> -> memref<32x4x128xf32, #tpu.memory_space<hbm>>
      tpu.enqueue_dma source(%arg6 : memref<32x4x128xf32, #tpu.memory_space<vmem>>) target(%dma_start3A_1867 : memref<32x4x128xf32, #tpu.memory_space<hbm>>) target_semaphore(%dma_start3A_1863 : memref<!tpu.dma_semaphore, #tpu.memory_space<semaphore_mem>>)
      %add3A_1868 = arith.constant 96 : i32
      %add3A_1869 = arith.addi %mul3A_774, %add3A_1868 : i32
      %dma_start3A_1870 = arith.constant 4 : i32
      %dma_start3A_1871 = arith.constant 0 : i32
      %dma_start3A_1872 = arith.constant 0 : i32
      %dma_start3A_1873 = tpu.memref_slice %arg4[%add3A_772, %add3A_1869, %dma_start3A_1871, %dma_start3A_1872] : memref<16x2048x4x128xf32, #tpu.memory_space<hbm>> -> memref<1x32x4x128xf32, #tpu.memory_space<hbm>>
      %dma_start3A_1874 = tpu.memref_squeeze %dma_start3A_1873 : memref<1x32x4x128xf32, #tpu.memory_space<hbm>> -> memref<32x4x128xf32, #tpu.memory_space<hbm>>
      %dma_start3A_1875 = tpu.memref_slice %arg9[%dma_start3A_1870] : memref<10x!tpu.dma_semaphore, #tpu.memory_space<semaphore_mem>> -> memref<1x!tpu.dma_semaphore, #tpu.memory_space<semaphore_mem>>
      %dma_start3A_1876 = tpu.memref_squeeze %dma_start3A_1875 : memref<1x!tpu.dma_semaphore, #tpu.memory_space<semaphore_mem>> -> memref<!tpu.dma_semaphore, #tpu.memory_space<semaphore_mem>>
      %dma_start3A_1877 = arith.constant 0 : i32
      %dma_start3A_1878 = arith.constant 0 : i32
      %dma_start3A_1879 = tpu.memref_slice %arg4[%add3A_772, %add3A_1869, %dma_start3A_1877, %dma_start3A_1878] : memref<16x2048x4x128xf32, #tpu.memory_space<hbm>> -> memref<1x32x4x128xf32, #tpu.memory_space<hbm>>
      %dma_start3A_1880 = tpu.memref_squeeze %dma_start3A_1879 : memref<1x32x4x128xf32, #tpu.memory_space<hbm>> -> memref<32x4x128xf32, #tpu.memory_space<hbm>>
      tpu.enqueue_dma source(%arg6 : memref<32x4x128xf32, #tpu.memory_space<vmem>>) target(%dma_start3A_1880 : memref<32x4x128xf32, #tpu.memory_space<hbm>>) target_semaphore(%dma_start3A_1876 : memref<!tpu.dma_semaphore, #tpu.memory_space<semaphore_mem>>)
      %add3A_1881 = arith.constant 128 : i32
      %add3A_1882 = arith.addi %mul3A_774, %add3A_1881 : i32
      %dma_start3A_1883 = arith.constant 5 : i32
      %dma_start3A_1884 = arith.constant 0 : i32
      %dma_start3A_1885 = arith.constant 0 : i32
      %dma_start3A_1886 = tpu.memref_slice %arg4[%add3A_772, %add3A_1882, %dma_start3A_1884, %dma_start3A_1885] : memref<16x2048x4x128xf32, #tpu.memory_space<hbm>> -> memref<1x32x4x128xf32, #tpu.memory_space<hbm>>
      %dma_start3A_1887 = tpu.memref_squeeze %dma_start3A_1886 : memref<1x32x4x128xf32, #tpu.memory_space<hbm>> -> memref<32x4x128xf32, #tpu.memory_space<hbm>>
      %dma_start3A_1888 = tpu.memref_slice %arg9[%dma_start3A_1883] : memref<10x!tpu.dma_semaphore, #tpu.memory_space<semaphore_mem>> -> memref<1x!tpu.dma_semaphore, #tpu.memory_space<semaphore_mem>>
      %dma_start3A_1889 = tpu.memref_squeeze %dma_start3A_1888 : memref<1x!tpu.dma_semaphore, #tpu.memory_space<semaphore_mem>> -> memref<!tpu.dma_semaphore, #tpu.memory_space<semaphore_mem>>
      %dma_start3A_1890 = arith.constant 0 : i32
      %dma_start3A_1891 = arith.constant 0 : i32
      %dma_start3A_1892 = tpu.memref_slice %arg4[%add3A_772, %add3A_1882, %dma_start3A_1890, %dma_start3A_1891] : memref<16x2048x4x128xf32, #tpu.memory_space<hbm>> -> memref<1x32x4x128xf32, #tpu.memory_space<hbm>>
      %dma_start3A_1893 = tpu.memref_squeeze %dma_start3A_1892 : memref<1x32x4x128xf32, #tpu.memory_space<hbm>> -> memref<32x4x128xf32, #tpu.memory_space<hbm>>
      tpu.enqueue_dma source(%arg6 : memref<32x4x128xf32, #tpu.memory_space<vmem>>) target(%dma_start3A_1893 : memref<32x4x128xf32, #tpu.memory_space<hbm>>) target_semaphore(%dma_start3A_1889 : memref<!tpu.dma_semaphore, #tpu.memory_space<semaphore_mem>>)
      %add3A_1894 = arith.constant 160 : i32
      %add3A_1895 = arith.addi %mul3A_774, %add3A_1894 : i32
      %dma_start3A_1896 = arith.constant 6 : i32
      %dma_start3A_1897 = arith.constant 0 : i32
      %dma_start3A_1898 = arith.constant 0 : i32
      %dma_start3A_1899 = tpu.memref_slice %arg4[%add3A_772, %add3A_1895, %dma_start3A_1897, %dma_start3A_1898] : memref<16x2048x4x128xf32, #tpu.memory_space<hbm>> -> memref<1x32x4x128xf32, #tpu.memory_space<hbm>>
      %dma_start3A_1900 = tpu.memref_squeeze %dma_start3A_1899 : memref<1x32x4x128xf32, #tpu.memory_space<hbm>> -> memref<32x4x128xf32, #tpu.memory_space<hbm>>
      %dma_start3A_1901 = tpu.memref_slice %arg9[%dma_start3A_1896] : memref<10x!tpu.dma_semaphore, #tpu.memory_space<semaphore_mem>> -> memref<1x!tpu.dma_semaphore, #tpu.memory_space<semaphore_mem>>
      %dma_start3A_1902 = tpu.memref_squeeze %dma_start3A_1901 : memref<1x!tpu.dma_semaphore, #tpu.memory_space<semaphore_mem>> -> memref<!tpu.dma_semaphore, #tpu.memory_space<semaphore_mem>>
      %dma_start3A_1903 = arith.constant 0 : i32
      %dma_start3A_1904 = arith.constant 0 : i32
      %dma_start3A_1905 = tpu.memref_slice %arg4[%add3A_772, %add3A_1895, %dma_start3A_1903, %dma_start3A_1904] : memref<16x2048x4x128xf32, #tpu.memory_space<hbm>> -> memref<1x32x4x128xf32, #tpu.memory_space<hbm>>
      %dma_start3A_1906 = tpu.memref_squeeze %dma_start3A_1905 : memref<1x32x4x128xf32, #tpu.memory_space<hbm>> -> memref<32x4x128xf32, #tpu.memory_space<hbm>>
      tpu.enqueue_dma source(%arg6 : memref<32x4x128xf32, #tpu.memory_space<vmem>>) target(%dma_start3A_1906 : memref<32x4x128xf32, #tpu.memory_space<hbm>>) target_semaphore(%dma_start3A_1902 : memref<!tpu.dma_semaphore, #tpu.memory_space<semaphore_mem>>)
      %add3A_1907 = arith.constant 192 : i32
      %add3A_1908 = arith.addi %mul3A_774, %add3A_1907 : i32
      %dma_start3A_1909 = arith.constant 7 : i32
      %dma_start3A_1910 = arith.constant 0 : i32
      %dma_start3A_1911 = arith.constant 0 : i32
      %dma_start3A_1912 = tpu.memref_slice %arg4[%add3A_772, %add3A_1908, %dma_start3A_1910, %dma_start3A_1911] : memref<16x2048x4x128xf32, #tpu.memory_space<hbm>> -> memref<1x32x4x128xf32, #tpu.memory_space<hbm>>
      %dma_start3A_1913 = tpu.memref_squeeze %dma_start3A_1912 : memref<1x32x4x128xf32, #tpu.memory_space<hbm>> -> memref<32x4x128xf32, #tpu.memory_space<hbm>>
      %dma_start3A_1914 = tpu.memref_slice %arg9[%dma_start3A_1909] : memref<10x!tpu.dma_semaphore, #tpu.memory_space<semaphore_mem>> -> memref<1x!tpu.dma_semaphore, #tpu.memory_space<semaphore_mem>>
      %dma_start3A_1915 = tpu.memref_squeeze %dma_start3A_1914 : memref<1x!tpu.dma_semaphore, #tpu.memory_space<semaphore_mem>> -> memref<!tpu.dma_semaphore, #tpu.memory_space<semaphore_mem>>
      %dma_start3A_1916 = arith.constant 0 : i32
      %dma_start3A_1917 = arith.constant 0 : i32
      %dma_start3A_1918 = tpu.memref_slice %arg4[%add3A_772, %add3A_1908, %dma_start3A_1916, %dma_start3A_1917] : memref<16x2048x4x128xf32, #tpu.memory_space<hbm>> -> memref<1x32x4x128xf32, #tpu.memory_space<hbm>>
      %dma_start3A_1919 = tpu.memref_squeeze %dma_start3A_1918 : memref<1x32x4x128xf32, #tpu.memory_space<hbm>> -> memref<32x4x128xf32, #tpu.memory_space<hbm>>
      tpu.enqueue_dma source(%arg6 : memref<32x4x128xf32, #tpu.memory_space<vmem>>) target(%dma_start3A_1919 : memref<32x4x128xf32, #tpu.memory_space<hbm>>) target_semaphore(%dma_start3A_1915 : memref<!tpu.dma_semaphore, #tpu.memory_space<semaphore_mem>>)
      %add3A_1920 = arith.constant 224 : i32
      %add3A_1921 = arith.addi %mul3A_774, %add3A_1920 : i32
      %dma_start3A_1922 = arith.constant 8 : i32
      %dma_start3A_1923 = arith.constant 0 : i32
      %dma_start3A_1924 = arith.constant 0 : i32
      %dma_start3A_1925 = arith.constant 0 : i32
      %dma_start3A_1926 = tpu.memref_slice %arg6[%dma_start3A_1923, %dma_start3A_1924, %dma_start3A_1925] : memref<32x4x128xf32, #tpu.memory_space<vmem>> -> memref<31x4x128xf32, #tpu.memory_space<vmem>>
      %dma_start3A_1927 = arith.constant 0 : i32
      %dma_start3A_1928 = arith.constant 0 : i32
      %dma_start3A_1929 = tpu.memref_slice %arg4[%add3A_772, %add3A_1921, %dma_start3A_1927, %dma_start3A_1928] : memref<16x2048x4x128xf32, #tpu.memory_space<hbm>> -> memref<1x31x4x128xf32, #tpu.memory_space<hbm>>
      %dma_start3A_1930 = tpu.memref_squeeze %dma_start3A_1929 : memref<1x31x4x128xf32, #tpu.memory_space<hbm>> -> memref<31x4x128xf32, #tpu.memory_space<hbm>>
      %dma_start3A_1931 = tpu.memref_slice %arg9[%dma_start3A_1922] : memref<10x!tpu.dma_semaphore, #tpu.memory_space<semaphore_mem>> -> memref<1x!tpu.dma_semaphore, #tpu.memory_space<semaphore_mem>>
      %dma_start3A_1932 = tpu.memref_squeeze %dma_start3A_1931 : memref<1x!tpu.dma_semaphore, #tpu.memory_space<semaphore_mem>> -> memref<!tpu.dma_semaphore, #tpu.memory_space<semaphore_mem>>
      %dma_start3A_1933 = arith.constant 0 : i32
      %dma_start3A_1934 = arith.constant 0 : i32
      %dma_start3A_1935 = tpu.memref_slice %arg4[%add3A_772, %add3A_1921, %dma_start3A_1933, %dma_start3A_1934] : memref<16x2048x4x128xf32, #tpu.memory_space<hbm>> -> memref<1x31x4x128xf32, #tpu.memory_space<hbm>>
      %dma_start3A_1936 = tpu.memref_squeeze %dma_start3A_1935 : memref<1x31x4x128xf32, #tpu.memory_space<hbm>> -> memref<31x4x128xf32, #tpu.memory_space<hbm>>
      %dma_start3A_1937 = arith.constant 0 : i32
      %dma_start3A_1938 = arith.constant 0 : i32
      %dma_start3A_1939 = arith.constant 0 : i32
      %dma_start3A_1940 = tpu.memref_slice %arg6[%dma_start3A_1937, %dma_start3A_1938, %dma_start3A_1939] : memref<32x4x128xf32, #tpu.memory_space<vmem>> -> memref<31x4x128xf32, #tpu.memory_space<vmem>>
      tpu.enqueue_dma source(%dma_start3A_1940 : memref<31x4x128xf32, #tpu.memory_space<vmem>>) target(%dma_start3A_1936 : memref<31x4x128xf32, #tpu.memory_space<hbm>>) target_semaphore(%dma_start3A_1932 : memref<!tpu.dma_semaphore, #tpu.memory_space<semaphore_mem>>)
      %dma_start3A_1941 = arith.constant 9 : i32
      %dma_start3A_1942 = tpu.memref_slice %arg9[%dma_start3A_1941] : memref<10x!tpu.dma_semaphore, #tpu.memory_space<semaphore_mem>> -> memref<1x!tpu.dma_semaphore, #tpu.memory_space<semaphore_mem>>
      %dma_start3A_1943 = tpu.memref_squeeze %dma_start3A_1942 : memref<1x!tpu.dma_semaphore, #tpu.memory_space<semaphore_mem>> -> memref<!tpu.dma_semaphore, #tpu.memory_space<semaphore_mem>>
      %dma_start3A_1944 = arith.constant 2047 : i32
      %dma_start3A_1945 = arith.constant 0 : i32
      %dma_start3A_1946 = arith.constant 0 : i32
      %dma_start3A_1947 = tpu.memref_slice %arg4[%add3A_772, %dma_start3A_1944, %dma_start3A_1945, %dma_start3A_1946] : memref<16x2048x4x128xf32, #tpu.memory_space<hbm>> -> memref<1x1x4x128xf32, #tpu.memory_space<hbm>>
      %dma_start3A_1948 = tpu.memref_squeeze %dma_start3A_1947 : memref<1x1x4x128xf32, #tpu.memory_space<hbm>> -> memref<1x4x128xf32, #tpu.memory_space<hbm>>
      %dma_start3A_1949 = arith.constant 2047 : i32
      %dma_start3A_1950 = arith.constant 0 : i32
      %dma_start3A_1951 = arith.constant 0 : i32
      %dma_start3A_1952 = tpu.memref_slice %arg2[%add3A_772, %dma_start3A_1949, %dma_start3A_1950, %dma_start3A_1951] : memref<16x2048x4x128xf32, #tpu.memory_space<hbm>> -> memref<1x1x4x128xf32, #tpu.memory_space<hbm>>
      %dma_start3A_1953 = tpu.memref_squeeze %dma_start3A_1952 : memref<1x1x4x128xf32, #tpu.memory_space<hbm>> -> memref<1x4x128xf32, #tpu.memory_space<hbm>>
      tpu.enqueue_dma source(%dma_start3A_1953 : memref<1x4x128xf32, #tpu.memory_space<hbm>>) target(%dma_start3A_1948 : memref<1x4x128xf32, #tpu.memory_space<hbm>>) target_semaphore(%dma_start3A_1943 : memref<!tpu.dma_semaphore, #tpu.memory_space<semaphore_mem>>)
    } else {
    }
    %dma_start3A_785 = arith.constant 0 : i32
    %dma_start3A_786 = arith.constant 0 : i32
    %dma_start3A_787 = arith.constant 0 : i32
    %dma_start3A_788 = arith.constant 0 : i32
    %dma_start3A_789 = arith.constant 0 : i32
    %dma_start3A_790 = tpu.memref_slice %arg5[%dma_start3A_785, %dma_start3A_787, %dma_start3A_788, %dma_start3A_789] : memref<3x64x4x128xf32, #tpu.memory_space<vmem>> -> memref<1x64x4x128xf32, #tpu.memory_space<vmem>>
    %dma_start3A_791 = tpu.memref_squeeze %dma_start3A_790 : memref<1x64x4x128xf32, #tpu.memory_space<vmem>> -> memref<64x4x128xf32, #tpu.memory_space<vmem>>
    %dma_start3A_792 = arith.constant 0 : i32
    %dma_start3A_793 = arith.constant 0 : i32
    %dma_start3A_794 = tpu.memref_slice %arg2[%add3A_33, %mul3A_49, %dma_start3A_792, %dma_start3A_793] : memref<16x2048x4x128xf32, #tpu.memory_space<hbm>> -> memref<1x64x4x128xf32, #tpu.memory_space<hbm>>
    %dma_start3A_795 = tpu.memref_squeeze %dma_start3A_794 : memref<1x64x4x128xf32, #tpu.memory_space<hbm>> -> memref<64x4x128xf32, #tpu.memory_space<hbm>>
    %dma_start3A_796 = tpu.memref_slice %arg7[%dma_start3A_786] : memref<3x!tpu.dma_semaphore, #tpu.memory_space<semaphore_mem>> -> memref<1x!tpu.dma_semaphore, #tpu.memory_space<semaphore_mem>>
    %dma_start3A_797 = tpu.memref_squeeze %dma_start3A_796 : memref<1x!tpu.dma_semaphore, #tpu.memory_space<semaphore_mem>> -> memref<!tpu.dma_semaphore, #tpu.memory_space<semaphore_mem>>
    %dma_start3A_798 = arith.constant 0 : i32
    %dma_start3A_799 = arith.constant 0 : i32
    %dma_start3A_800 = arith.constant 0 : i32
    %dma_start3A_801 = tpu.memref_slice %arg5[%dma_start3A_785, %dma_start3A_798, %dma_start3A_799, %dma_start3A_800] : memref<3x64x4x128xf32, #tpu.memory_space<vmem>> -> memref<1x64x4x128xf32, #tpu.memory_space<vmem>>
    %dma_start3A_802 = tpu.memref_squeeze %dma_start3A_801 : memref<1x64x4x128xf32, #tpu.memory_space<vmem>> -> memref<64x4x128xf32, #tpu.memory_space<vmem>>
    %dma_start3A_803 = arith.constant 0 : i32
    %dma_start3A_804 = arith.constant 0 : i32
    %dma_start3A_805 = tpu.memref_slice %arg2[%add3A_33, %mul3A_49, %dma_start3A_803, %dma_start3A_804] : memref<16x2048x4x128xf32, #tpu.memory_space<hbm>> -> memref<1x64x4x128xf32, #tpu.memory_space<hbm>>
    %dma_start3A_806 = tpu.memref_squeeze %dma_start3A_805 : memref<1x64x4x128xf32, #tpu.memory_space<hbm>> -> memref<64x4x128xf32, #tpu.memory_space<hbm>>
    tpu.enqueue_dma source(%dma_start3A_806 : memref<64x4x128xf32, #tpu.memory_space<hbm>>) target(%dma_start3A_802 : memref<64x4x128xf32, #tpu.memory_space<vmem>>) target_semaphore(%dma_start3A_797 : memref<!tpu.dma_semaphore, #tpu.memory_space<semaphore_mem>>)
    %dma_start3A_807 = arith.constant 1 : i32
    %dma_start3A_808 = arith.constant 1 : i32
    %dma_start3A_809 = arith.constant 0 : i32
    %dma_start3A_810 = arith.constant 0 : i32
    %dma_start3A_811 = arith.constant 0 : i32
    %dma_start3A_812 = tpu.memref_slice %arg5[%dma_start3A_807, %dma_start3A_809, %dma_start3A_810, %dma_start3A_811] : memref<3x64x4x128xf32, #tpu.memory_space<vmem>> -> memref<1x64x4x128xf32, #tpu.memory_space<vmem>>
    %dma_start3A_813 = tpu.memref_squeeze %dma_start3A_812 : memref<1x64x4x128xf32, #tpu.memory_space<vmem>> -> memref<64x4x128xf32, #tpu.memory_space<vmem>>
    %dma_start3A_814 = arith.constant 0 : i32
    %dma_start3A_815 = arith.constant 0 : i32
    %dma_start3A_816 = tpu.memref_slice %arg2[%add3A_89, %mul3A_107, %dma_start3A_814, %dma_start3A_815] : memref<16x2048x4x128xf32, #tpu.memory_space<hbm>> -> memref<1x64x4x128xf32, #tpu.memory_space<hbm>>
    %dma_start3A_817 = tpu.memref_squeeze %dma_start3A_816 : memref<1x64x4x128xf32, #tpu.memory_space<hbm>> -> memref<64x4x128xf32, #tpu.memory_space<hbm>>
    %dma_start3A_818 = tpu.memref_slice %arg7[%dma_start3A_808] : memref<3x!tpu.dma_semaphore, #tpu.memory_space<semaphore_mem>> -> memref<1x!tpu.dma_semaphore, #tpu.memory_space<semaphore_mem>>
    %dma_start3A_819 = tpu.memref_squeeze %dma_start3A_818 : memref<1x!tpu.dma_semaphore, #tpu.memory_space<semaphore_mem>> -> memref<!tpu.dma_semaphore, #tpu.memory_space<semaphore_mem>>
    %dma_start3A_820 = arith.constant 0 : i32
    %dma_start3A_821 = arith.constant 0 : i32
    %dma_start3A_822 = arith.constant 0 : i32
    %dma_start3A_823 = tpu.memref_slice %arg5[%dma_start3A_807, %dma_start3A_820, %dma_start3A_821, %dma_start3A_822] : memref<3x64x4x128xf32, #tpu.memory_space<vmem>> -> memref<1x64x4x128xf32, #tpu.memory_space<vmem>>
    %dma_start3A_824 = tpu.memref_squeeze %dma_start3A_823 : memref<1x64x4x128xf32, #tpu.memory_space<vmem>> -> memref<64x4x128xf32, #tpu.memory_space<vmem>>
    %dma_start3A_825 = arith.constant 0 : i32
    %dma_start3A_826 = arith.constant 0 : i32
    %dma_start3A_827 = tpu.memref_slice %arg2[%add3A_89, %mul3A_107, %dma_start3A_825, %dma_start3A_826] : memref<16x2048x4x128xf32, #tpu.memory_space<hbm>> -> memref<1x64x4x128xf32, #tpu.memory_space<hbm>>
    %dma_start3A_828 = tpu.memref_squeeze %dma_start3A_827 : memref<1x64x4x128xf32, #tpu.memory_space<hbm>> -> memref<64x4x128xf32, #tpu.memory_space<hbm>>
    tpu.enqueue_dma source(%dma_start3A_828 : memref<64x4x128xf32, #tpu.memory_space<hbm>>) target(%dma_start3A_824 : memref<64x4x128xf32, #tpu.memory_space<vmem>>) target_semaphore(%dma_start3A_819 : memref<!tpu.dma_semaphore, #tpu.memory_space<semaphore_mem>>)
    %dma_start3A_829 = arith.constant 2 : i32
    %dma_start3A_830 = arith.constant 2 : i32
    %dma_start3A_831 = arith.constant 0 : i32
    %dma_start3A_832 = arith.constant 0 : i32
    %dma_start3A_833 = arith.constant 0 : i32
    %dma_start3A_834 = tpu.memref_slice %arg5[%dma_start3A_829, %dma_start3A_831, %dma_start3A_832, %dma_start3A_833] : memref<3x64x4x128xf32, #tpu.memory_space<vmem>> -> memref<1x64x4x128xf32, #tpu.memory_space<vmem>>
    %dma_start3A_835 = tpu.memref_squeeze %dma_start3A_834 : memref<1x64x4x128xf32, #tpu.memory_space<vmem>> -> memref<64x4x128xf32, #tpu.memory_space<vmem>>
    %dma_start3A_836 = arith.constant 0 : i32
    %dma_start3A_837 = arith.constant 0 : i32
    %dma_start3A_838 = tpu.memref_slice %arg2[%add3A_147, %mul3A_165, %dma_start3A_836, %dma_start3A_837] : memref<16x2048x4x128xf32, #tpu.memory_space<hbm>> -> memref<1x64x4x128xf32, #tpu.memory_space<hbm>>
    %dma_start3A_839 = tpu.memref_squeeze %dma_start3A_838 : memref<1x64x4x128xf32, #tpu.memory_space<hbm>> -> memref<64x4x128xf32, #tpu.memory_space<hbm>>
    %dma_start3A_840 = tpu.memref_slice %arg7[%dma_start3A_830] : memref<3x!tpu.dma_semaphore, #tpu.memory_space<semaphore_mem>> -> memref<1x!tpu.dma_semaphore, #tpu.memory_space<semaphore_mem>>
    %dma_start3A_841 = tpu.memref_squeeze %dma_start3A_840 : memref<1x!tpu.dma_semaphore, #tpu.memory_space<semaphore_mem>> -> memref<!tpu.dma_semaphore, #tpu.memory_space<semaphore_mem>>
    %dma_start3A_842 = arith.constant 0 : i32
    %dma_start3A_843 = arith.constant 0 : i32
    %dma_start3A_844 = arith.constant 0 : i32
    %dma_start3A_845 = tpu.memref_slice %arg5[%dma_start3A_829, %dma_start3A_842, %dma_start3A_843, %dma_start3A_844] : memref<3x64x4x128xf32, #tpu.memory_space<vmem>> -> memref<1x64x4x128xf32, #tpu.memory_space<vmem>>
    %dma_start3A_846 = tpu.memref_squeeze %dma_start3A_845 : memref<1x64x4x128xf32, #tpu.memory_space<vmem>> -> memref<64x4x128xf32, #tpu.memory_space<vmem>>
    %dma_start3A_847 = arith.constant 0 : i32
    %dma_start3A_848 = arith.constant 0 : i32
    %dma_start3A_849 = tpu.memref_slice %arg2[%add3A_147, %mul3A_165, %dma_start3A_847, %dma_start3A_848] : memref<16x2048x4x128xf32, #tpu.memory_space<hbm>> -> memref<1x64x4x128xf32, #tpu.memory_space<hbm>>
    %dma_start3A_850 = tpu.memref_squeeze %dma_start3A_849 : memref<1x64x4x128xf32, #tpu.memory_space<hbm>> -> memref<64x4x128xf32, #tpu.memory_space<hbm>>
    tpu.enqueue_dma source(%dma_start3A_850 : memref<64x4x128xf32, #tpu.memory_space<hbm>>) target(%dma_start3A_846 : memref<64x4x128xf32, #tpu.memory_space<vmem>>) target_semaphore(%dma_start3A_841 : memref<!tpu.dma_semaphore, #tpu.memory_space<semaphore_mem>>)
    %dma_wait3A_851 = arith.constant 0 : i32
    %dma_wait3A_852 = arith.constant 0 : i32
    %dma_wait3A_853 = arith.constant 0 : i32
    %dma_wait3A_854 = arith.constant 0 : i32
    %dma_wait3A_855 = arith.constant 0 : i32
    %dma_wait3A_856 = tpu.memref_slice %arg5[%dma_wait3A_851, %dma_wait3A_853, %dma_wait3A_854, %dma_wait3A_855] : memref<3x64x4x128xf32, #tpu.memory_space<vmem>> -> memref<1x64x4x128xf32, #tpu.memory_space<vmem>>
    %dma_wait3A_857 = tpu.memref_squeeze %dma_wait3A_856 : memref<1x64x4x128xf32, #tpu.memory_space<vmem>> -> memref<64x4x128xf32, #tpu.memory_space<vmem>>
    %dma_wait3A_858 = arith.constant 0 : i32
    %dma_wait3A_859 = arith.constant 0 : i32
    %dma_wait3A_860 = tpu.memref_slice %arg2[%add3A_33, %mul3A_49, %dma_wait3A_858, %dma_wait3A_859] : memref<16x2048x4x128xf32, #tpu.memory_space<hbm>> -> memref<1x64x4x128xf32, #tpu.memory_space<hbm>>
    %dma_wait3A_861 = tpu.memref_squeeze %dma_wait3A_860 : memref<1x64x4x128xf32, #tpu.memory_space<hbm>> -> memref<64x4x128xf32, #tpu.memory_space<hbm>>
    %dma_wait3A_862 = tpu.memref_slice %arg7[%dma_wait3A_852] : memref<3x!tpu.dma_semaphore, #tpu.memory_space<semaphore_mem>> -> memref<1x!tpu.dma_semaphore, #tpu.memory_space<semaphore_mem>>
    %dma_wait3A_863 = tpu.memref_squeeze %dma_wait3A_862 : memref<1x!tpu.dma_semaphore, #tpu.memory_space<semaphore_mem>> -> memref<!tpu.dma_semaphore, #tpu.memory_space<semaphore_mem>>
    %dma_wait3A_864 = arith.constant 0 : i32
    %dma_wait3A_865 = arith.constant 0 : i32
    %dma_wait3A_866 = arith.constant 0 : i32
    %dma_wait3A_867 = tpu.memref_slice %arg5[%dma_wait3A_851, %dma_wait3A_864, %dma_wait3A_865, %dma_wait3A_866] : memref<3x64x4x128xf32, #tpu.memory_space<vmem>> -> memref<1x64x4x128xf32, #tpu.memory_space<vmem>>
    %dma_wait3A_868 = tpu.memref_squeeze %dma_wait3A_867 : memref<1x64x4x128xf32, #tpu.memory_space<vmem>> -> memref<64x4x128xf32, #tpu.memory_space<vmem>>
    %dma_wait3A_869 = arith.constant 0 : i32
    %dma_wait3A_870 = arith.constant 0 : i32
    %dma_wait3A_871 = tpu.memref_slice %arg2[%add3A_33, %mul3A_49, %dma_wait3A_869, %dma_wait3A_870] : memref<16x2048x4x128xf32, #tpu.memory_space<hbm>> -> memref<1x64x4x128xf32, #tpu.memory_space<hbm>>
    %dma_wait3A_872 = tpu.memref_squeeze %dma_wait3A_871 : memref<1x64x4x128xf32, #tpu.memory_space<hbm>> -> memref<64x4x128xf32, #tpu.memory_space<hbm>>
    tpu.wait_dma2 semaphore(%dma_wait3A_863 : memref<!tpu.dma_semaphore, #tpu.memory_space<semaphore_mem>>) src(%dma_wait3A_872 : memref<64x4x128xf32, #tpu.memory_space<hbm>>) dst(%dma_wait3A_868 : memref<64x4x128xf32, #tpu.memory_space<vmem>>)
    %dma_start3A_873 = arith.constant 0 : i32
    %dma_start3A_874 = arith.constant 0 : i32
    %dma_start3A_875 = arith.constant 0 : i32
    %dma_start3A_876 = arith.constant 0 : i32
    %dma_start3A_877 = arith.constant 0 : i32
    %dma_start3A_878 = tpu.memref_slice %arg5[%dma_start3A_873, %dma_start3A_875, %dma_start3A_876, %dma_start3A_877] : memref<3x64x4x128xf32, #tpu.memory_space<vmem>> -> memref<1x64x4x128xf32, #tpu.memory_space<vmem>>
    %dma_start3A_879 = tpu.memref_squeeze %dma_start3A_878 : memref<1x64x4x128xf32, #tpu.memory_space<vmem>> -> memref<64x4x128xf32, #tpu.memory_space<vmem>>
    %dma_start3A_880 = arith.constant 0 : i32
    %dma_start3A_881 = arith.constant 0 : i32
    %dma_start3A_882 = tpu.memref_slice %arg4[%add3A_33, %mul3A_49, %dma_start3A_880, %dma_start3A_881] : memref<16x2048x4x128xf32, #tpu.memory_space<hbm>> -> memref<1x64x4x128xf32, #tpu.memory_space<hbm>>
    %dma_start3A_883 = tpu.memref_squeeze %dma_start3A_882 : memref<1x64x4x128xf32, #tpu.memory_space<hbm>> -> memref<64x4x128xf32, #tpu.memory_space<hbm>>
    %dma_start3A_884 = tpu.memref_slice %arg8[%dma_start3A_874] : memref<3x!tpu.dma_semaphore, #tpu.memory_space<semaphore_mem>> -> memref<1x!tpu.dma_semaphore, #tpu.memory_space<semaphore_mem>>
    %dma_start3A_885 = tpu.memref_squeeze %dma_start3A_884 : memref<1x!tpu.dma_semaphore, #tpu.memory_space<semaphore_mem>> -> memref<!tpu.dma_semaphore, #tpu.memory_space<semaphore_mem>>
    %dma_start3A_886 = arith.constant 0 : i32
    %dma_start3A_887 = arith.constant 0 : i32
    %dma_start3A_888 = tpu.memref_slice %arg4[%add3A_33, %mul3A_49, %dma_start3A_886, %dma_start3A_887] : memref<16x2048x4x128xf32, #tpu.memory_space<hbm>> -> memref<1x64x4x128xf32, #tpu.memory_space<hbm>>
    %dma_start3A_889 = tpu.memref_squeeze %dma_start3A_888 : memref<1x64x4x128xf32, #tpu.memory_space<hbm>> -> memref<64x4x128xf32, #tpu.memory_space<hbm>>
    %dma_start3A_890 = arith.constant 0 : i32
    %dma_start3A_891 = arith.constant 0 : i32
    %dma_start3A_892 = arith.constant 0 : i32
    %dma_start3A_893 = tpu.memref_slice %arg5[%dma_start3A_873, %dma_start3A_890, %dma_start3A_891, %dma_start3A_892] : memref<3x64x4x128xf32, #tpu.memory_space<vmem>> -> memref<1x64x4x128xf32, #tpu.memory_space<vmem>>
    %dma_start3A_894 = tpu.memref_squeeze %dma_start3A_893 : memref<1x64x4x128xf32, #tpu.memory_space<vmem>> -> memref<64x4x128xf32, #tpu.memory_space<vmem>>
    tpu.enqueue_dma source(%dma_start3A_894 : memref<64x4x128xf32, #tpu.memory_space<vmem>>) target(%dma_start3A_889 : memref<64x4x128xf32, #tpu.memory_space<hbm>>) target_semaphore(%dma_start3A_885 : memref<!tpu.dma_semaphore, #tpu.memory_space<semaphore_mem>>)
    %dma_wait3A_895 = arith.constant 0 : i32
    %dma_wait3A_896 = arith.constant 0 : i32
    %dma_wait3A_897 = arith.constant 0 : i32
    %dma_wait3A_898 = arith.constant 0 : i32
    %dma_wait3A_899 = arith.constant 0 : i32
    %dma_wait3A_900 = tpu.memref_slice %arg5[%dma_wait3A_895, %dma_wait3A_897, %dma_wait3A_898, %dma_wait3A_899] : memref<3x64x4x128xf32, #tpu.memory_space<vmem>> -> memref<1x64x4x128xf32, #tpu.memory_space<vmem>>
    %dma_wait3A_901 = tpu.memref_squeeze %dma_wait3A_900 : memref<1x64x4x128xf32, #tpu.memory_space<vmem>> -> memref<64x4x128xf32, #tpu.memory_space<vmem>>
    %dma_wait3A_902 = arith.constant 0 : i32
    %dma_wait3A_903 = arith.constant 0 : i32
    %dma_wait3A_904 = tpu.memref_slice %arg4[%add3A_33, %mul3A_49, %dma_wait3A_902, %dma_wait3A_903] : memref<16x2048x4x128xf32, #tpu.memory_space<hbm>> -> memref<1x64x4x128xf32, #tpu.memory_space<hbm>>
    %dma_wait3A_905 = tpu.memref_squeeze %dma_wait3A_904 : memref<1x64x4x128xf32, #tpu.memory_space<hbm>> -> memref<64x4x128xf32, #tpu.memory_space<hbm>>
    %dma_wait3A_906 = tpu.memref_slice %arg8[%dma_wait3A_896] : memref<3x!tpu.dma_semaphore, #tpu.memory_space<semaphore_mem>> -> memref<1x!tpu.dma_semaphore, #tpu.memory_space<semaphore_mem>>
    %dma_wait3A_907 = tpu.memref_squeeze %dma_wait3A_906 : memref<1x!tpu.dma_semaphore, #tpu.memory_space<semaphore_mem>> -> memref<!tpu.dma_semaphore, #tpu.memory_space<semaphore_mem>>
    %dma_wait3A_908 = arith.constant 0 : i32
    %dma_wait3A_909 = arith.constant 0 : i32
    %dma_wait3A_910 = tpu.memref_slice %arg4[%add3A_33, %mul3A_49, %dma_wait3A_908, %dma_wait3A_909] : memref<16x2048x4x128xf32, #tpu.memory_space<hbm>> -> memref<1x64x4x128xf32, #tpu.memory_space<hbm>>
    %dma_wait3A_911 = tpu.memref_squeeze %dma_wait3A_910 : memref<1x64x4x128xf32, #tpu.memory_space<hbm>> -> memref<64x4x128xf32, #tpu.memory_space<hbm>>
    %dma_wait3A_912 = arith.constant 0 : i32
    %dma_wait3A_913 = arith.constant 0 : i32
    %dma_wait3A_914 = arith.constant 0 : i32
    %dma_wait3A_915 = tpu.memref_slice %arg5[%dma_wait3A_895, %dma_wait3A_912, %dma_wait3A_913, %dma_wait3A_914] : memref<3x64x4x128xf32, #tpu.memory_space<vmem>> -> memref<1x64x4x128xf32, #tpu.memory_space<vmem>>
    %dma_wait3A_916 = tpu.memref_squeeze %dma_wait3A_915 : memref<1x64x4x128xf32, #tpu.memory_space<vmem>> -> memref<64x4x128xf32, #tpu.memory_space<vmem>>
    tpu.wait_dma2 semaphore(%dma_wait3A_907 : memref<!tpu.dma_semaphore, #tpu.memory_space<semaphore_mem>>) src(%dma_wait3A_916 : memref<64x4x128xf32, #tpu.memory_space<vmem>>) dst(%dma_wait3A_911 : memref<64x4x128xf32, #tpu.memory_space<hbm>>)
    %dma_start3A_917 = arith.constant 0 : i32
    %dma_start3A_918 = arith.constant 0 : i32
    %dma_start3A_919 = arith.constant 0 : i32
    %dma_start3A_920 = arith.constant 0 : i32
    %dma_start3A_921 = arith.constant 0 : i32
    %dma_start3A_922 = tpu.memref_slice %arg5[%dma_start3A_917, %dma_start3A_919, %dma_start3A_920, %dma_start3A_921] : memref<3x64x4x128xf32, #tpu.memory_space<vmem>> -> memref<1x64x4x128xf32, #tpu.memory_space<vmem>>
    %dma_start3A_923 = tpu.memref_squeeze %dma_start3A_922 : memref<1x64x4x128xf32, #tpu.memory_space<vmem>> -> memref<64x4x128xf32, #tpu.memory_space<vmem>>
    %dma_start3A_924 = arith.constant 0 : i32
    %dma_start3A_925 = arith.constant 0 : i32
    %dma_start3A_926 = tpu.memref_slice %arg2[%add3A_205, %mul3A_223, %dma_start3A_924, %dma_start3A_925] : memref<16x2048x4x128xf32, #tpu.memory_space<hbm>> -> memref<1x64x4x128xf32, #tpu.memory_space<hbm>>
    %dma_start3A_927 = tpu.memref_squeeze %dma_start3A_926 : memref<1x64x4x128xf32, #tpu.memory_space<hbm>> -> memref<64x4x128xf32, #tpu.memory_space<hbm>>
    %dma_start3A_928 = tpu.memref_slice %arg7[%dma_start3A_918] : memref<3x!tpu.dma_semaphore, #tpu.memory_space<semaphore_mem>> -> memref<1x!tpu.dma_semaphore, #tpu.memory_space<semaphore_mem>>
    %dma_start3A_929 = tpu.memref_squeeze %dma_start3A_928 : memref<1x!tpu.dma_semaphore, #tpu.memory_space<semaphore_mem>> -> memref<!tpu.dma_semaphore, #tpu.memory_space<semaphore_mem>>
    %dma_start3A_930 = arith.constant 0 : i32
    %dma_start3A_931 = arith.constant 0 : i32
    %dma_start3A_932 = arith.constant 0 : i32
    %dma_start3A_933 = tpu.memref_slice %arg5[%dma_start3A_917, %dma_start3A_930, %dma_start3A_931, %dma_start3A_932] : memref<3x64x4x128xf32, #tpu.memory_space<vmem>> -> memref<1x64x4x128xf32, #tpu.memory_space<vmem>>
    %dma_start3A_934 = tpu.memref_squeeze %dma_start3A_933 : memref<1x64x4x128xf32, #tpu.memory_space<vmem>> -> memref<64x4x128xf32, #tpu.memory_space<vmem>>
    %dma_start3A_935 = arith.constant 0 : i32
    %dma_start3A_936 = arith.constant 0 : i32
    %dma_start3A_937 = tpu.memref_slice %arg2[%add3A_205, %mul3A_223, %dma_start3A_935, %dma_start3A_936] : memref<16x2048x4x128xf32, #tpu.memory_space<hbm>> -> memref<1x64x4x128xf32, #tpu.memory_space<hbm>>
    %dma_start3A_938 = tpu.memref_squeeze %dma_start3A_937 : memref<1x64x4x128xf32, #tpu.memory_space<hbm>> -> memref<64x4x128xf32, #tpu.memory_space<hbm>>
    tpu.enqueue_dma source(%dma_start3A_938 : memref<64x4x128xf32, #tpu.memory_space<hbm>>) target(%dma_start3A_934 : memref<64x4x128xf32, #tpu.memory_space<vmem>>) target_semaphore(%dma_start3A_929 : memref<!tpu.dma_semaphore, #tpu.memory_space<semaphore_mem>>)
    %dma_wait3A_939 = arith.constant 1 : i32
    %dma_wait3A_940 = arith.constant 1 : i32
    %dma_wait3A_941 = arith.constant 0 : i32
    %dma_wait3A_942 = arith.constant 0 : i32
    %dma_wait3A_943 = arith.constant 0 : i32
    %dma_wait3A_944 = tpu.memref_slice %arg5[%dma_wait3A_939, %dma_wait3A_941, %dma_wait3A_942, %dma_wait3A_943] : memref<3x64x4x128xf32, #tpu.memory_space<vmem>> -> memref<1x64x4x128xf32, #tpu.memory_space<vmem>>
    %dma_wait3A_945 = tpu.memref_squeeze %dma_wait3A_944 : memref<1x64x4x128xf32, #tpu.memory_space<vmem>> -> memref<64x4x128xf32, #tpu.memory_space<vmem>>
    %dma_wait3A_946 = arith.constant 0 : i32
    %dma_wait3A_947 = arith.constant 0 : i32
    %dma_wait3A_948 = tpu.memref_slice %arg2[%add3A_89, %mul3A_107, %dma_wait3A_946, %dma_wait3A_947] : memref<16x2048x4x128xf32, #tpu.memory_space<hbm>> -> memref<1x64x4x128xf32, #tpu.memory_space<hbm>>
    %dma_wait3A_949 = tpu.memref_squeeze %dma_wait3A_948 : memref<1x64x4x128xf32, #tpu.memory_space<hbm>> -> memref<64x4x128xf32, #tpu.memory_space<hbm>>
    %dma_wait3A_950 = tpu.memref_slice %arg7[%dma_wait3A_940] : memref<3x!tpu.dma_semaphore, #tpu.memory_space<semaphore_mem>> -> memref<1x!tpu.dma_semaphore, #tpu.memory_space<semaphore_mem>>
    %dma_wait3A_951 = tpu.memref_squeeze %dma_wait3A_950 : memref<1x!tpu.dma_semaphore, #tpu.memory_space<semaphore_mem>> -> memref<!tpu.dma_semaphore, #tpu.memory_space<semaphore_mem>>
    %dma_wait3A_952 = arith.constant 0 : i32
    %dma_wait3A_953 = arith.constant 0 : i32
    %dma_wait3A_954 = arith.constant 0 : i32
    %dma_wait3A_955 = tpu.memref_slice %arg5[%dma_wait3A_939, %dma_wait3A_952, %dma_wait3A_953, %dma_wait3A_954] : memref<3x64x4x128xf32, #tpu.memory_space<vmem>> -> memref<1x64x4x128xf32, #tpu.memory_space<vmem>>
    %dma_wait3A_956 = tpu.memref_squeeze %dma_wait3A_955 : memref<1x64x4x128xf32, #tpu.memory_space<vmem>> -> memref<64x4x128xf32, #tpu.memory_space<vmem>>
    %dma_wait3A_957 = arith.constant 0 : i32
    %dma_wait3A_958 = arith.constant 0 : i32
    %dma_wait3A_959 = tpu.memref_slice %arg2[%add3A_89, %mul3A_107, %dma_wait3A_957, %dma_wait3A_958] : memref<16x2048x4x128xf32, #tpu.memory_space<hbm>> -> memref<1x64x4x128xf32, #tpu.memory_space<hbm>>
    %dma_wait3A_960 = tpu.memref_squeeze %dma_wait3A_959 : memref<1x64x4x128xf32, #tpu.memory_space<hbm>> -> memref<64x4x128xf32, #tpu.memory_space<hbm>>
    tpu.wait_dma2 semaphore(%dma_wait3A_951 : memref<!tpu.dma_semaphore, #tpu.memory_space<semaphore_mem>>) src(%dma_wait3A_960 : memref<64x4x128xf32, #tpu.memory_space<hbm>>) dst(%dma_wait3A_956 : memref<64x4x128xf32, #tpu.memory_space<vmem>>)
    %dma_start3A_961 = arith.constant 1 : i32
    %dma_start3A_962 = arith.constant 1 : i32
    %dma_start3A_963 = arith.constant 0 : i32
    %dma_start3A_964 = arith.constant 0 : i32
    %dma_start3A_965 = arith.constant 0 : i32
    %dma_start3A_966 = tpu.memref_slice %arg5[%dma_start3A_961, %dma_start3A_963, %dma_start3A_964, %dma_start3A_965] : memref<3x64x4x128xf32, #tpu.memory_space<vmem>> -> memref<1x64x4x128xf32, #tpu.memory_space<vmem>>
    %dma_start3A_967 = tpu.memref_squeeze %dma_start3A_966 : memref<1x64x4x128xf32, #tpu.memory_space<vmem>> -> memref<64x4x128xf32, #tpu.memory_space<vmem>>
    %dma_start3A_968 = arith.constant 0 : i32
    %dma_start3A_969 = arith.constant 0 : i32
    %dma_start3A_970 = tpu.memref_slice %arg4[%add3A_89, %mul3A_107, %dma_start3A_968, %dma_start3A_969] : memref<16x2048x4x128xf32, #tpu.memory_space<hbm>> -> memref<1x64x4x128xf32, #tpu.memory_space<hbm>>
    %dma_start3A_971 = tpu.memref_squeeze %dma_start3A_970 : memref<1x64x4x128xf32, #tpu.memory_space<hbm>> -> memref<64x4x128xf32, #tpu.memory_space<hbm>>
    %dma_start3A_972 = tpu.memref_slice %arg8[%dma_start3A_962] : memref<3x!tpu.dma_semaphore, #tpu.memory_space<semaphore_mem>> -> memref<1x!tpu.dma_semaphore, #tpu.memory_space<semaphore_mem>>
    %dma_start3A_973 = tpu.memref_squeeze %dma_start3A_972 : memref<1x!tpu.dma_semaphore, #tpu.memory_space<semaphore_mem>> -> memref<!tpu.dma_semaphore, #tpu.memory_space<semaphore_mem>>
    %dma_start3A_974 = arith.constant 0 : i32
    %dma_start3A_975 = arith.constant 0 : i32
    %dma_start3A_976 = tpu.memref_slice %arg4[%add3A_89, %mul3A_107, %dma_start3A_974, %dma_start3A_975] : memref<16x2048x4x128xf32, #tpu.memory_space<hbm>> -> memref<1x64x4x128xf32, #tpu.memory_space<hbm>>
    %dma_start3A_977 = tpu.memref_squeeze %dma_start3A_976 : memref<1x64x4x128xf32, #tpu.memory_space<hbm>> -> memref<64x4x128xf32, #tpu.memory_space<hbm>>
    %dma_start3A_978 = arith.constant 0 : i32
    %dma_start3A_979 = arith.constant 0 : i32
    %dma_start3A_980 = arith.constant 0 : i32
    %dma_start3A_981 = tpu.memref_slice %arg5[%dma_start3A_961, %dma_start3A_978, %dma_start3A_979, %dma_start3A_980] : memref<3x64x4x128xf32, #tpu.memory_space<vmem>> -> memref<1x64x4x128xf32, #tpu.memory_space<vmem>>
    %dma_start3A_982 = tpu.memref_squeeze %dma_start3A_981 : memref<1x64x4x128xf32, #tpu.memory_space<vmem>> -> memref<64x4x128xf32, #tpu.memory_space<vmem>>
    tpu.enqueue_dma source(%dma_start3A_982 : memref<64x4x128xf32, #tpu.memory_space<vmem>>) target(%dma_start3A_977 : memref<64x4x128xf32, #tpu.memory_space<hbm>>) target_semaphore(%dma_start3A_973 : memref<!tpu.dma_semaphore, #tpu.memory_space<semaphore_mem>>)
    %dma_wait3A_983 = arith.constant 1 : i32
    %dma_wait3A_984 = arith.constant 1 : i32
    %dma_wait3A_985 = arith.constant 0 : i32
    %dma_wait3A_986 = arith.constant 0 : i32
    %dma_wait3A_987 = arith.constant 0 : i32
    %dma_wait3A_988 = tpu.memref_slice %arg5[%dma_wait3A_983, %dma_wait3A_985, %dma_wait3A_986, %dma_wait3A_987] : memref<3x64x4x128xf32, #tpu.memory_space<vmem>> -> memref<1x64x4x128xf32, #tpu.memory_space<vmem>>
    %dma_wait3A_989 = tpu.memref_squeeze %dma_wait3A_988 : memref<1x64x4x128xf32, #tpu.memory_space<vmem>> -> memref<64x4x128xf32, #tpu.memory_space<vmem>>
    %dma_wait3A_990 = arith.constant 0 : i32
    %dma_wait3A_991 = arith.constant 0 : i32
    %dma_wait3A_992 = tpu.memref_slice %arg4[%add3A_89, %mul3A_107, %dma_wait3A_990, %dma_wait3A_991] : memref<16x2048x4x128xf32, #tpu.memory_space<hbm>> -> memref<1x64x4x128xf32, #tpu.memory_space<hbm>>
    %dma_wait3A_993 = tpu.memref_squeeze %dma_wait3A_992 : memref<1x64x4x128xf32, #tpu.memory_space<hbm>> -> memref<64x4x128xf32, #tpu.memory_space<hbm>>
    %dma_wait3A_994 = tpu.memref_slice %arg8[%dma_wait3A_984] : memref<3x!tpu.dma_semaphore, #tpu.memory_space<semaphore_mem>> -> memref<1x!tpu.dma_semaphore, #tpu.memory_space<semaphore_mem>>
    %dma_wait3A_995 = tpu.memref_squeeze %dma_wait3A_994 : memref<1x!tpu.dma_semaphore, #tpu.memory_space<semaphore_mem>> -> memref<!tpu.dma_semaphore, #tpu.memory_space<semaphore_mem>>
    %dma_wait3A_996 = arith.constant 0 : i32
    %dma_wait3A_997 = arith.constant 0 : i32
    %dma_wait3A_998 = tpu.memref_slice %arg4[%add3A_89, %mul3A_107, %dma_wait3A_996, %dma_wait3A_997] : memref<16x2048x4x128xf32, #tpu.memory_space<hbm>> -> memref<1x64x4x128xf32, #tpu.memory_space<hbm>>
    %dma_wait3A_999 = tpu.memref_squeeze %dma_wait3A_998 : memref<1x64x4x128xf32, #tpu.memory_space<hbm>> -> memref<64x4x128xf32, #tpu.memory_space<hbm>>
    %dma_wait3A_1000 = arith.constant 0 : i32
    %dma_wait3A_1001 = arith.constant 0 : i32
    %dma_wait3A_1002 = arith.constant 0 : i32
    %dma_wait3A_1003 = tpu.memref_slice %arg5[%dma_wait3A_983, %dma_wait3A_1000, %dma_wait3A_1001, %dma_wait3A_1002] : memref<3x64x4x128xf32, #tpu.memory_space<vmem>> -> memref<1x64x4x128xf32, #tpu.memory_space<vmem>>
    %dma_wait3A_1004 = tpu.memref_squeeze %dma_wait3A_1003 : memref<1x64x4x128xf32, #tpu.memory_space<vmem>> -> memref<64x4x128xf32, #tpu.memory_space<vmem>>
    tpu.wait_dma2 semaphore(%dma_wait3A_995 : memref<!tpu.dma_semaphore, #tpu.memory_space<semaphore_mem>>) src(%dma_wait3A_1004 : memref<64x4x128xf32, #tpu.memory_space<vmem>>) dst(%dma_wait3A_999 : memref<64x4x128xf32, #tpu.memory_space<hbm>>)
    %dma_start3A_1005 = arith.constant 1 : i32
    %dma_start3A_1006 = arith.constant 1 : i32
    %dma_start3A_1007 = arith.constant 0 : i32
    %dma_start3A_1008 = arith.constant 0 : i32
    %dma_start3A_1009 = arith.constant 0 : i32
    %dma_start3A_1010 = tpu.memref_slice %arg5[%dma_start3A_1005, %dma_start3A_1007, %dma_start3A_1008, %dma_start3A_1009] : memref<3x64x4x128xf32, #tpu.memory_space<vmem>> -> memref<1x64x4x128xf32, #tpu.memory_space<vmem>>
    %dma_start3A_1011 = tpu.memref_squeeze %dma_start3A_1010 : memref<1x64x4x128xf32, #tpu.memory_space<vmem>> -> memref<64x4x128xf32, #tpu.memory_space<vmem>>
    %dma_start3A_1012 = arith.constant 0 : i32
    %dma_start3A_1013 = arith.constant 0 : i32
    %dma_start3A_1014 = tpu.memref_slice %arg2[%add3A_263, %mul3A_281, %dma_start3A_1012, %dma_start3A_1013] : memref<16x2048x4x128xf32, #tpu.memory_space<hbm>> -> memref<1x64x4x128xf32, #tpu.memory_space<hbm>>
    %dma_start3A_1015 = tpu.memref_squeeze %dma_start3A_1014 : memref<1x64x4x128xf32, #tpu.memory_space<hbm>> -> memref<64x4x128xf32, #tpu.memory_space<hbm>>
    %dma_start3A_1016 = tpu.memref_slice %arg7[%dma_start3A_1006] : memref<3x!tpu.dma_semaphore, #tpu.memory_space<semaphore_mem>> -> memref<1x!tpu.dma_semaphore, #tpu.memory_space<semaphore_mem>>
    %dma_start3A_1017 = tpu.memref_squeeze %dma_start3A_1016 : memref<1x!tpu.dma_semaphore, #tpu.memory_space<semaphore_mem>> -> memref<!tpu.dma_semaphore, #tpu.memory_space<semaphore_mem>>
    %dma_start3A_1018 = arith.constant 0 : i32
    %dma_start3A_1019 = arith.constant 0 : i32
    %dma_start3A_1020 = arith.constant 0 : i32
    %dma_start3A_1021 = tpu.memref_slice %arg5[%dma_start3A_1005, %dma_start3A_1018, %dma_start3A_1019, %dma_start3A_1020] : memref<3x64x4x128xf32, #tpu.memory_space<vmem>> -> memref<1x64x4x128xf32, #tpu.memory_space<vmem>>
    %dma_start3A_1022 = tpu.memref_squeeze %dma_start3A_1021 : memref<1x64x4x128xf32, #tpu.memory_space<vmem>> -> memref<64x4x128xf32, #tpu.memory_space<vmem>>
    %dma_start3A_1023 = arith.constant 0 : i32
    %dma_start3A_1024 = arith.constant 0 : i32
    %dma_start3A_1025 = tpu.memref_slice %arg2[%add3A_263, %mul3A_281, %dma_start3A_1023, %dma_start3A_1024] : memref<16x2048x4x128xf32, #tpu.memory_space<hbm>> -> memref<1x64x4x128xf32, #tpu.memory_space<hbm>>
    %dma_start3A_1026 = tpu.memref_squeeze %dma_start3A_1025 : memref<1x64x4x128xf32, #tpu.memory_space<hbm>> -> memref<64x4x128xf32, #tpu.memory_space<hbm>>
    tpu.enqueue_dma source(%dma_start3A_1026 : memref<64x4x128xf32, #tpu.memory_space<hbm>>) target(%dma_start3A_1022 : memref<64x4x128xf32, #tpu.memory_space<vmem>>) target_semaphore(%dma_start3A_1017 : memref<!tpu.dma_semaphore, #tpu.memory_space<semaphore_mem>>)
    %dma_wait3A_1027 = arith.constant 2 : i32
    %dma_wait3A_1028 = arith.constant 2 : i32
    %dma_wait3A_1029 = arith.constant 0 : i32
    %dma_wait3A_1030 = arith.constant 0 : i32
    %dma_wait3A_1031 = arith.constant 0 : i32
    %dma_wait3A_1032 = tpu.memref_slice %arg5[%dma_wait3A_1027, %dma_wait3A_1029, %dma_wait3A_1030, %dma_wait3A_1031] : memref<3x64x4x128xf32, #tpu.memory_space<vmem>> -> memref<1x64x4x128xf32, #tpu.memory_space<vmem>>
    %dma_wait3A_1033 = tpu.memref_squeeze %dma_wait3A_1032 : memref<1x64x4x128xf32, #tpu.memory_space<vmem>> -> memref<64x4x128xf32, #tpu.memory_space<vmem>>
    %dma_wait3A_1034 = arith.constant 0 : i32
    %dma_wait3A_1035 = arith.constant 0 : i32
    %dma_wait3A_1036 = tpu.memref_slice %arg2[%add3A_147, %mul3A_165, %dma_wait3A_1034, %dma_wait3A_1035] : memref<16x2048x4x128xf32, #tpu.memory_space<hbm>> -> memref<1x64x4x128xf32, #tpu.memory_space<hbm>>
    %dma_wait3A_1037 = tpu.memref_squeeze %dma_wait3A_1036 : memref<1x64x4x128xf32, #tpu.memory_space<hbm>> -> memref<64x4x128xf32, #tpu.memory_space<hbm>>
    %dma_wait3A_1038 = tpu.memref_slice %arg7[%dma_wait3A_1028] : memref<3x!tpu.dma_semaphore, #tpu.memory_space<semaphore_mem>> -> memref<1x!tpu.dma_semaphore, #tpu.memory_space<semaphore_mem>>
    %dma_wait3A_1039 = tpu.memref_squeeze %dma_wait3A_1038 : memref<1x!tpu.dma_semaphore, #tpu.memory_space<semaphore_mem>> -> memref<!tpu.dma_semaphore, #tpu.memory_space<semaphore_mem>>
    %dma_wait3A_1040 = arith.constant 0 : i32
    %dma_wait3A_1041 = arith.constant 0 : i32
    %dma_wait3A_1042 = arith.constant 0 : i32
    %dma_wait3A_1043 = tpu.memref_slice %arg5[%dma_wait3A_1027, %dma_wait3A_1040, %dma_wait3A_1041, %dma_wait3A_1042] : memref<3x64x4x128xf32, #tpu.memory_space<vmem>> -> memref<1x64x4x128xf32, #tpu.memory_space<vmem>>
    %dma_wait3A_1044 = tpu.memref_squeeze %dma_wait3A_1043 : memref<1x64x4x128xf32, #tpu.memory_space<vmem>> -> memref<64x4x128xf32, #tpu.memory_space<vmem>>
    %dma_wait3A_1045 = arith.constant 0 : i32
    %dma_wait3A_1046 = arith.constant 0 : i32
    %dma_wait3A_1047 = tpu.memref_slice %arg2[%add3A_147, %mul3A_165, %dma_wait3A_1045, %dma_wait3A_1046] : memref<16x2048x4x128xf32, #tpu.memory_space<hbm>> -> memref<1x64x4x128xf32, #tpu.memory_space<hbm>>
    %dma_wait3A_1048 = tpu.memref_squeeze %dma_wait3A_1047 : memref<1x64x4x128xf32, #tpu.memory_space<hbm>> -> memref<64x4x128xf32, #tpu.memory_space<hbm>>
    tpu.wait_dma2 semaphore(%dma_wait3A_1039 : memref<!tpu.dma_semaphore, #tpu.memory_space<semaphore_mem>>) src(%dma_wait3A_1048 : memref<64x4x128xf32, #tpu.memory_space<hbm>>) dst(%dma_wait3A_1044 : memref<64x4x128xf32, #tpu.memory_space<vmem>>)
    %dma_start3A_1049 = arith.constant 2 : i32
    %dma_start3A_1050 = arith.constant 2 : i32
    %dma_start3A_1051 = arith.constant 0 : i32
    %dma_start3A_1052 = arith.constant 0 : i32
    %dma_start3A_1053 = arith.constant 0 : i32
    %dma_start3A_1054 = tpu.memref_slice %arg5[%dma_start3A_1049, %dma_start3A_1051, %dma_start3A_1052, %dma_start3A_1053] : memref<3x64x4x128xf32, #tpu.memory_space<vmem>> -> memref<1x64x4x128xf32, #tpu.memory_space<vmem>>
    %dma_start3A_1055 = tpu.memref_squeeze %dma_start3A_1054 : memref<1x64x4x128xf32, #tpu.memory_space<vmem>> -> memref<64x4x128xf32, #tpu.memory_space<vmem>>
    %dma_start3A_1056 = arith.constant 0 : i32
    %dma_start3A_1057 = arith.constant 0 : i32
    %dma_start3A_1058 = tpu.memref_slice %arg4[%add3A_147, %mul3A_165, %dma_start3A_1056, %dma_start3A_1057] : memref<16x2048x4x128xf32, #tpu.memory_space<hbm>> -> memref<1x64x4x128xf32, #tpu.memory_space<hbm>>
    %dma_start3A_1059 = tpu.memref_squeeze %dma_start3A_1058 : memref<1x64x4x128xf32, #tpu.memory_space<hbm>> -> memref<64x4x128xf32, #tpu.memory_space<hbm>>
    %dma_start3A_1060 = tpu.memref_slice %arg8[%dma_start3A_1050] : memref<3x!tpu.dma_semaphore, #tpu.memory_space<semaphore_mem>> -> memref<1x!tpu.dma_semaphore, #tpu.memory_space<semaphore_mem>>
    %dma_start3A_1061 = tpu.memref_squeeze %dma_start3A_1060 : memref<1x!tpu.dma_semaphore, #tpu.memory_space<semaphore_mem>> -> memref<!tpu.dma_semaphore, #tpu.memory_space<semaphore_mem>>
    %dma_start3A_1062 = arith.constant 0 : i32
    %dma_start3A_1063 = arith.constant 0 : i32
    %dma_start3A_1064 = tpu.memref_slice %arg4[%add3A_147, %mul3A_165, %dma_start3A_1062, %dma_start3A_1063] : memref<16x2048x4x128xf32, #tpu.memory_space<hbm>> -> memref<1x64x4x128xf32, #tpu.memory_space<hbm>>
    %dma_start3A_1065 = tpu.memref_squeeze %dma_start3A_1064 : memref<1x64x4x128xf32, #tpu.memory_space<hbm>> -> memref<64x4x128xf32, #tpu.memory_space<hbm>>
    %dma_start3A_1066 = arith.constant 0 : i32
    %dma_start3A_1067 = arith.constant 0 : i32
    %dma_start3A_1068 = arith.constant 0 : i32
    %dma_start3A_1069 = tpu.memref_slice %arg5[%dma_start3A_1049, %dma_start3A_1066, %dma_start3A_1067, %dma_start3A_1068] : memref<3x64x4x128xf32, #tpu.memory_space<vmem>> -> memref<1x64x4x128xf32, #tpu.memory_space<vmem>>
    %dma_start3A_1070 = tpu.memref_squeeze %dma_start3A_1069 : memref<1x64x4x128xf32, #tpu.memory_space<vmem>> -> memref<64x4x128xf32, #tpu.memory_space<vmem>>
    tpu.enqueue_dma source(%dma_start3A_1070 : memref<64x4x128xf32, #tpu.memory_space<vmem>>) target(%dma_start3A_1065 : memref<64x4x128xf32, #tpu.memory_space<hbm>>) target_semaphore(%dma_start3A_1061 : memref<!tpu.dma_semaphore, #tpu.memory_space<semaphore_mem>>)
    %dma_wait3A_1071 = arith.constant 2 : i32
    %dma_wait3A_1072 = arith.constant 2 : i32
    %dma_wait3A_1073 = arith.constant 0 : i32
    %dma_wait3A_1074 = arith.constant 0 : i32
    %dma_wait3A_1075 = arith.constant 0 : i32
    %dma_wait3A_1076 = tpu.memref_slice %arg5[%dma_wait3A_1071, %dma_wait3A_1073, %dma_wait3A_1074, %dma_wait3A_1075] : memref<3x64x4x128xf32, #tpu.memory_space<vmem>> -> memref<1x64x4x128xf32, #tpu.memory_space<vmem>>
    %dma_wait3A_1077 = tpu.memref_squeeze %dma_wait3A_1076 : memref<1x64x4x128xf32, #tpu.memory_space<vmem>> -> memref<64x4x128xf32, #tpu.memory_space<vmem>>
    %dma_wait3A_1078 = arith.constant 0 : i32
    %dma_wait3A_1079 = arith.constant 0 : i32
    %dma_wait3A_1080 = tpu.memref_slice %arg4[%add3A_147, %mul3A_165, %dma_wait3A_1078, %dma_wait3A_1079] : memref<16x2048x4x128xf32, #tpu.memory_space<hbm>> -> memref<1x64x4x128xf32, #tpu.memory_space<hbm>>
    %dma_wait3A_1081 = tpu.memref_squeeze %dma_wait3A_1080 : memref<1x64x4x128xf32, #tpu.memory_space<hbm>> -> memref<64x4x128xf32, #tpu.memory_space<hbm>>
    %dma_wait3A_1082 = tpu.memref_slice %arg8[%dma_wait3A_1072] : memref<3x!tpu.dma_semaphore, #tpu.memory_space<semaphore_mem>> -> memref<1x!tpu.dma_semaphore, #tpu.memory_space<semaphore_mem>>
    %dma_wait3A_1083 = tpu.memref_squeeze %dma_wait3A_1082 : memref<1x!tpu.dma_semaphore, #tpu.memory_space<semaphore_mem>> -> memref<!tpu.dma_semaphore, #tpu.memory_space<semaphore_mem>>
    %dma_wait3A_1084 = arith.constant 0 : i32
    %dma_wait3A_1085 = arith.constant 0 : i32
    %dma_wait3A_1086 = tpu.memref_slice %arg4[%add3A_147, %mul3A_165, %dma_wait3A_1084, %dma_wait3A_1085] : memref<16x2048x4x128xf32, #tpu.memory_space<hbm>> -> memref<1x64x4x128xf32, #tpu.memory_space<hbm>>
    %dma_wait3A_1087 = tpu.memref_squeeze %dma_wait3A_1086 : memref<1x64x4x128xf32, #tpu.memory_space<hbm>> -> memref<64x4x128xf32, #tpu.memory_space<hbm>>
    %dma_wait3A_1088 = arith.constant 0 : i32
    %dma_wait3A_1089 = arith.constant 0 : i32
    %dma_wait3A_1090 = arith.constant 0 : i32
    %dma_wait3A_1091 = tpu.memref_slice %arg5[%dma_wait3A_1071, %dma_wait3A_1088, %dma_wait3A_1089, %dma_wait3A_1090] : memref<3x64x4x128xf32, #tpu.memory_space<vmem>> -> memref<1x64x4x128xf32, #tpu.memory_space<vmem>>
    %dma_wait3A_1092 = tpu.memref_squeeze %dma_wait3A_1091 : memref<1x64x4x128xf32, #tpu.memory_space<vmem>> -> memref<64x4x128xf32, #tpu.memory_space<vmem>>
    tpu.wait_dma2 semaphore(%dma_wait3A_1083 : memref<!tpu.dma_semaphore, #tpu.memory_space<semaphore_mem>>) src(%dma_wait3A_1092 : memref<64x4x128xf32, #tpu.memory_space<vmem>>) dst(%dma_wait3A_1087 : memref<64x4x128xf32, #tpu.memory_space<hbm>>)
    %dma_start3A_1093 = arith.constant 2 : i32
    %dma_start3A_1094 = arith.constant 2 : i32
    %dma_start3A_1095 = arith.constant 0 : i32
    %dma_start3A_1096 = arith.constant 0 : i32
    %dma_start3A_1097 = arith.constant 0 : i32
    %dma_start3A_1098 = tpu.memref_slice %arg5[%dma_start3A_1093, %dma_start3A_1095, %dma_start3A_1096, %dma_start3A_1097] : memref<3x64x4x128xf32, #tpu.memory_space<vmem>> -> memref<1x64x4x128xf32, #tpu.memory_space<vmem>>
    %dma_start3A_1099 = tpu.memref_squeeze %dma_start3A_1098 : memref<1x64x4x128xf32, #tpu.memory_space<vmem>> -> memref<64x4x128xf32, #tpu.memory_space<vmem>>
    %dma_start3A_1100 = arith.constant 0 : i32
    %dma_start3A_1101 = arith.constant 0 : i32
    %dma_start3A_1102 = tpu.memref_slice %arg2[%add3A_321, %mul3A_339, %dma_start3A_1100, %dma_start3A_1101] : memref<16x2048x4x128xf32, #tpu.memory_space<hbm>> -> memref<1x64x4x128xf32, #tpu.memory_space<hbm>>
    %dma_start3A_1103 = tpu.memref_squeeze %dma_start3A_1102 : memref<1x64x4x128xf32, #tpu.memory_space<hbm>> -> memref<64x4x128xf32, #tpu.memory_space<hbm>>
    %dma_start3A_1104 = tpu.memref_slice %arg7[%dma_start3A_1094] : memref<3x!tpu.dma_semaphore, #tpu.memory_space<semaphore_mem>> -> memref<1x!tpu.dma_semaphore, #tpu.memory_space<semaphore_mem>>
    %dma_start3A_1105 = tpu.memref_squeeze %dma_start3A_1104 : memref<1x!tpu.dma_semaphore, #tpu.memory_space<semaphore_mem>> -> memref<!tpu.dma_semaphore, #tpu.memory_space<semaphore_mem>>
    %dma_start3A_1106 = arith.constant 0 : i32
    %dma_start3A_1107 = arith.constant 0 : i32
    %dma_start3A_1108 = arith.constant 0 : i32
    %dma_start3A_1109 = tpu.memref_slice %arg5[%dma_start3A_1093, %dma_start3A_1106, %dma_start3A_1107, %dma_start3A_1108] : memref<3x64x4x128xf32, #tpu.memory_space<vmem>> -> memref<1x64x4x128xf32, #tpu.memory_space<vmem>>
    %dma_start3A_1110 = tpu.memref_squeeze %dma_start3A_1109 : memref<1x64x4x128xf32, #tpu.memory_space<vmem>> -> memref<64x4x128xf32, #tpu.memory_space<vmem>>
    %dma_start3A_1111 = arith.constant 0 : i32
    %dma_start3A_1112 = arith.constant 0 : i32
    %dma_start3A_1113 = tpu.memref_slice %arg2[%add3A_321, %mul3A_339, %dma_start3A_1111, %dma_start3A_1112] : memref<16x2048x4x128xf32, #tpu.memory_space<hbm>> -> memref<1x64x4x128xf32, #tpu.memory_space<hbm>>
    %dma_start3A_1114 = tpu.memref_squeeze %dma_start3A_1113 : memref<1x64x4x128xf32, #tpu.memory_space<hbm>> -> memref<64x4x128xf32, #tpu.memory_space<hbm>>
    tpu.enqueue_dma source(%dma_start3A_1114 : memref<64x4x128xf32, #tpu.memory_space<hbm>>) target(%dma_start3A_1110 : memref<64x4x128xf32, #tpu.memory_space<vmem>>) target_semaphore(%dma_start3A_1105 : memref<!tpu.dma_semaphore, #tpu.memory_space<semaphore_mem>>)
    %dma_wait3A_1115 = arith.constant 0 : i32
    %dma_wait3A_1116 = arith.constant 0 : i32
    %dma_wait3A_1117 = arith.constant 0 : i32
    %dma_wait3A_1118 = arith.constant 0 : i32
    %dma_wait3A_1119 = arith.constant 0 : i32
    %dma_wait3A_1120 = tpu.memref_slice %arg5[%dma_wait3A_1115, %dma_wait3A_1117, %dma_wait3A_1118, %dma_wait3A_1119] : memref<3x64x4x128xf32, #tpu.memory_space<vmem>> -> memref<1x64x4x128xf32, #tpu.memory_space<vmem>>
    %dma_wait3A_1121 = tpu.memref_squeeze %dma_wait3A_1120 : memref<1x64x4x128xf32, #tpu.memory_space<vmem>> -> memref<64x4x128xf32, #tpu.memory_space<vmem>>
    %dma_wait3A_1122 = arith.constant 0 : i32
    %dma_wait3A_1123 = arith.constant 0 : i32
    %dma_wait3A_1124 = tpu.memref_slice %arg2[%add3A_205, %mul3A_223, %dma_wait3A_1122, %dma_wait3A_1123] : memref<16x2048x4x128xf32, #tpu.memory_space<hbm>> -> memref<1x64x4x128xf32, #tpu.memory_space<hbm>>
    %dma_wait3A_1125 = tpu.memref_squeeze %dma_wait3A_1124 : memref<1x64x4x128xf32, #tpu.memory_space<hbm>> -> memref<64x4x128xf32, #tpu.memory_space<hbm>>
    %dma_wait3A_1126 = tpu.memref_slice %arg7[%dma_wait3A_1116] : memref<3x!tpu.dma_semaphore, #tpu.memory_space<semaphore_mem>> -> memref<1x!tpu.dma_semaphore, #tpu.memory_space<semaphore_mem>>
    %dma_wait3A_1127 = tpu.memref_squeeze %dma_wait3A_1126 : memref<1x!tpu.dma_semaphore, #tpu.memory_space<semaphore_mem>> -> memref<!tpu.dma_semaphore, #tpu.memory_space<semaphore_mem>>
    %dma_wait3A_1128 = arith.constant 0 : i32
    %dma_wait3A_1129 = arith.constant 0 : i32
    %dma_wait3A_1130 = arith.constant 0 : i32
    %dma_wait3A_1131 = tpu.memref_slice %arg5[%dma_wait3A_1115, %dma_wait3A_1128, %dma_wait3A_1129, %dma_wait3A_1130] : memref<3x64x4x128xf32, #tpu.memory_space<vmem>> -> memref<1x64x4x128xf32, #tpu.memory_space<vmem>>
    %dma_wait3A_1132 = tpu.memref_squeeze %dma_wait3A_1131 : memref<1x64x4x128xf32, #tpu.memory_space<vmem>> -> memref<64x4x128xf32, #tpu.memory_space<vmem>>
    %dma_wait3A_1133 = arith.constant 0 : i32
    %dma_wait3A_1134 = arith.constant 0 : i32
    %dma_wait3A_1135 = tpu.memref_slice %arg2[%add3A_205, %mul3A_223, %dma_wait3A_1133, %dma_wait3A_1134] : memref<16x2048x4x128xf32, #tpu.memory_space<hbm>> -> memref<1x64x4x128xf32, #tpu.memory_space<hbm>>
    %dma_wait3A_1136 = tpu.memref_squeeze %dma_wait3A_1135 : memref<1x64x4x128xf32, #tpu.memory_space<hbm>> -> memref<64x4x128xf32, #tpu.memory_space<hbm>>
    tpu.wait_dma2 semaphore(%dma_wait3A_1127 : memref<!tpu.dma_semaphore, #tpu.memory_space<semaphore_mem>>) src(%dma_wait3A_1136 : memref<64x4x128xf32, #tpu.memory_space<hbm>>) dst(%dma_wait3A_1132 : memref<64x4x128xf32, #tpu.memory_space<vmem>>)
    %dma_start3A_1137 = arith.constant 0 : i32
    %dma_start3A_1138 = arith.constant 0 : i32
    %dma_start3A_1139 = arith.constant 0 : i32
    %dma_start3A_1140 = arith.constant 0 : i32
    %dma_start3A_1141 = arith.constant 0 : i32
    %dma_start3A_1142 = tpu.memref_slice %arg5[%dma_start3A_1137, %dma_start3A_1139, %dma_start3A_1140, %dma_start3A_1141] : memref<3x64x4x128xf32, #tpu.memory_space<vmem>> -> memref<1x64x4x128xf32, #tpu.memory_space<vmem>>
    %dma_start3A_1143 = tpu.memref_squeeze %dma_start3A_1142 : memref<1x64x4x128xf32, #tpu.memory_space<vmem>> -> memref<64x4x128xf32, #tpu.memory_space<vmem>>
    %dma_start3A_1144 = arith.constant 0 : i32
    %dma_start3A_1145 = arith.constant 0 : i32
    %dma_start3A_1146 = tpu.memref_slice %arg4[%add3A_205, %mul3A_223, %dma_start3A_1144, %dma_start3A_1145] : memref<16x2048x4x128xf32, #tpu.memory_space<hbm>> -> memref<1x64x4x128xf32, #tpu.memory_space<hbm>>
    %dma_start3A_1147 = tpu.memref_squeeze %dma_start3A_1146 : memref<1x64x4x128xf32, #tpu.memory_space<hbm>> -> memref<64x4x128xf32, #tpu.memory_space<hbm>>
    %dma_start3A_1148 = tpu.memref_slice %arg8[%dma_start3A_1138] : memref<3x!tpu.dma_semaphore, #tpu.memory_space<semaphore_mem>> -> memref<1x!tpu.dma_semaphore, #tpu.memory_space<semaphore_mem>>
    %dma_start3A_1149 = tpu.memref_squeeze %dma_start3A_1148 : memref<1x!tpu.dma_semaphore, #tpu.memory_space<semaphore_mem>> -> memref<!tpu.dma_semaphore, #tpu.memory_space<semaphore_mem>>
    %dma_start3A_1150 = arith.constant 0 : i32
    %dma_start3A_1151 = arith.constant 0 : i32
    %dma_start3A_1152 = tpu.memref_slice %arg4[%add3A_205, %mul3A_223, %dma_start3A_1150, %dma_start3A_1151] : memref<16x2048x4x128xf32, #tpu.memory_space<hbm>> -> memref<1x64x4x128xf32, #tpu.memory_space<hbm>>
    %dma_start3A_1153 = tpu.memref_squeeze %dma_start3A_1152 : memref<1x64x4x128xf32, #tpu.memory_space<hbm>> -> memref<64x4x128xf32, #tpu.memory_space<hbm>>
    %dma_start3A_1154 = arith.constant 0 : i32
    %dma_start3A_1155 = arith.constant 0 : i32
    %dma_start3A_1156 = arith.constant 0 : i32
    %dma_start3A_1157 = tpu.memref_slice %arg5[%dma_start3A_1137, %dma_start3A_1154, %dma_start3A_1155, %dma_start3A_1156] : memref<3x64x4x128xf32, #tpu.memory_space<vmem>> -> memref<1x64x4x128xf32, #tpu.memory_space<vmem>>
    %dma_start3A_1158 = tpu.memref_squeeze %dma_start3A_1157 : memref<1x64x4x128xf32, #tpu.memory_space<vmem>> -> memref<64x4x128xf32, #tpu.memory_space<vmem>>
    tpu.enqueue_dma source(%dma_start3A_1158 : memref<64x4x128xf32, #tpu.memory_space<vmem>>) target(%dma_start3A_1153 : memref<64x4x128xf32, #tpu.memory_space<hbm>>) target_semaphore(%dma_start3A_1149 : memref<!tpu.dma_semaphore, #tpu.memory_space<semaphore_mem>>)
    %dma_wait3A_1159 = arith.constant 0 : i32
    %dma_wait3A_1160 = arith.constant 0 : i32
    %dma_wait3A_1161 = arith.constant 0 : i32
    %dma_wait3A_1162 = arith.constant 0 : i32
    %dma_wait3A_1163 = arith.constant 0 : i32
    %dma_wait3A_1164 = tpu.memref_slice %arg5[%dma_wait3A_1159, %dma_wait3A_1161, %dma_wait3A_1162, %dma_wait3A_1163] : memref<3x64x4x128xf32, #tpu.memory_space<vmem>> -> memref<1x64x4x128xf32, #tpu.memory_space<vmem>>
    %dma_wait3A_1165 = tpu.memref_squeeze %dma_wait3A_1164 : memref<1x64x4x128xf32, #tpu.memory_space<vmem>> -> memref<64x4x128xf32, #tpu.memory_space<vmem>>
    %dma_wait3A_1166 = arith.constant 0 : i32
    %dma_wait3A_1167 = arith.constant 0 : i32
    %dma_wait3A_1168 = tpu.memref_slice %arg4[%add3A_205, %mul3A_223, %dma_wait3A_1166, %dma_wait3A_1167] : memref<16x2048x4x128xf32, #tpu.memory_space<hbm>> -> memref<1x64x4x128xf32, #tpu.memory_space<hbm>>
    %dma_wait3A_1169 = tpu.memref_squeeze %dma_wait3A_1168 : memref<1x64x4x128xf32, #tpu.memory_space<hbm>> -> memref<64x4x128xf32, #tpu.memory_space<hbm>>
    %dma_wait3A_1170 = tpu.memref_slice %arg8[%dma_wait3A_1160] : memref<3x!tpu.dma_semaphore, #tpu.memory_space<semaphore_mem>> -> memref<1x!tpu.dma_semaphore, #tpu.memory_space<semaphore_mem>>
    %dma_wait3A_1171 = tpu.memref_squeeze %dma_wait3A_1170 : memref<1x!tpu.dma_semaphore, #tpu.memory_space<semaphore_mem>> -> memref<!tpu.dma_semaphore, #tpu.memory_space<semaphore_mem>>
    %dma_wait3A_1172 = arith.constant 0 : i32
    %dma_wait3A_1173 = arith.constant 0 : i32
    %dma_wait3A_1174 = tpu.memref_slice %arg4[%add3A_205, %mul3A_223, %dma_wait3A_1172, %dma_wait3A_1173] : memref<16x2048x4x128xf32, #tpu.memory_space<hbm>> -> memref<1x64x4x128xf32, #tpu.memory_space<hbm>>
    %dma_wait3A_1175 = tpu.memref_squeeze %dma_wait3A_1174 : memref<1x64x4x128xf32, #tpu.memory_space<hbm>> -> memref<64x4x128xf32, #tpu.memory_space<hbm>>
    %dma_wait3A_1176 = arith.constant 0 : i32
    %dma_wait3A_1177 = arith.constant 0 : i32
    %dma_wait3A_1178 = arith.constant 0 : i32
    %dma_wait3A_1179 = tpu.memref_slice %arg5[%dma_wait3A_1159, %dma_wait3A_1176, %dma_wait3A_1177, %dma_wait3A_1178] : memref<3x64x4x128xf32, #tpu.memory_space<vmem>> -> memref<1x64x4x128xf32, #tpu.memory_space<vmem>>
    %dma_wait3A_1180 = tpu.memref_squeeze %dma_wait3A_1179 : memref<1x64x4x128xf32, #tpu.memory_space<vmem>> -> memref<64x4x128xf32, #tpu.memory_space<vmem>>
    tpu.wait_dma2 semaphore(%dma_wait3A_1171 : memref<!tpu.dma_semaphore, #tpu.memory_space<semaphore_mem>>) src(%dma_wait3A_1180 : memref<64x4x128xf32, #tpu.memory_space<vmem>>) dst(%dma_wait3A_1175 : memref<64x4x128xf32, #tpu.memory_space<hbm>>)
    %dma_start3A_1181 = arith.constant 0 : i32
    %dma_start3A_1182 = arith.constant 0 : i32
    %dma_start3A_1183 = arith.constant 0 : i32
    %dma_start3A_1184 = arith.constant 0 : i32
    %dma_start3A_1185 = arith.constant 0 : i32
    %dma_start3A_1186 = tpu.memref_slice %arg5[%dma_start3A_1181, %dma_start3A_1183, %dma_start3A_1184, %dma_start3A_1185] : memref<3x64x4x128xf32, #tpu.memory_space<vmem>> -> memref<1x64x4x128xf32, #tpu.memory_space<vmem>>
    %dma_start3A_1187 = tpu.memref_squeeze %dma_start3A_1186 : memref<1x64x4x128xf32, #tpu.memory_space<vmem>> -> memref<64x4x128xf32, #tpu.memory_space<vmem>>
    %dma_start3A_1188 = arith.constant 0 : i32
    %dma_start3A_1189 = arith.constant 0 : i32
    %dma_start3A_1190 = tpu.memref_slice %arg2[%add3A_379, %mul3A_397, %dma_start3A_1188, %dma_start3A_1189] : memref<16x2048x4x128xf32, #tpu.memory_space<hbm>> -> memref<1x64x4x128xf32, #tpu.memory_space<hbm>>
    %dma_start3A_1191 = tpu.memref_squeeze %dma_start3A_1190 : memref<1x64x4x128xf32, #tpu.memory_space<hbm>> -> memref<64x4x128xf32, #tpu.memory_space<hbm>>
    %dma_start3A_1192 = tpu.memref_slice %arg7[%dma_start3A_1182] : memref<3x!tpu.dma_semaphore, #tpu.memory_space<semaphore_mem>> -> memref<1x!tpu.dma_semaphore, #tpu.memory_space<semaphore_mem>>
    %dma_start3A_1193 = tpu.memref_squeeze %dma_start3A_1192 : memref<1x!tpu.dma_semaphore, #tpu.memory_space<semaphore_mem>> -> memref<!tpu.dma_semaphore, #tpu.memory_space<semaphore_mem>>
    %dma_start3A_1194 = arith.constant 0 : i32
    %dma_start3A_1195 = arith.constant 0 : i32
    %dma_start3A_1196 = arith.constant 0 : i32
    %dma_start3A_1197 = tpu.memref_slice %arg5[%dma_start3A_1181, %dma_start3A_1194, %dma_start3A_1195, %dma_start3A_1196] : memref<3x64x4x128xf32, #tpu.memory_space<vmem>> -> memref<1x64x4x128xf32, #tpu.memory_space<vmem>>
    %dma_start3A_1198 = tpu.memref_squeeze %dma_start3A_1197 : memref<1x64x4x128xf32, #tpu.memory_space<vmem>> -> memref<64x4x128xf32, #tpu.memory_space<vmem>>
    %dma_start3A_1199 = arith.constant 0 : i32
    %dma_start3A_1200 = arith.constant 0 : i32
    %dma_start3A_1201 = tpu.memref_slice %arg2[%add3A_379, %mul3A_397, %dma_start3A_1199, %dma_start3A_1200] : memref<16x2048x4x128xf32, #tpu.memory_space<hbm>> -> memref<1x64x4x128xf32, #tpu.memory_space<hbm>>
    %dma_start3A_1202 = tpu.memref_squeeze %dma_start3A_1201 : memref<1x64x4x128xf32, #tpu.memory_space<hbm>> -> memref<64x4x128xf32, #tpu.memory_space<hbm>>
    tpu.enqueue_dma source(%dma_start3A_1202 : memref<64x4x128xf32, #tpu.memory_space<hbm>>) target(%dma_start3A_1198 : memref<64x4x128xf32, #tpu.memory_space<vmem>>) target_semaphore(%dma_start3A_1193 : memref<!tpu.dma_semaphore, #tpu.memory_space<semaphore_mem>>)
    %dma_wait3A_1203 = arith.constant 1 : i32
    %dma_wait3A_1204 = arith.constant 1 : i32
    %dma_wait3A_1205 = arith.constant 0 : i32
    %dma_wait3A_1206 = arith.constant 0 : i32
    %dma_wait3A_1207 = arith.constant 0 : i32
    %dma_wait3A_1208 = tpu.memref_slice %arg5[%dma_wait3A_1203, %dma_wait3A_1205, %dma_wait3A_1206, %dma_wait3A_1207] : memref<3x64x4x128xf32, #tpu.memory_space<vmem>> -> memref<1x64x4x128xf32, #tpu.memory_space<vmem>>
    %dma_wait3A_1209 = tpu.memref_squeeze %dma_wait3A_1208 : memref<1x64x4x128xf32, #tpu.memory_space<vmem>> -> memref<64x4x128xf32, #tpu.memory_space<vmem>>
    %dma_wait3A_1210 = arith.constant 0 : i32
    %dma_wait3A_1211 = arith.constant 0 : i32
    %dma_wait3A_1212 = tpu.memref_slice %arg2[%add3A_263, %mul3A_281, %dma_wait3A_1210, %dma_wait3A_1211] : memref<16x2048x4x128xf32, #tpu.memory_space<hbm>> -> memref<1x64x4x128xf32, #tpu.memory_space<hbm>>
    %dma_wait3A_1213 = tpu.memref_squeeze %dma_wait3A_1212 : memref<1x64x4x128xf32, #tpu.memory_space<hbm>> -> memref<64x4x128xf32, #tpu.memory_space<hbm>>
    %dma_wait3A_1214 = tpu.memref_slice %arg7[%dma_wait3A_1204] : memref<3x!tpu.dma_semaphore, #tpu.memory_space<semaphore_mem>> -> memref<1x!tpu.dma_semaphore, #tpu.memory_space<semaphore_mem>>
    %dma_wait3A_1215 = tpu.memref_squeeze %dma_wait3A_1214 : memref<1x!tpu.dma_semaphore, #tpu.memory_space<semaphore_mem>> -> memref<!tpu.dma_semaphore, #tpu.memory_space<semaphore_mem>>
    %dma_wait3A_1216 = arith.constant 0 : i32
    %dma_wait3A_1217 = arith.constant 0 : i32
    %dma_wait3A_1218 = arith.constant 0 : i32
    %dma_wait3A_1219 = tpu.memref_slice %arg5[%dma_wait3A_1203, %dma_wait3A_1216, %dma_wait3A_1217, %dma_wait3A_1218] : memref<3x64x4x128xf32, #tpu.memory_space<vmem>> -> memref<1x64x4x128xf32, #tpu.memory_space<vmem>>
    %dma_wait3A_1220 = tpu.memref_squeeze %dma_wait3A_1219 : memref<1x64x4x128xf32, #tpu.memory_space<vmem>> -> memref<64x4x128xf32, #tpu.memory_space<vmem>>
    %dma_wait3A_1221 = arith.constant 0 : i32
    %dma_wait3A_1222 = arith.constant 0 : i32
    %dma_wait3A_1223 = tpu.memref_slice %arg2[%add3A_263, %mul3A_281, %dma_wait3A_1221, %dma_wait3A_1222] : memref<16x2048x4x128xf32, #tpu.memory_space<hbm>> -> memref<1x64x4x128xf32, #tpu.memory_space<hbm>>
    %dma_wait3A_1224 = tpu.memref_squeeze %dma_wait3A_1223 : memref<1x64x4x128xf32, #tpu.memory_space<hbm>> -> memref<64x4x128xf32, #tpu.memory_space<hbm>>
    tpu.wait_dma2 semaphore(%dma_wait3A_1215 : memref<!tpu.dma_semaphore, #tpu.memory_space<semaphore_mem>>) src(%dma_wait3A_1224 : memref<64x4x128xf32, #tpu.memory_space<hbm>>) dst(%dma_wait3A_1220 : memref<64x4x128xf32, #tpu.memory_space<vmem>>)
    %dma_start3A_1225 = arith.constant 1 : i32
    %dma_start3A_1226 = arith.constant 1 : i32
    %dma_start3A_1227 = arith.constant 0 : i32
    %dma_start3A_1228 = arith.constant 0 : i32
    %dma_start3A_1229 = arith.constant 0 : i32
    %dma_start3A_1230 = tpu.memref_slice %arg5[%dma_start3A_1225, %dma_start3A_1227, %dma_start3A_1228, %dma_start3A_1229] : memref<3x64x4x128xf32, #tpu.memory_space<vmem>> -> memref<1x64x4x128xf32, #tpu.memory_space<vmem>>
    %dma_start3A_1231 = tpu.memref_squeeze %dma_start3A_1230 : memref<1x64x4x128xf32, #tpu.memory_space<vmem>> -> memref<64x4x128xf32, #tpu.memory_space<vmem>>
    %dma_start3A_1232 = arith.constant 0 : i32
    %dma_start3A_1233 = arith.constant 0 : i32
    %dma_start3A_1234 = tpu.memref_slice %arg4[%add3A_263, %mul3A_281, %dma_start3A_1232, %dma_start3A_1233] : memref<16x2048x4x128xf32, #tpu.memory_space<hbm>> -> memref<1x64x4x128xf32, #tpu.memory_space<hbm>>
    %dma_start3A_1235 = tpu.memref_squeeze %dma_start3A_1234 : memref<1x64x4x128xf32, #tpu.memory_space<hbm>> -> memref<64x4x128xf32, #tpu.memory_space<hbm>>
    %dma_start3A_1236 = tpu.memref_slice %arg8[%dma_start3A_1226] : memref<3x!tpu.dma_semaphore, #tpu.memory_space<semaphore_mem>> -> memref<1x!tpu.dma_semaphore, #tpu.memory_space<semaphore_mem>>
    %dma_start3A_1237 = tpu.memref_squeeze %dma_start3A_1236 : memref<1x!tpu.dma_semaphore, #tpu.memory_space<semaphore_mem>> -> memref<!tpu.dma_semaphore, #tpu.memory_space<semaphore_mem>>
    %dma_start3A_1238 = arith.constant 0 : i32
    %dma_start3A_1239 = arith.constant 0 : i32
    %dma_start3A_1240 = tpu.memref_slice %arg4[%add3A_263, %mul3A_281, %dma_start3A_1238, %dma_start3A_1239] : memref<16x2048x4x128xf32, #tpu.memory_space<hbm>> -> memref<1x64x4x128xf32, #tpu.memory_space<hbm>>
    %dma_start3A_1241 = tpu.memref_squeeze %dma_start3A_1240 : memref<1x64x4x128xf32, #tpu.memory_space<hbm>> -> memref<64x4x128xf32, #tpu.memory_space<hbm>>
    %dma_start3A_1242 = arith.constant 0 : i32
    %dma_start3A_1243 = arith.constant 0 : i32
    %dma_start3A_1244 = arith.constant 0 : i32
    %dma_start3A_1245 = tpu.memref_slice %arg5[%dma_start3A_1225, %dma_start3A_1242, %dma_start3A_1243, %dma_start3A_1244] : memref<3x64x4x128xf32, #tpu.memory_space<vmem>> -> memref<1x64x4x128xf32, #tpu.memory_space<vmem>>
    %dma_start3A_1246 = tpu.memref_squeeze %dma_start3A_1245 : memref<1x64x4x128xf32, #tpu.memory_space<vmem>> -> memref<64x4x128xf32, #tpu.memory_space<vmem>>
    tpu.enqueue_dma source(%dma_start3A_1246 : memref<64x4x128xf32, #tpu.memory_space<vmem>>) target(%dma_start3A_1241 : memref<64x4x128xf32, #tpu.memory_space<hbm>>) target_semaphore(%dma_start3A_1237 : memref<!tpu.dma_semaphore, #tpu.memory_space<semaphore_mem>>)
    %dma_wait3A_1247 = arith.constant 1 : i32
    %dma_wait3A_1248 = arith.constant 1 : i32
    %dma_wait3A_1249 = arith.constant 0 : i32
    %dma_wait3A_1250 = arith.constant 0 : i32
    %dma_wait3A_1251 = arith.constant 0 : i32
    %dma_wait3A_1252 = tpu.memref_slice %arg5[%dma_wait3A_1247, %dma_wait3A_1249, %dma_wait3A_1250, %dma_wait3A_1251] : memref<3x64x4x128xf32, #tpu.memory_space<vmem>> -> memref<1x64x4x128xf32, #tpu.memory_space<vmem>>
    %dma_wait3A_1253 = tpu.memref_squeeze %dma_wait3A_1252 : memref<1x64x4x128xf32, #tpu.memory_space<vmem>> -> memref<64x4x128xf32, #tpu.memory_space<vmem>>
    %dma_wait3A_1254 = arith.constant 0 : i32
    %dma_wait3A_1255 = arith.constant 0 : i32
    %dma_wait3A_1256 = tpu.memref_slice %arg4[%add3A_263, %mul3A_281, %dma_wait3A_1254, %dma_wait3A_1255] : memref<16x2048x4x128xf32, #tpu.memory_space<hbm>> -> memref<1x64x4x128xf32, #tpu.memory_space<hbm>>
    %dma_wait3A_1257 = tpu.memref_squeeze %dma_wait3A_1256 : memref<1x64x4x128xf32, #tpu.memory_space<hbm>> -> memref<64x4x128xf32, #tpu.memory_space<hbm>>
    %dma_wait3A_1258 = tpu.memref_slice %arg8[%dma_wait3A_1248] : memref<3x!tpu.dma_semaphore, #tpu.memory_space<semaphore_mem>> -> memref<1x!tpu.dma_semaphore, #tpu.memory_space<semaphore_mem>>
    %dma_wait3A_1259 = tpu.memref_squeeze %dma_wait3A_1258 : memref<1x!tpu.dma_semaphore, #tpu.memory_space<semaphore_mem>> -> memref<!tpu.dma_semaphore, #tpu.memory_space<semaphore_mem>>
    %dma_wait3A_1260 = arith.constant 0 : i32
    %dma_wait3A_1261 = arith.constant 0 : i32
    %dma_wait3A_1262 = tpu.memref_slice %arg4[%add3A_263, %mul3A_281, %dma_wait3A_1260, %dma_wait3A_1261] : memref<16x2048x4x128xf32, #tpu.memory_space<hbm>> -> memref<1x64x4x128xf32, #tpu.memory_space<hbm>>
    %dma_wait3A_1263 = tpu.memref_squeeze %dma_wait3A_1262 : memref<1x64x4x128xf32, #tpu.memory_space<hbm>> -> memref<64x4x128xf32, #tpu.memory_space<hbm>>
    %dma_wait3A_1264 = arith.constant 0 : i32
    %dma_wait3A_1265 = arith.constant 0 : i32
    %dma_wait3A_1266 = arith.constant 0 : i32
    %dma_wait3A_1267 = tpu.memref_slice %arg5[%dma_wait3A_1247, %dma_wait3A_1264, %dma_wait3A_1265, %dma_wait3A_1266] : memref<3x64x4x128xf32, #tpu.memory_space<vmem>> -> memref<1x64x4x128xf32, #tpu.memory_space<vmem>>
    %dma_wait3A_1268 = tpu.memref_squeeze %dma_wait3A_1267 : memref<1x64x4x128xf32, #tpu.memory_space<vmem>> -> memref<64x4x128xf32, #tpu.memory_space<vmem>>
    tpu.wait_dma2 semaphore(%dma_wait3A_1259 : memref<!tpu.dma_semaphore, #tpu.memory_space<semaphore_mem>>) src(%dma_wait3A_1268 : memref<64x4x128xf32, #tpu.memory_space<vmem>>) dst(%dma_wait3A_1263 : memref<64x4x128xf32, #tpu.memory_space<hbm>>)
    %dma_start3A_1269 = arith.constant 1 : i32
    %dma_start3A_1270 = arith.constant 1 : i32
    %dma_start3A_1271 = arith.constant 0 : i32
    %dma_start3A_1272 = arith.constant 0 : i32
    %dma_start3A_1273 = arith.constant 0 : i32
    %dma_start3A_1274 = tpu.memref_slice %arg5[%dma_start3A_1269, %dma_start3A_1271, %dma_start3A_1272, %dma_start3A_1273] : memref<3x64x4x128xf32, #tpu.memory_space<vmem>> -> memref<1x64x4x128xf32, #tpu.memory_space<vmem>>
    %dma_start3A_1275 = tpu.memref_squeeze %dma_start3A_1274 : memref<1x64x4x128xf32, #tpu.memory_space<vmem>> -> memref<64x4x128xf32, #tpu.memory_space<vmem>>
    %dma_start3A_1276 = arith.constant 0 : i32
    %dma_start3A_1277 = arith.constant 0 : i32
    %dma_start3A_1278 = tpu.memref_slice %arg2[%add3A_437, %mul3A_455, %dma_start3A_1276, %dma_start3A_1277] : memref<16x2048x4x128xf32, #tpu.memory_space<hbm>> -> memref<1x64x4x128xf32, #tpu.memory_space<hbm>>
    %dma_start3A_1279 = tpu.memref_squeeze %dma_start3A_1278 : memref<1x64x4x128xf32, #tpu.memory_space<hbm>> -> memref<64x4x128xf32, #tpu.memory_space<hbm>>
    %dma_start3A_1280 = tpu.memref_slice %arg7[%dma_start3A_1270] : memref<3x!tpu.dma_semaphore, #tpu.memory_space<semaphore_mem>> -> memref<1x!tpu.dma_semaphore, #tpu.memory_space<semaphore_mem>>
    %dma_start3A_1281 = tpu.memref_squeeze %dma_start3A_1280 : memref<1x!tpu.dma_semaphore, #tpu.memory_space<semaphore_mem>> -> memref<!tpu.dma_semaphore, #tpu.memory_space<semaphore_mem>>
    %dma_start3A_1282 = arith.constant 0 : i32
    %dma_start3A_1283 = arith.constant 0 : i32
    %dma_start3A_1284 = arith.constant 0 : i32
    %dma_start3A_1285 = tpu.memref_slice %arg5[%dma_start3A_1269, %dma_start3A_1282, %dma_start3A_1283, %dma_start3A_1284] : memref<3x64x4x128xf32, #tpu.memory_space<vmem>> -> memref<1x64x4x128xf32, #tpu.memory_space<vmem>>
    %dma_start3A_1286 = tpu.memref_squeeze %dma_start3A_1285 : memref<1x64x4x128xf32, #tpu.memory_space<vmem>> -> memref<64x4x128xf32, #tpu.memory_space<vmem>>
    %dma_start3A_1287 = arith.constant 0 : i32
    %dma_start3A_1288 = arith.constant 0 : i32
    %dma_start3A_1289 = tpu.memref_slice %arg2[%add3A_437, %mul3A_455, %dma_start3A_1287, %dma_start3A_1288] : memref<16x2048x4x128xf32, #tpu.memory_space<hbm>> -> memref<1x64x4x128xf32, #tpu.memory_space<hbm>>
    %dma_start3A_1290 = tpu.memref_squeeze %dma_start3A_1289 : memref<1x64x4x128xf32, #tpu.memory_space<hbm>> -> memref<64x4x128xf32, #tpu.memory_space<hbm>>
    tpu.enqueue_dma source(%dma_start3A_1290 : memref<64x4x128xf32, #tpu.memory_space<hbm>>) target(%dma_start3A_1286 : memref<64x4x128xf32, #tpu.memory_space<vmem>>) target_semaphore(%dma_start3A_1281 : memref<!tpu.dma_semaphore, #tpu.memory_space<semaphore_mem>>)
    %dma_wait3A_1291 = arith.constant 2 : i32
    %dma_wait3A_1292 = arith.constant 2 : i32
    %dma_wait3A_1293 = arith.constant 0 : i32
    %dma_wait3A_1294 = arith.constant 0 : i32
    %dma_wait3A_1295 = arith.constant 0 : i32
    %dma_wait3A_1296 = tpu.memref_slice %arg5[%dma_wait3A_1291, %dma_wait3A_1293, %dma_wait3A_1294, %dma_wait3A_1295] : memref<3x64x4x128xf32, #tpu.memory_space<vmem>> -> memref<1x64x4x128xf32, #tpu.memory_space<vmem>>
    %dma_wait3A_1297 = tpu.memref_squeeze %dma_wait3A_1296 : memref<1x64x4x128xf32, #tpu.memory_space<vmem>> -> memref<64x4x128xf32, #tpu.memory_space<vmem>>
    %dma_wait3A_1298 = arith.constant 0 : i32
    %dma_wait3A_1299 = arith.constant 0 : i32
    %dma_wait3A_1300 = tpu.memref_slice %arg2[%add3A_321, %mul3A_339, %dma_wait3A_1298, %dma_wait3A_1299] : memref<16x2048x4x128xf32, #tpu.memory_space<hbm>> -> memref<1x64x4x128xf32, #tpu.memory_space<hbm>>
    %dma_wait3A_1301 = tpu.memref_squeeze %dma_wait3A_1300 : memref<1x64x4x128xf32, #tpu.memory_space<hbm>> -> memref<64x4x128xf32, #tpu.memory_space<hbm>>
    %dma_wait3A_1302 = tpu.memref_slice %arg7[%dma_wait3A_1292] : memref<3x!tpu.dma_semaphore, #tpu.memory_space<semaphore_mem>> -> memref<1x!tpu.dma_semaphore, #tpu.memory_space<semaphore_mem>>
    %dma_wait3A_1303 = tpu.memref_squeeze %dma_wait3A_1302 : memref<1x!tpu.dma_semaphore, #tpu.memory_space<semaphore_mem>> -> memref<!tpu.dma_semaphore, #tpu.memory_space<semaphore_mem>>
    %dma_wait3A_1304 = arith.constant 0 : i32
    %dma_wait3A_1305 = arith.constant 0 : i32
    %dma_wait3A_1306 = arith.constant 0 : i32
    %dma_wait3A_1307 = tpu.memref_slice %arg5[%dma_wait3A_1291, %dma_wait3A_1304, %dma_wait3A_1305, %dma_wait3A_1306] : memref<3x64x4x128xf32, #tpu.memory_space<vmem>> -> memref<1x64x4x128xf32, #tpu.memory_space<vmem>>
    %dma_wait3A_1308 = tpu.memref_squeeze %dma_wait3A_1307 : memref<1x64x4x128xf32, #tpu.memory_space<vmem>> -> memref<64x4x128xf32, #tpu.memory_space<vmem>>
    %dma_wait3A_1309 = arith.constant 0 : i32
    %dma_wait3A_1310 = arith.constant 0 : i32
    %dma_wait3A_1311 = tpu.memref_slice %arg2[%add3A_321, %mul3A_339, %dma_wait3A_1309, %dma_wait3A_1310] : memref<16x2048x4x128xf32, #tpu.memory_space<hbm>> -> memref<1x64x4x128xf32, #tpu.memory_space<hbm>>
    %dma_wait3A_1312 = tpu.memref_squeeze %dma_wait3A_1311 : memref<1x64x4x128xf32, #tpu.memory_space<hbm>> -> memref<64x4x128xf32, #tpu.memory_space<hbm>>
    tpu.wait_dma2 semaphore(%dma_wait3A_1303 : memref<!tpu.dma_semaphore, #tpu.memory_space<semaphore_mem>>) src(%dma_wait3A_1312 : memref<64x4x128xf32, #tpu.memory_space<hbm>>) dst(%dma_wait3A_1308 : memref<64x4x128xf32, #tpu.memory_space<vmem>>)
    %dma_start3A_1313 = arith.constant 2 : i32
    %dma_start3A_1314 = arith.constant 2 : i32
    %dma_start3A_1315 = arith.constant 0 : i32
    %dma_start3A_1316 = arith.constant 0 : i32
    %dma_start3A_1317 = arith.constant 0 : i32
    %dma_start3A_1318 = tpu.memref_slice %arg5[%dma_start3A_1313, %dma_start3A_1315, %dma_start3A_1316, %dma_start3A_1317] : memref<3x64x4x128xf32, #tpu.memory_space<vmem>> -> memref<1x64x4x128xf32, #tpu.memory_space<vmem>>
    %dma_start3A_1319 = tpu.memref_squeeze %dma_start3A_1318 : memref<1x64x4x128xf32, #tpu.memory_space<vmem>> -> memref<64x4x128xf32, #tpu.memory_space<vmem>>
    %dma_start3A_1320 = arith.constant 0 : i32
    %dma_start3A_1321 = arith.constant 0 : i32
    %dma_start3A_1322 = tpu.memref_slice %arg4[%add3A_321, %mul3A_339, %dma_start3A_1320, %dma_start3A_1321] : memref<16x2048x4x128xf32, #tpu.memory_space<hbm>> -> memref<1x64x4x128xf32, #tpu.memory_space<hbm>>
    %dma_start3A_1323 = tpu.memref_squeeze %dma_start3A_1322 : memref<1x64x4x128xf32, #tpu.memory_space<hbm>> -> memref<64x4x128xf32, #tpu.memory_space<hbm>>
    %dma_start3A_1324 = tpu.memref_slice %arg8[%dma_start3A_1314] : memref<3x!tpu.dma_semaphore, #tpu.memory_space<semaphore_mem>> -> memref<1x!tpu.dma_semaphore, #tpu.memory_space<semaphore_mem>>
    %dma_start3A_1325 = tpu.memref_squeeze %dma_start3A_1324 : memref<1x!tpu.dma_semaphore, #tpu.memory_space<semaphore_mem>> -> memref<!tpu.dma_semaphore, #tpu.memory_space<semaphore_mem>>
    %dma_start3A_1326 = arith.constant 0 : i32
    %dma_start3A_1327 = arith.constant 0 : i32
    %dma_start3A_1328 = tpu.memref_slice %arg4[%add3A_321, %mul3A_339, %dma_start3A_1326, %dma_start3A_1327] : memref<16x2048x4x128xf32, #tpu.memory_space<hbm>> -> memref<1x64x4x128xf32, #tpu.memory_space<hbm>>
    %dma_start3A_1329 = tpu.memref_squeeze %dma_start3A_1328 : memref<1x64x4x128xf32, #tpu.memory_space<hbm>> -> memref<64x4x128xf32, #tpu.memory_space<hbm>>
    %dma_start3A_1330 = arith.constant 0 : i32
    %dma_start3A_1331 = arith.constant 0 : i32
    %dma_start3A_1332 = arith.constant 0 : i32
    %dma_start3A_1333 = tpu.memref_slice %arg5[%dma_start3A_1313, %dma_start3A_1330, %dma_start3A_1331, %dma_start3A_1332] : memref<3x64x4x128xf32, #tpu.memory_space<vmem>> -> memref<1x64x4x128xf32, #tpu.memory_space<vmem>>
    %dma_start3A_1334 = tpu.memref_squeeze %dma_start3A_1333 : memref<1x64x4x128xf32, #tpu.memory_space<vmem>> -> memref<64x4x128xf32, #tpu.memory_space<vmem>>
    tpu.enqueue_dma source(%dma_start3A_1334 : memref<64x4x128xf32, #tpu.memory_space<vmem>>) target(%dma_start3A_1329 : memref<64x4x128xf32, #tpu.memory_space<hbm>>) target_semaphore(%dma_start3A_1325 : memref<!tpu.dma_semaphore, #tpu.memory_space<semaphore_mem>>)
    %dma_wait3A_1335 = arith.constant 2 : i32
    %dma_wait3A_1336 = arith.constant 2 : i32
    %dma_wait3A_1337 = arith.constant 0 : i32
    %dma_wait3A_1338 = arith.constant 0 : i32
    %dma_wait3A_1339 = arith.constant 0 : i32
    %dma_wait3A_1340 = tpu.memref_slice %arg5[%dma_wait3A_1335, %dma_wait3A_1337, %dma_wait3A_1338, %dma_wait3A_1339] : memref<3x64x4x128xf32, #tpu.memory_space<vmem>> -> memref<1x64x4x128xf32, #tpu.memory_space<vmem>>
    %dma_wait3A_1341 = tpu.memref_squeeze %dma_wait3A_1340 : memref<1x64x4x128xf32, #tpu.memory_space<vmem>> -> memref<64x4x128xf32, #tpu.memory_space<vmem>>
    %dma_wait3A_1342 = arith.constant 0 : i32
    %dma_wait3A_1343 = arith.constant 0 : i32
    %dma_wait3A_1344 = tpu.memref_slice %arg4[%add3A_321, %mul3A_339, %dma_wait3A_1342, %dma_wait3A_1343] : memref<16x2048x4x128xf32, #tpu.memory_space<hbm>> -> memref<1x64x4x128xf32, #tpu.memory_space<hbm>>
    %dma_wait3A_1345 = tpu.memref_squeeze %dma_wait3A_1344 : memref<1x64x4x128xf32, #tpu.memory_space<hbm>> -> memref<64x4x128xf32, #tpu.memory_space<hbm>>
    %dma_wait3A_1346 = tpu.memref_slice %arg8[%dma_wait3A_1336] : memref<3x!tpu.dma_semaphore, #tpu.memory_space<semaphore_mem>> -> memref<1x!tpu.dma_semaphore, #tpu.memory_space<semaphore_mem>>
    %dma_wait3A_1347 = tpu.memref_squeeze %dma_wait3A_1346 : memref<1x!tpu.dma_semaphore, #tpu.memory_space<semaphore_mem>> -> memref<!tpu.dma_semaphore, #tpu.memory_space<semaphore_mem>>
    %dma_wait3A_1348 = arith.constant 0 : i32
    %dma_wait3A_1349 = arith.constant 0 : i32
    %dma_wait3A_1350 = tpu.memref_slice %arg4[%add3A_321, %mul3A_339, %dma_wait3A_1348, %dma_wait3A_1349] : memref<16x2048x4x128xf32, #tpu.memory_space<hbm>> -> memref<1x64x4x128xf32, #tpu.memory_space<hbm>>
    %dma_wait3A_1351 = tpu.memref_squeeze %dma_wait3A_1350 : memref<1x64x4x128xf32, #tpu.memory_space<hbm>> -> memref<64x4x128xf32, #tpu.memory_space<hbm>>
    %dma_wait3A_1352 = arith.constant 0 : i32
    %dma_wait3A_1353 = arith.constant 0 : i32
    %dma_wait3A_1354 = arith.constant 0 : i32
    %dma_wait3A_1355 = tpu.memref_slice %arg5[%dma_wait3A_1335, %dma_wait3A_1352, %dma_wait3A_1353, %dma_wait3A_1354] : memref<3x64x4x128xf32, #tpu.memory_space<vmem>> -> memref<1x64x4x128xf32, #tpu.memory_space<vmem>>
    %dma_wait3A_1356 = tpu.memref_squeeze %dma_wait3A_1355 : memref<1x64x4x128xf32, #tpu.memory_space<vmem>> -> memref<64x4x128xf32, #tpu.memory_space<vmem>>
    tpu.wait_dma2 semaphore(%dma_wait3A_1347 : memref<!tpu.dma_semaphore, #tpu.memory_space<semaphore_mem>>) src(%dma_wait3A_1356 : memref<64x4x128xf32, #tpu.memory_space<vmem>>) dst(%dma_wait3A_1351 : memref<64x4x128xf32, #tpu.memory_space<hbm>>)
    %dma_start3A_1357 = arith.constant 2 : i32
    %dma_start3A_1358 = arith.constant 2 : i32
    %dma_start3A_1359 = arith.constant 0 : i32
    %dma_start3A_1360 = arith.constant 0 : i32
    %dma_start3A_1361 = arith.constant 0 : i32
    %dma_start3A_1362 = tpu.memref_slice %arg5[%dma_start3A_1357, %dma_start3A_1359, %dma_start3A_1360, %dma_start3A_1361] : memref<3x64x4x128xf32, #tpu.memory_space<vmem>> -> memref<1x64x4x128xf32, #tpu.memory_space<vmem>>
    %dma_start3A_1363 = tpu.memref_squeeze %dma_start3A_1362 : memref<1x64x4x128xf32, #tpu.memory_space<vmem>> -> memref<64x4x128xf32, #tpu.memory_space<vmem>>
    %dma_start3A_1364 = arith.constant 0 : i32
    %dma_start3A_1365 = arith.constant 0 : i32
    %dma_start3A_1366 = tpu.memref_slice %arg2[%add3A_495, %mul3A_513, %dma_start3A_1364, %dma_start3A_1365] : memref<16x2048x4x128xf32, #tpu.memory_space<hbm>> -> memref<1x64x4x128xf32, #tpu.memory_space<hbm>>
    %dma_start3A_1367 = tpu.memref_squeeze %dma_start3A_1366 : memref<1x64x4x128xf32, #tpu.memory_space<hbm>> -> memref<64x4x128xf32, #tpu.memory_space<hbm>>
    %dma_start3A_1368 = tpu.memref_slice %arg7[%dma_start3A_1358] : memref<3x!tpu.dma_semaphore, #tpu.memory_space<semaphore_mem>> -> memref<1x!tpu.dma_semaphore, #tpu.memory_space<semaphore_mem>>
    %dma_start3A_1369 = tpu.memref_squeeze %dma_start3A_1368 : memref<1x!tpu.dma_semaphore, #tpu.memory_space<semaphore_mem>> -> memref<!tpu.dma_semaphore, #tpu.memory_space<semaphore_mem>>
    %dma_start3A_1370 = arith.constant 0 : i32
    %dma_start3A_1371 = arith.constant 0 : i32
    %dma_start3A_1372 = arith.constant 0 : i32
    %dma_start3A_1373 = tpu.memref_slice %arg5[%dma_start3A_1357, %dma_start3A_1370, %dma_start3A_1371, %dma_start3A_1372] : memref<3x64x4x128xf32, #tpu.memory_space<vmem>> -> memref<1x64x4x128xf32, #tpu.memory_space<vmem>>
    %dma_start3A_1374 = tpu.memref_squeeze %dma_start3A_1373 : memref<1x64x4x128xf32, #tpu.memory_space<vmem>> -> memref<64x4x128xf32, #tpu.memory_space<vmem>>
    %dma_start3A_1375 = arith.constant 0 : i32
    %dma_start3A_1376 = arith.constant 0 : i32
    %dma_start3A_1377 = tpu.memref_slice %arg2[%add3A_495, %mul3A_513, %dma_start3A_1375, %dma_start3A_1376] : memref<16x2048x4x128xf32, #tpu.memory_space<hbm>> -> memref<1x64x4x128xf32, #tpu.memory_space<hbm>>
    %dma_start3A_1378 = tpu.memref_squeeze %dma_start3A_1377 : memref<1x64x4x128xf32, #tpu.memory_space<hbm>> -> memref<64x4x128xf32, #tpu.memory_space<hbm>>
    tpu.enqueue_dma source(%dma_start3A_1378 : memref<64x4x128xf32, #tpu.memory_space<hbm>>) target(%dma_start3A_1374 : memref<64x4x128xf32, #tpu.memory_space<vmem>>) target_semaphore(%dma_start3A_1369 : memref<!tpu.dma_semaphore, #tpu.memory_space<semaphore_mem>>)
    %dma_wait3A_1379 = arith.constant 0 : i32
    %dma_wait3A_1380 = arith.constant 0 : i32
    %dma_wait3A_1381 = arith.constant 0 : i32
    %dma_wait3A_1382 = arith.constant 0 : i32
    %dma_wait3A_1383 = arith.constant 0 : i32
    %dma_wait3A_1384 = tpu.memref_slice %arg5[%dma_wait3A_1379, %dma_wait3A_1381, %dma_wait3A_1382, %dma_wait3A_1383] : memref<3x64x4x128xf32, #tpu.memory_space<vmem>> -> memref<1x64x4x128xf32, #tpu.memory_space<vmem>>
    %dma_wait3A_1385 = tpu.memref_squeeze %dma_wait3A_1384 : memref<1x64x4x128xf32, #tpu.memory_space<vmem>> -> memref<64x4x128xf32, #tpu.memory_space<vmem>>
    %dma_wait3A_1386 = arith.constant 0 : i32
    %dma_wait3A_1387 = arith.constant 0 : i32
    %dma_wait3A_1388 = tpu.memref_slice %arg2[%add3A_379, %mul3A_397, %dma_wait3A_1386, %dma_wait3A_1387] : memref<16x2048x4x128xf32, #tpu.memory_space<hbm>> -> memref<1x64x4x128xf32, #tpu.memory_space<hbm>>
    %dma_wait3A_1389 = tpu.memref_squeeze %dma_wait3A_1388 : memref<1x64x4x128xf32, #tpu.memory_space<hbm>> -> memref<64x4x128xf32, #tpu.memory_space<hbm>>
    %dma_wait3A_1390 = tpu.memref_slice %arg7[%dma_wait3A_1380] : memref<3x!tpu.dma_semaphore, #tpu.memory_space<semaphore_mem>> -> memref<1x!tpu.dma_semaphore, #tpu.memory_space<semaphore_mem>>
    %dma_wait3A_1391 = tpu.memref_squeeze %dma_wait3A_1390 : memref<1x!tpu.dma_semaphore, #tpu.memory_space<semaphore_mem>> -> memref<!tpu.dma_semaphore, #tpu.memory_space<semaphore_mem>>
    %dma_wait3A_1392 = arith.constant 0 : i32
    %dma_wait3A_1393 = arith.constant 0 : i32
    %dma_wait3A_1394 = arith.constant 0 : i32
    %dma_wait3A_1395 = tpu.memref_slice %arg5[%dma_wait3A_1379, %dma_wait3A_1392, %dma_wait3A_1393, %dma_wait3A_1394] : memref<3x64x4x128xf32, #tpu.memory_space<vmem>> -> memref<1x64x4x128xf32, #tpu.memory_space<vmem>>
    %dma_wait3A_1396 = tpu.memref_squeeze %dma_wait3A_1395 : memref<1x64x4x128xf32, #tpu.memory_space<vmem>> -> memref<64x4x128xf32, #tpu.memory_space<vmem>>
    %dma_wait3A_1397 = arith.constant 0 : i32
    %dma_wait3A_1398 = arith.constant 0 : i32
    %dma_wait3A_1399 = tpu.memref_slice %arg2[%add3A_379, %mul3A_397, %dma_wait3A_1397, %dma_wait3A_1398] : memref<16x2048x4x128xf32, #tpu.memory_space<hbm>> -> memref<1x64x4x128xf32, #tpu.memory_space<hbm>>
    %dma_wait3A_1400 = tpu.memref_squeeze %dma_wait3A_1399 : memref<1x64x4x128xf32, #tpu.memory_space<hbm>> -> memref<64x4x128xf32, #tpu.memory_space<hbm>>
    tpu.wait_dma2 semaphore(%dma_wait3A_1391 : memref<!tpu.dma_semaphore, #tpu.memory_space<semaphore_mem>>) src(%dma_wait3A_1400 : memref<64x4x128xf32, #tpu.memory_space<hbm>>) dst(%dma_wait3A_1396 : memref<64x4x128xf32, #tpu.memory_space<vmem>>)
    %dma_start3A_1401 = arith.constant 0 : i32
    %dma_start3A_1402 = arith.constant 0 : i32
    %dma_start3A_1403 = arith.constant 0 : i32
    %dma_start3A_1404 = arith.constant 0 : i32
    %dma_start3A_1405 = arith.constant 0 : i32
    %dma_start3A_1406 = tpu.memref_slice %arg5[%dma_start3A_1401, %dma_start3A_1403, %dma_start3A_1404, %dma_start3A_1405] : memref<3x64x4x128xf32, #tpu.memory_space<vmem>> -> memref<1x64x4x128xf32, #tpu.memory_space<vmem>>
    %dma_start3A_1407 = tpu.memref_squeeze %dma_start3A_1406 : memref<1x64x4x128xf32, #tpu.memory_space<vmem>> -> memref<64x4x128xf32, #tpu.memory_space<vmem>>
    %dma_start3A_1408 = arith.constant 0 : i32
    %dma_start3A_1409 = arith.constant 0 : i32
    %dma_start3A_1410 = tpu.memref_slice %arg4[%add3A_379, %mul3A_397, %dma_start3A_1408, %dma_start3A_1409] : memref<16x2048x4x128xf32, #tpu.memory_space<hbm>> -> memref<1x64x4x128xf32, #tpu.memory_space<hbm>>
    %dma_start3A_1411 = tpu.memref_squeeze %dma_start3A_1410 : memref<1x64x4x128xf32, #tpu.memory_space<hbm>> -> memref<64x4x128xf32, #tpu.memory_space<hbm>>
    %dma_start3A_1412 = tpu.memref_slice %arg8[%dma_start3A_1402] : memref<3x!tpu.dma_semaphore, #tpu.memory_space<semaphore_mem>> -> memref<1x!tpu.dma_semaphore, #tpu.memory_space<semaphore_mem>>
    %dma_start3A_1413 = tpu.memref_squeeze %dma_start3A_1412 : memref<1x!tpu.dma_semaphore, #tpu.memory_space<semaphore_mem>> -> memref<!tpu.dma_semaphore, #tpu.memory_space<semaphore_mem>>
    %dma_start3A_1414 = arith.constant 0 : i32
    %dma_start3A_1415 = arith.constant 0 : i32
    %dma_start3A_1416 = tpu.memref_slice %arg4[%add3A_379, %mul3A_397, %dma_start3A_1414, %dma_start3A_1415] : memref<16x2048x4x128xf32, #tpu.memory_space<hbm>> -> memref<1x64x4x128xf32, #tpu.memory_space<hbm>>
    %dma_start3A_1417 = tpu.memref_squeeze %dma_start3A_1416 : memref<1x64x4x128xf32, #tpu.memory_space<hbm>> -> memref<64x4x128xf32, #tpu.memory_space<hbm>>
    %dma_start3A_1418 = arith.constant 0 : i32
    %dma_start3A_1419 = arith.constant 0 : i32
    %dma_start3A_1420 = arith.constant 0 : i32
    %dma_start3A_1421 = tpu.memref_slice %arg5[%dma_start3A_1401, %dma_start3A_1418, %dma_start3A_1419, %dma_start3A_1420] : memref<3x64x4x128xf32, #tpu.memory_space<vmem>> -> memref<1x64x4x128xf32, #tpu.memory_space<vmem>>
    %dma_start3A_1422 = tpu.memref_squeeze %dma_start3A_1421 : memref<1x64x4x128xf32, #tpu.memory_space<vmem>> -> memref<64x4x128xf32, #tpu.memory_space<vmem>>
    tpu.enqueue_dma source(%dma_start3A_1422 : memref<64x4x128xf32, #tpu.memory_space<vmem>>) target(%dma_start3A_1417 : memref<64x4x128xf32, #tpu.memory_space<hbm>>) target_semaphore(%dma_start3A_1413 : memref<!tpu.dma_semaphore, #tpu.memory_space<semaphore_mem>>)
    %dma_wait3A_1423 = arith.constant 0 : i32
    %dma_wait3A_1424 = arith.constant 0 : i32
    %dma_wait3A_1425 = arith.constant 0 : i32
    %dma_wait3A_1426 = arith.constant 0 : i32
    %dma_wait3A_1427 = arith.constant 0 : i32
    %dma_wait3A_1428 = tpu.memref_slice %arg5[%dma_wait3A_1423, %dma_wait3A_1425, %dma_wait3A_1426, %dma_wait3A_1427] : memref<3x64x4x128xf32, #tpu.memory_space<vmem>> -> memref<1x64x4x128xf32, #tpu.memory_space<vmem>>
    %dma_wait3A_1429 = tpu.memref_squeeze %dma_wait3A_1428 : memref<1x64x4x128xf32, #tpu.memory_space<vmem>> -> memref<64x4x128xf32, #tpu.memory_space<vmem>>
    %dma_wait3A_1430 = arith.constant 0 : i32
    %dma_wait3A_1431 = arith.constant 0 : i32
    %dma_wait3A_1432 = tpu.memref_slice %arg4[%add3A_379, %mul3A_397, %dma_wait3A_1430, %dma_wait3A_1431] : memref<16x2048x4x128xf32, #tpu.memory_space<hbm>> -> memref<1x64x4x128xf32, #tpu.memory_space<hbm>>
    %dma_wait3A_1433 = tpu.memref_squeeze %dma_wait3A_1432 : memref<1x64x4x128xf32, #tpu.memory_space<hbm>> -> memref<64x4x128xf32, #tpu.memory_space<hbm>>
    %dma_wait3A_1434 = tpu.memref_slice %arg8[%dma_wait3A_1424] : memref<3x!tpu.dma_semaphore, #tpu.memory_space<semaphore_mem>> -> memref<1x!tpu.dma_semaphore, #tpu.memory_space<semaphore_mem>>
    %dma_wait3A_1435 = tpu.memref_squeeze %dma_wait3A_1434 : memref<1x!tpu.dma_semaphore, #tpu.memory_space<semaphore_mem>> -> memref<!tpu.dma_semaphore, #tpu.memory_space<semaphore_mem>>
    %dma_wait3A_1436 = arith.constant 0 : i32
    %dma_wait3A_1437 = arith.constant 0 : i32
    %dma_wait3A_1438 = tpu.memref_slice %arg4[%add3A_379, %mul3A_397, %dma_wait3A_1436, %dma_wait3A_1437] : memref<16x2048x4x128xf32, #tpu.memory_space<hbm>> -> memref<1x64x4x128xf32, #tpu.memory_space<hbm>>
    %dma_wait3A_1439 = tpu.memref_squeeze %dma_wait3A_1438 : memref<1x64x4x128xf32, #tpu.memory_space<hbm>> -> memref<64x4x128xf32, #tpu.memory_space<hbm>>
    %dma_wait3A_1440 = arith.constant 0 : i32
    %dma_wait3A_1441 = arith.constant 0 : i32
    %dma_wait3A_1442 = arith.constant 0 : i32
    %dma_wait3A_1443 = tpu.memref_slice %arg5[%dma_wait3A_1423, %dma_wait3A_1440, %dma_wait3A_1441, %dma_wait3A_1442] : memref<3x64x4x128xf32, #tpu.memory_space<vmem>> -> memref<1x64x4x128xf32, #tpu.memory_space<vmem>>
    %dma_wait3A_1444 = tpu.memref_squeeze %dma_wait3A_1443 : memref<1x64x4x128xf32, #tpu.memory_space<vmem>> -> memref<64x4x128xf32, #tpu.memory_space<vmem>>
    tpu.wait_dma2 semaphore(%dma_wait3A_1435 : memref<!tpu.dma_semaphore, #tpu.memory_space<semaphore_mem>>) src(%dma_wait3A_1444 : memref<64x4x128xf32, #tpu.memory_space<vmem>>) dst(%dma_wait3A_1439 : memref<64x4x128xf32, #tpu.memory_space<hbm>>)
    %dma_start3A_1445 = arith.constant 0 : i32
    %dma_start3A_1446 = arith.constant 0 : i32
    %dma_start3A_1447 = arith.constant 0 : i32
    %dma_start3A_1448 = arith.constant 0 : i32
    %dma_start3A_1449 = arith.constant 0 : i32
    %dma_start3A_1450 = tpu.memref_slice %arg5[%dma_start3A_1445, %dma_start3A_1447, %dma_start3A_1448, %dma_start3A_1449] : memref<3x64x4x128xf32, #tpu.memory_space<vmem>> -> memref<1x64x4x128xf32, #tpu.memory_space<vmem>>
    %dma_start3A_1451 = tpu.memref_squeeze %dma_start3A_1450 : memref<1x64x4x128xf32, #tpu.memory_space<vmem>> -> memref<64x4x128xf32, #tpu.memory_space<vmem>>
    %dma_start3A_1452 = arith.constant 0 : i32
    %dma_start3A_1453 = arith.constant 0 : i32
    %dma_start3A_1454 = tpu.memref_slice %arg2[%add3A_553, %mul3A_571, %dma_start3A_1452, %dma_start3A_1453] : memref<16x2048x4x128xf32, #tpu.memory_space<hbm>> -> memref<1x64x4x128xf32, #tpu.memory_space<hbm>>
    %dma_start3A_1455 = tpu.memref_squeeze %dma_start3A_1454 : memref<1x64x4x128xf32, #tpu.memory_space<hbm>> -> memref<64x4x128xf32, #tpu.memory_space<hbm>>
    %dma_start3A_1456 = tpu.memref_slice %arg7[%dma_start3A_1446] : memref<3x!tpu.dma_semaphore, #tpu.memory_space<semaphore_mem>> -> memref<1x!tpu.dma_semaphore, #tpu.memory_space<semaphore_mem>>
    %dma_start3A_1457 = tpu.memref_squeeze %dma_start3A_1456 : memref<1x!tpu.dma_semaphore, #tpu.memory_space<semaphore_mem>> -> memref<!tpu.dma_semaphore, #tpu.memory_space<semaphore_mem>>
    %dma_start3A_1458 = arith.constant 0 : i32
    %dma_start3A_1459 = arith.constant 0 : i32
    %dma_start3A_1460 = arith.constant 0 : i32
    %dma_start3A_1461 = tpu.memref_slice %arg5[%dma_start3A_1445, %dma_start3A_1458, %dma_start3A_1459, %dma_start3A_1460] : memref<3x64x4x128xf32, #tpu.memory_space<vmem>> -> memref<1x64x4x128xf32, #tpu.memory_space<vmem>>
    %dma_start3A_1462 = tpu.memref_squeeze %dma_start3A_1461 : memref<1x64x4x128xf32, #tpu.memory_space<vmem>> -> memref<64x4x128xf32, #tpu.memory_space<vmem>>
    %dma_start3A_1463 = arith.constant 0 : i32
    %dma_start3A_1464 = arith.constant 0 : i32
    %dma_start3A_1465 = tpu.memref_slice %arg2[%add3A_553, %mul3A_571, %dma_start3A_1463, %dma_start3A_1464] : memref<16x2048x4x128xf32, #tpu.memory_space<hbm>> -> memref<1x64x4x128xf32, #tpu.memory_space<hbm>>
    %dma_start3A_1466 = tpu.memref_squeeze %dma_start3A_1465 : memref<1x64x4x128xf32, #tpu.memory_space<hbm>> -> memref<64x4x128xf32, #tpu.memory_space<hbm>>
    tpu.enqueue_dma source(%dma_start3A_1466 : memref<64x4x128xf32, #tpu.memory_space<hbm>>) target(%dma_start3A_1462 : memref<64x4x128xf32, #tpu.memory_space<vmem>>) target_semaphore(%dma_start3A_1457 : memref<!tpu.dma_semaphore, #tpu.memory_space<semaphore_mem>>)
    %dma_wait3A_1467 = arith.constant 1 : i32
    %dma_wait3A_1468 = arith.constant 1 : i32
    %dma_wait3A_1469 = arith.constant 0 : i32
    %dma_wait3A_1470 = arith.constant 0 : i32
    %dma_wait3A_1471 = arith.constant 0 : i32
    %dma_wait3A_1472 = tpu.memref_slice %arg5[%dma_wait3A_1467, %dma_wait3A_1469, %dma_wait3A_1470, %dma_wait3A_1471] : memref<3x64x4x128xf32, #tpu.memory_space<vmem>> -> memref<1x64x4x128xf32, #tpu.memory_space<vmem>>
    %dma_wait3A_1473 = tpu.memref_squeeze %dma_wait3A_1472 : memref<1x64x4x128xf32, #tpu.memory_space<vmem>> -> memref<64x4x128xf32, #tpu.memory_space<vmem>>
    %dma_wait3A_1474 = arith.constant 0 : i32
    %dma_wait3A_1475 = arith.constant 0 : i32
    %dma_wait3A_1476 = tpu.memref_slice %arg2[%add3A_437, %mul3A_455, %dma_wait3A_1474, %dma_wait3A_1475] : memref<16x2048x4x128xf32, #tpu.memory_space<hbm>> -> memref<1x64x4x128xf32, #tpu.memory_space<hbm>>
    %dma_wait3A_1477 = tpu.memref_squeeze %dma_wait3A_1476 : memref<1x64x4x128xf32, #tpu.memory_space<hbm>> -> memref<64x4x128xf32, #tpu.memory_space<hbm>>
    %dma_wait3A_1478 = tpu.memref_slice %arg7[%dma_wait3A_1468] : memref<3x!tpu.dma_semaphore, #tpu.memory_space<semaphore_mem>> -> memref<1x!tpu.dma_semaphore, #tpu.memory_space<semaphore_mem>>
    %dma_wait3A_1479 = tpu.memref_squeeze %dma_wait3A_1478 : memref<1x!tpu.dma_semaphore, #tpu.memory_space<semaphore_mem>> -> memref<!tpu.dma_semaphore, #tpu.memory_space<semaphore_mem>>
    %dma_wait3A_1480 = arith.constant 0 : i32
    %dma_wait3A_1481 = arith.constant 0 : i32
    %dma_wait3A_1482 = arith.constant 0 : i32
    %dma_wait3A_1483 = tpu.memref_slice %arg5[%dma_wait3A_1467, %dma_wait3A_1480, %dma_wait3A_1481, %dma_wait3A_1482] : memref<3x64x4x128xf32, #tpu.memory_space<vmem>> -> memref<1x64x4x128xf32, #tpu.memory_space<vmem>>
    %dma_wait3A_1484 = tpu.memref_squeeze %dma_wait3A_1483 : memref<1x64x4x128xf32, #tpu.memory_space<vmem>> -> memref<64x4x128xf32, #tpu.memory_space<vmem>>
    %dma_wait3A_1485 = arith.constant 0 : i32
    %dma_wait3A_1486 = arith.constant 0 : i32
    %dma_wait3A_1487 = tpu.memref_slice %arg2[%add3A_437, %mul3A_455, %dma_wait3A_1485, %dma_wait3A_1486] : memref<16x2048x4x128xf32, #tpu.memory_space<hbm>> -> memref<1x64x4x128xf32, #tpu.memory_space<hbm>>
    %dma_wait3A_1488 = tpu.memref_squeeze %dma_wait3A_1487 : memref<1x64x4x128xf32, #tpu.memory_space<hbm>> -> memref<64x4x128xf32, #tpu.memory_space<hbm>>
    tpu.wait_dma2 semaphore(%dma_wait3A_1479 : memref<!tpu.dma_semaphore, #tpu.memory_space<semaphore_mem>>) src(%dma_wait3A_1488 : memref<64x4x128xf32, #tpu.memory_space<hbm>>) dst(%dma_wait3A_1484 : memref<64x4x128xf32, #tpu.memory_space<vmem>>)
    %dma_start3A_1489 = arith.constant 1 : i32
    %dma_start3A_1490 = arith.constant 1 : i32
    %dma_start3A_1491 = arith.constant 0 : i32
    %dma_start3A_1492 = arith.constant 0 : i32
    %dma_start3A_1493 = arith.constant 0 : i32
    %dma_start3A_1494 = tpu.memref_slice %arg5[%dma_start3A_1489, %dma_start3A_1491, %dma_start3A_1492, %dma_start3A_1493] : memref<3x64x4x128xf32, #tpu.memory_space<vmem>> -> memref<1x64x4x128xf32, #tpu.memory_space<vmem>>
    %dma_start3A_1495 = tpu.memref_squeeze %dma_start3A_1494 : memref<1x64x4x128xf32, #tpu.memory_space<vmem>> -> memref<64x4x128xf32, #tpu.memory_space<vmem>>
    %dma_start3A_1496 = arith.constant 0 : i32
    %dma_start3A_1497 = arith.constant 0 : i32
    %dma_start3A_1498 = tpu.memref_slice %arg4[%add3A_437, %mul3A_455, %dma_start3A_1496, %dma_start3A_1497] : memref<16x2048x4x128xf32, #tpu.memory_space<hbm>> -> memref<1x64x4x128xf32, #tpu.memory_space<hbm>>
    %dma_start3A_1499 = tpu.memref_squeeze %dma_start3A_1498 : memref<1x64x4x128xf32, #tpu.memory_space<hbm>> -> memref<64x4x128xf32, #tpu.memory_space<hbm>>
    %dma_start3A_1500 = tpu.memref_slice %arg8[%dma_start3A_1490] : memref<3x!tpu.dma_semaphore, #tpu.memory_space<semaphore_mem>> -> memref<1x!tpu.dma_semaphore, #tpu.memory_space<semaphore_mem>>
    %dma_start3A_1501 = tpu.memref_squeeze %dma_start3A_1500 : memref<1x!tpu.dma_semaphore, #tpu.memory_space<semaphore_mem>> -> memref<!tpu.dma_semaphore, #tpu.memory_space<semaphore_mem>>
    %dma_start3A_1502 = arith.constant 0 : i32
    %dma_start3A_1503 = arith.constant 0 : i32
    %dma_start3A_1504 = tpu.memref_slice %arg4[%add3A_437, %mul3A_455, %dma_start3A_1502, %dma_start3A_1503] : memref<16x2048x4x128xf32, #tpu.memory_space<hbm>> -> memref<1x64x4x128xf32, #tpu.memory_space<hbm>>
    %dma_start3A_1505 = tpu.memref_squeeze %dma_start3A_1504 : memref<1x64x4x128xf32, #tpu.memory_space<hbm>> -> memref<64x4x128xf32, #tpu.memory_space<hbm>>
    %dma_start3A_1506 = arith.constant 0 : i32
    %dma_start3A_1507 = arith.constant 0 : i32
    %dma_start3A_1508 = arith.constant 0 : i32
    %dma_start3A_1509 = tpu.memref_slice %arg5[%dma_start3A_1489, %dma_start3A_1506, %dma_start3A_1507, %dma_start3A_1508] : memref<3x64x4x128xf32, #tpu.memory_space<vmem>> -> memref<1x64x4x128xf32, #tpu.memory_space<vmem>>
    %dma_start3A_1510 = tpu.memref_squeeze %dma_start3A_1509 : memref<1x64x4x128xf32, #tpu.memory_space<vmem>> -> memref<64x4x128xf32, #tpu.memory_space<vmem>>
    tpu.enqueue_dma source(%dma_start3A_1510 : memref<64x4x128xf32, #tpu.memory_space<vmem>>) target(%dma_start3A_1505 : memref<64x4x128xf32, #tpu.memory_space<hbm>>) target_semaphore(%dma_start3A_1501 : memref<!tpu.dma_semaphore, #tpu.memory_space<semaphore_mem>>)
    %dma_wait3A_1511 = arith.constant 1 : i32
    %dma_wait3A_1512 = arith.constant 1 : i32
    %dma_wait3A_1513 = arith.constant 0 : i32
    %dma_wait3A_1514 = arith.constant 0 : i32
    %dma_wait3A_1515 = arith.constant 0 : i32
    %dma_wait3A_1516 = tpu.memref_slice %arg5[%dma_wait3A_1511, %dma_wait3A_1513, %dma_wait3A_1514, %dma_wait3A_1515] : memref<3x64x4x128xf32, #tpu.memory_space<vmem>> -> memref<1x64x4x128xf32, #tpu.memory_space<vmem>>
    %dma_wait3A_1517 = tpu.memref_squeeze %dma_wait3A_1516 : memref<1x64x4x128xf32, #tpu.memory_space<vmem>> -> memref<64x4x128xf32, #tpu.memory_space<vmem>>
    %dma_wait3A_1518 = arith.constant 0 : i32
    %dma_wait3A_1519 = arith.constant 0 : i32
    %dma_wait3A_1520 = tpu.memref_slice %arg4[%add3A_437, %mul3A_455, %dma_wait3A_1518, %dma_wait3A_1519] : memref<16x2048x4x128xf32, #tpu.memory_space<hbm>> -> memref<1x64x4x128xf32, #tpu.memory_space<hbm>>
    %dma_wait3A_1521 = tpu.memref_squeeze %dma_wait3A_1520 : memref<1x64x4x128xf32, #tpu.memory_space<hbm>> -> memref<64x4x128xf32, #tpu.memory_space<hbm>>
    %dma_wait3A_1522 = tpu.memref_slice %arg8[%dma_wait3A_1512] : memref<3x!tpu.dma_semaphore, #tpu.memory_space<semaphore_mem>> -> memref<1x!tpu.dma_semaphore, #tpu.memory_space<semaphore_mem>>
    %dma_wait3A_1523 = tpu.memref_squeeze %dma_wait3A_1522 : memref<1x!tpu.dma_semaphore, #tpu.memory_space<semaphore_mem>> -> memref<!tpu.dma_semaphore, #tpu.memory_space<semaphore_mem>>
    %dma_wait3A_1524 = arith.constant 0 : i32
    %dma_wait3A_1525 = arith.constant 0 : i32
    %dma_wait3A_1526 = tpu.memref_slice %arg4[%add3A_437, %mul3A_455, %dma_wait3A_1524, %dma_wait3A_1525] : memref<16x2048x4x128xf32, #tpu.memory_space<hbm>> -> memref<1x64x4x128xf32, #tpu.memory_space<hbm>>
    %dma_wait3A_1527 = tpu.memref_squeeze %dma_wait3A_1526 : memref<1x64x4x128xf32, #tpu.memory_space<hbm>> -> memref<64x4x128xf32, #tpu.memory_space<hbm>>
    %dma_wait3A_1528 = arith.constant 0 : i32
    %dma_wait3A_1529 = arith.constant 0 : i32
    %dma_wait3A_1530 = arith.constant 0 : i32
    %dma_wait3A_1531 = tpu.memref_slice %arg5[%dma_wait3A_1511, %dma_wait3A_1528, %dma_wait3A_1529, %dma_wait3A_1530] : memref<3x64x4x128xf32, #tpu.memory_space<vmem>> -> memref<1x64x4x128xf32, #tpu.memory_space<vmem>>
    %dma_wait3A_1532 = tpu.memref_squeeze %dma_wait3A_1531 : memref<1x64x4x128xf32, #tpu.memory_space<vmem>> -> memref<64x4x128xf32, #tpu.memory_space<vmem>>
    tpu.wait_dma2 semaphore(%dma_wait3A_1523 : memref<!tpu.dma_semaphore, #tpu.memory_space<semaphore_mem>>) src(%dma_wait3A_1532 : memref<64x4x128xf32, #tpu.memory_space<vmem>>) dst(%dma_wait3A_1527 : memref<64x4x128xf32, #tpu.memory_space<hbm>>)
    %dma_start3A_1533 = arith.constant 1 : i32
    %dma_start3A_1534 = arith.constant 1 : i32
    %dma_start3A_1535 = arith.constant 0 : i32
    %dma_start3A_1536 = arith.constant 0 : i32
    %dma_start3A_1537 = arith.constant 0 : i32
    %dma_start3A_1538 = tpu.memref_slice %arg5[%dma_start3A_1533, %dma_start3A_1535, %dma_start3A_1536, %dma_start3A_1537] : memref<3x64x4x128xf32, #tpu.memory_space<vmem>> -> memref<1x64x4x128xf32, #tpu.memory_space<vmem>>
    %dma_start3A_1539 = tpu.memref_squeeze %dma_start3A_1538 : memref<1x64x4x128xf32, #tpu.memory_space<vmem>> -> memref<64x4x128xf32, #tpu.memory_space<vmem>>
    %dma_start3A_1540 = arith.constant 0 : i32
    %dma_start3A_1541 = arith.constant 0 : i32
    %dma_start3A_1542 = tpu.memref_slice %arg2[%add3A_611, %mul3A_629, %dma_start3A_1540, %dma_start3A_1541] : memref<16x2048x4x128xf32, #tpu.memory_space<hbm>> -> memref<1x64x4x128xf32, #tpu.memory_space<hbm>>
    %dma_start3A_1543 = tpu.memref_squeeze %dma_start3A_1542 : memref<1x64x4x128xf32, #tpu.memory_space<hbm>> -> memref<64x4x128xf32, #tpu.memory_space<hbm>>
    %dma_start3A_1544 = tpu.memref_slice %arg7[%dma_start3A_1534] : memref<3x!tpu.dma_semaphore, #tpu.memory_space<semaphore_mem>> -> memref<1x!tpu.dma_semaphore, #tpu.memory_space<semaphore_mem>>
    %dma_start3A_1545 = tpu.memref_squeeze %dma_start3A_1544 : memref<1x!tpu.dma_semaphore, #tpu.memory_space<semaphore_mem>> -> memref<!tpu.dma_semaphore, #tpu.memory_space<semaphore_mem>>
    %dma_start3A_1546 = arith.constant 0 : i32
    %dma_start3A_1547 = arith.constant 0 : i32
    %dma_start3A_1548 = arith.constant 0 : i32
    %dma_start3A_1549 = tpu.memref_slice %arg5[%dma_start3A_1533, %dma_start3A_1546, %dma_start3A_1547, %dma_start3A_1548] : memref<3x64x4x128xf32, #tpu.memory_space<vmem>> -> memref<1x64x4x128xf32, #tpu.memory_space<vmem>>
    %dma_start3A_1550 = tpu.memref_squeeze %dma_start3A_1549 : memref<1x64x4x128xf32, #tpu.memory_space<vmem>> -> memref<64x4x128xf32, #tpu.memory_space<vmem>>
    %dma_start3A_1551 = arith.constant 0 : i32
    %dma_start3A_1552 = arith.constant 0 : i32
    %dma_start3A_1553 = tpu.memref_slice %arg2[%add3A_611, %mul3A_629, %dma_start3A_1551, %dma_start3A_1552] : memref<16x2048x4x128xf32, #tpu.memory_space<hbm>> -> memref<1x64x4x128xf32, #tpu.memory_space<hbm>>
    %dma_start3A_1554 = tpu.memref_squeeze %dma_start3A_1553 : memref<1x64x4x128xf32, #tpu.memory_space<hbm>> -> memref<64x4x128xf32, #tpu.memory_space<hbm>>
    tpu.enqueue_dma source(%dma_start3A_1554 : memref<64x4x128xf32, #tpu.memory_space<hbm>>) target(%dma_start3A_1550 : memref<64x4x128xf32, #tpu.memory_space<vmem>>) target_semaphore(%dma_start3A_1545 : memref<!tpu.dma_semaphore, #tpu.memory_space<semaphore_mem>>)
    %dma_wait3A_1555 = arith.constant 2 : i32
    %dma_wait3A_1556 = arith.constant 2 : i32
    %dma_wait3A_1557 = arith.constant 0 : i32
    %dma_wait3A_1558 = arith.constant 0 : i32
    %dma_wait3A_1559 = arith.constant 0 : i32
    %dma_wait3A_1560 = tpu.memref_slice %arg5[%dma_wait3A_1555, %dma_wait3A_1557, %dma_wait3A_1558, %dma_wait3A_1559] : memref<3x64x4x128xf32, #tpu.memory_space<vmem>> -> memref<1x64x4x128xf32, #tpu.memory_space<vmem>>
    %dma_wait3A_1561 = tpu.memref_squeeze %dma_wait3A_1560 : memref<1x64x4x128xf32, #tpu.memory_space<vmem>> -> memref<64x4x128xf32, #tpu.memory_space<vmem>>
    %dma_wait3A_1562 = arith.constant 0 : i32
    %dma_wait3A_1563 = arith.constant 0 : i32
    %dma_wait3A_1564 = tpu.memref_slice %arg2[%add3A_495, %mul3A_513, %dma_wait3A_1562, %dma_wait3A_1563] : memref<16x2048x4x128xf32, #tpu.memory_space<hbm>> -> memref<1x64x4x128xf32, #tpu.memory_space<hbm>>
    %dma_wait3A_1565 = tpu.memref_squeeze %dma_wait3A_1564 : memref<1x64x4x128xf32, #tpu.memory_space<hbm>> -> memref<64x4x128xf32, #tpu.memory_space<hbm>>
    %dma_wait3A_1566 = tpu.memref_slice %arg7[%dma_wait3A_1556] : memref<3x!tpu.dma_semaphore, #tpu.memory_space<semaphore_mem>> -> memref<1x!tpu.dma_semaphore, #tpu.memory_space<semaphore_mem>>
    %dma_wait3A_1567 = tpu.memref_squeeze %dma_wait3A_1566 : memref<1x!tpu.dma_semaphore, #tpu.memory_space<semaphore_mem>> -> memref<!tpu.dma_semaphore, #tpu.memory_space<semaphore_mem>>
    %dma_wait3A_1568 = arith.constant 0 : i32
    %dma_wait3A_1569 = arith.constant 0 : i32
    %dma_wait3A_1570 = arith.constant 0 : i32
    %dma_wait3A_1571 = tpu.memref_slice %arg5[%dma_wait3A_1555, %dma_wait3A_1568, %dma_wait3A_1569, %dma_wait3A_1570] : memref<3x64x4x128xf32, #tpu.memory_space<vmem>> -> memref<1x64x4x128xf32, #tpu.memory_space<vmem>>
    %dma_wait3A_1572 = tpu.memref_squeeze %dma_wait3A_1571 : memref<1x64x4x128xf32, #tpu.memory_space<vmem>> -> memref<64x4x128xf32, #tpu.memory_space<vmem>>
    %dma_wait3A_1573 = arith.constant 0 : i32
    %dma_wait3A_1574 = arith.constant 0 : i32
    %dma_wait3A_1575 = tpu.memref_slice %arg2[%add3A_495, %mul3A_513, %dma_wait3A_1573, %dma_wait3A_1574] : memref<16x2048x4x128xf32, #tpu.memory_space<hbm>> -> memref<1x64x4x128xf32, #tpu.memory_space<hbm>>
    %dma_wait3A_1576 = tpu.memref_squeeze %dma_wait3A_1575 : memref<1x64x4x128xf32, #tpu.memory_space<hbm>> -> memref<64x4x128xf32, #tpu.memory_space<hbm>>
    tpu.wait_dma2 semaphore(%dma_wait3A_1567 : memref<!tpu.dma_semaphore, #tpu.memory_space<semaphore_mem>>) src(%dma_wait3A_1576 : memref<64x4x128xf32, #tpu.memory_space<hbm>>) dst(%dma_wait3A_1572 : memref<64x4x128xf32, #tpu.memory_space<vmem>>)
    %dma_start3A_1577 = arith.constant 2 : i32
    %dma_start3A_1578 = arith.constant 2 : i32
    %dma_start3A_1579 = arith.constant 0 : i32
    %dma_start3A_1580 = arith.constant 0 : i32
    %dma_start3A_1581 = arith.constant 0 : i32
    %dma_start3A_1582 = tpu.memref_slice %arg5[%dma_start3A_1577, %dma_start3A_1579, %dma_start3A_1580, %dma_start3A_1581] : memref<3x64x4x128xf32, #tpu.memory_space<vmem>> -> memref<1x64x4x128xf32, #tpu.memory_space<vmem>>
    %dma_start3A_1583 = tpu.memref_squeeze %dma_start3A_1582 : memref<1x64x4x128xf32, #tpu.memory_space<vmem>> -> memref<64x4x128xf32, #tpu.memory_space<vmem>>
    %dma_start3A_1584 = arith.constant 0 : i32
    %dma_start3A_1585 = arith.constant 0 : i32
    %dma_start3A_1586 = tpu.memref_slice %arg4[%add3A_495, %mul3A_513, %dma_start3A_1584, %dma_start3A_1585] : memref<16x2048x4x128xf32, #tpu.memory_space<hbm>> -> memref<1x64x4x128xf32, #tpu.memory_space<hbm>>
    %dma_start3A_1587 = tpu.memref_squeeze %dma_start3A_1586 : memref<1x64x4x128xf32, #tpu.memory_space<hbm>> -> memref<64x4x128xf32, #tpu.memory_space<hbm>>
    %dma_start3A_1588 = tpu.memref_slice %arg8[%dma_start3A_1578] : memref<3x!tpu.dma_semaphore, #tpu.memory_space<semaphore_mem>> -> memref<1x!tpu.dma_semaphore, #tpu.memory_space<semaphore_mem>>
    %dma_start3A_1589 = tpu.memref_squeeze %dma_start3A_1588 : memref<1x!tpu.dma_semaphore, #tpu.memory_space<semaphore_mem>> -> memref<!tpu.dma_semaphore, #tpu.memory_space<semaphore_mem>>
    %dma_start3A_1590 = arith.constant 0 : i32
    %dma_start3A_1591 = arith.constant 0 : i32
    %dma_start3A_1592 = tpu.memref_slice %arg4[%add3A_495, %mul3A_513, %dma_start3A_1590, %dma_start3A_1591] : memref<16x2048x4x128xf32, #tpu.memory_space<hbm>> -> memref<1x64x4x128xf32, #tpu.memory_space<hbm>>
    %dma_start3A_1593 = tpu.memref_squeeze %dma_start3A_1592 : memref<1x64x4x128xf32, #tpu.memory_space<hbm>> -> memref<64x4x128xf32, #tpu.memory_space<hbm>>
    %dma_start3A_1594 = arith.constant 0 : i32
    %dma_start3A_1595 = arith.constant 0 : i32
    %dma_start3A_1596 = arith.constant 0 : i32
    %dma_start3A_1597 = tpu.memref_slice %arg5[%dma_start3A_1577, %dma_start3A_1594, %dma_start3A_1595, %dma_start3A_1596] : memref<3x64x4x128xf32, #tpu.memory_space<vmem>> -> memref<1x64x4x128xf32, #tpu.memory_space<vmem>>
    %dma_start3A_1598 = tpu.memref_squeeze %dma_start3A_1597 : memref<1x64x4x128xf32, #tpu.memory_space<vmem>> -> memref<64x4x128xf32, #tpu.memory_space<vmem>>
    tpu.enqueue_dma source(%dma_start3A_1598 : memref<64x4x128xf32, #tpu.memory_space<vmem>>) target(%dma_start3A_1593 : memref<64x4x128xf32, #tpu.memory_space<hbm>>) target_semaphore(%dma_start3A_1589 : memref<!tpu.dma_semaphore, #tpu.memory_space<semaphore_mem>>)
    %dma_wait3A_1599 = arith.constant 2 : i32
    %dma_wait3A_1600 = arith.constant 2 : i32
    %dma_wait3A_1601 = arith.constant 0 : i32
    %dma_wait3A_1602 = arith.constant 0 : i32
    %dma_wait3A_1603 = arith.constant 0 : i32
    %dma_wait3A_1604 = tpu.memref_slice %arg5[%dma_wait3A_1599, %dma_wait3A_1601, %dma_wait3A_1602, %dma_wait3A_1603] : memref<3x64x4x128xf32, #tpu.memory_space<vmem>> -> memref<1x64x4x128xf32, #tpu.memory_space<vmem>>
    %dma_wait3A_1605 = tpu.memref_squeeze %dma_wait3A_1604 : memref<1x64x4x128xf32, #tpu.memory_space<vmem>> -> memref<64x4x128xf32, #tpu.memory_space<vmem>>
    %dma_wait3A_1606 = arith.constant 0 : i32
    %dma_wait3A_1607 = arith.constant 0 : i32
    %dma_wait3A_1608 = tpu.memref_slice %arg4[%add3A_495, %mul3A_513, %dma_wait3A_1606, %dma_wait3A_1607] : memref<16x2048x4x128xf32, #tpu.memory_space<hbm>> -> memref<1x64x4x128xf32, #tpu.memory_space<hbm>>
    %dma_wait3A_1609 = tpu.memref_squeeze %dma_wait3A_1608 : memref<1x64x4x128xf32, #tpu.memory_space<hbm>> -> memref<64x4x128xf32, #tpu.memory_space<hbm>>
    %dma_wait3A_1610 = tpu.memref_slice %arg8[%dma_wait3A_1600] : memref<3x!tpu.dma_semaphore, #tpu.memory_space<semaphore_mem>> -> memref<1x!tpu.dma_semaphore, #tpu.memory_space<semaphore_mem>>
    %dma_wait3A_1611 = tpu.memref_squeeze %dma_wait3A_1610 : memref<1x!tpu.dma_semaphore, #tpu.memory_space<semaphore_mem>> -> memref<!tpu.dma_semaphore, #tpu.memory_space<semaphore_mem>>
    %dma_wait3A_1612 = arith.constant 0 : i32
    %dma_wait3A_1613 = arith.constant 0 : i32
    %dma_wait3A_1614 = tpu.memref_slice %arg4[%add3A_495, %mul3A_513, %dma_wait3A_1612, %dma_wait3A_1613] : memref<16x2048x4x128xf32, #tpu.memory_space<hbm>> -> memref<1x64x4x128xf32, #tpu.memory_space<hbm>>
    %dma_wait3A_1615 = tpu.memref_squeeze %dma_wait3A_1614 : memref<1x64x4x128xf32, #tpu.memory_space<hbm>> -> memref<64x4x128xf32, #tpu.memory_space<hbm>>
    %dma_wait3A_1616 = arith.constant 0 : i32
    %dma_wait3A_1617 = arith.constant 0 : i32
    %dma_wait3A_1618 = arith.constant 0 : i32
    %dma_wait3A_1619 = tpu.memref_slice %arg5[%dma_wait3A_1599, %dma_wait3A_1616, %dma_wait3A_1617, %dma_wait3A_1618] : memref<3x64x4x128xf32, #tpu.memory_space<vmem>> -> memref<1x64x4x128xf32, #tpu.memory_space<vmem>>
    %dma_wait3A_1620 = tpu.memref_squeeze %dma_wait3A_1619 : memref<1x64x4x128xf32, #tpu.memory_space<vmem>> -> memref<64x4x128xf32, #tpu.memory_space<vmem>>
    tpu.wait_dma2 semaphore(%dma_wait3A_1611 : memref<!tpu.dma_semaphore, #tpu.memory_space<semaphore_mem>>) src(%dma_wait3A_1620 : memref<64x4x128xf32, #tpu.memory_space<vmem>>) dst(%dma_wait3A_1615 : memref<64x4x128xf32, #tpu.memory_space<hbm>>)
    %dma_start3A_1621 = arith.constant 2 : i32
    %dma_start3A_1622 = arith.constant 2 : i32
    %dma_start3A_1623 = arith.constant 0 : i32
    %dma_start3A_1624 = arith.constant 0 : i32
    %dma_start3A_1625 = arith.constant 0 : i32
    %dma_start3A_1626 = tpu.memref_slice %arg5[%dma_start3A_1621, %dma_start3A_1623, %dma_start3A_1624, %dma_start3A_1625] : memref<3x64x4x128xf32, #tpu.memory_space<vmem>> -> memref<1x64x4x128xf32, #tpu.memory_space<vmem>>
    %dma_start3A_1627 = tpu.memref_squeeze %dma_start3A_1626 : memref<1x64x4x128xf32, #tpu.memory_space<vmem>> -> memref<64x4x128xf32, #tpu.memory_space<vmem>>
    %dma_start3A_1628 = arith.constant 0 : i32
    %dma_start3A_1629 = arith.constant 0 : i32
    %dma_start3A_1630 = tpu.memref_slice %arg2[%add3A_669, %mul3A_687, %dma_start3A_1628, %dma_start3A_1629] : memref<16x2048x4x128xf32, #tpu.memory_space<hbm>> -> memref<1x64x4x128xf32, #tpu.memory_space<hbm>>
    %dma_start3A_1631 = tpu.memref_squeeze %dma_start3A_1630 : memref<1x64x4x128xf32, #tpu.memory_space<hbm>> -> memref<64x4x128xf32, #tpu.memory_space<hbm>>
    %dma_start3A_1632 = tpu.memref_slice %arg7[%dma_start3A_1622] : memref<3x!tpu.dma_semaphore, #tpu.memory_space<semaphore_mem>> -> memref<1x!tpu.dma_semaphore, #tpu.memory_space<semaphore_mem>>
    %dma_start3A_1633 = tpu.memref_squeeze %dma_start3A_1632 : memref<1x!tpu.dma_semaphore, #tpu.memory_space<semaphore_mem>> -> memref<!tpu.dma_semaphore, #tpu.memory_space<semaphore_mem>>
    %dma_start3A_1634 = arith.constant 0 : i32
    %dma_start3A_1635 = arith.constant 0 : i32
    %dma_start3A_1636 = arith.constant 0 : i32
    %dma_start3A_1637 = tpu.memref_slice %arg5[%dma_start3A_1621, %dma_start3A_1634, %dma_start3A_1635, %dma_start3A_1636] : memref<3x64x4x128xf32, #tpu.memory_space<vmem>> -> memref<1x64x4x128xf32, #tpu.memory_space<vmem>>
    %dma_start3A_1638 = tpu.memref_squeeze %dma_start3A_1637 : memref<1x64x4x128xf32, #tpu.memory_space<vmem>> -> memref<64x4x128xf32, #tpu.memory_space<vmem>>
    %dma_start3A_1639 = arith.constant 0 : i32
    %dma_start3A_1640 = arith.constant 0 : i32
    %dma_start3A_1641 = tpu.memref_slice %arg2[%add3A_669, %mul3A_687, %dma_start3A_1639, %dma_start3A_1640] : memref<16x2048x4x128xf32, #tpu.memory_space<hbm>> -> memref<1x64x4x128xf32, #tpu.memory_space<hbm>>
    %dma_start3A_1642 = tpu.memref_squeeze %dma_start3A_1641 : memref<1x64x4x128xf32, #tpu.memory_space<hbm>> -> memref<64x4x128xf32, #tpu.memory_space<hbm>>
    tpu.enqueue_dma source(%dma_start3A_1642 : memref<64x4x128xf32, #tpu.memory_space<hbm>>) target(%dma_start3A_1638 : memref<64x4x128xf32, #tpu.memory_space<vmem>>) target_semaphore(%dma_start3A_1633 : memref<!tpu.dma_semaphore, #tpu.memory_space<semaphore_mem>>)
    %dma_wait3A_1643 = arith.constant 0 : i32
    %dma_wait3A_1644 = arith.constant 0 : i32
    %dma_wait3A_1645 = arith.constant 0 : i32
    %dma_wait3A_1646 = arith.constant 0 : i32
    %dma_wait3A_1647 = arith.constant 0 : i32
    %dma_wait3A_1648 = tpu.memref_slice %arg5[%dma_wait3A_1643, %dma_wait3A_1645, %dma_wait3A_1646, %dma_wait3A_1647] : memref<3x64x4x128xf32, #tpu.memory_space<vmem>> -> memref<1x64x4x128xf32, #tpu.memory_space<vmem>>
    %dma_wait3A_1649 = tpu.memref_squeeze %dma_wait3A_1648 : memref<1x64x4x128xf32, #tpu.memory_space<vmem>> -> memref<64x4x128xf32, #tpu.memory_space<vmem>>
    %dma_wait3A_1650 = arith.constant 0 : i32
    %dma_wait3A_1651 = arith.constant 0 : i32
    %dma_wait3A_1652 = tpu.memref_slice %arg2[%add3A_553, %mul3A_571, %dma_wait3A_1650, %dma_wait3A_1651] : memref<16x2048x4x128xf32, #tpu.memory_space<hbm>> -> memref<1x64x4x128xf32, #tpu.memory_space<hbm>>
    %dma_wait3A_1653 = tpu.memref_squeeze %dma_wait3A_1652 : memref<1x64x4x128xf32, #tpu.memory_space<hbm>> -> memref<64x4x128xf32, #tpu.memory_space<hbm>>
    %dma_wait3A_1654 = tpu.memref_slice %arg7[%dma_wait3A_1644] : memref<3x!tpu.dma_semaphore, #tpu.memory_space<semaphore_mem>> -> memref<1x!tpu.dma_semaphore, #tpu.memory_space<semaphore_mem>>
    %dma_wait3A_1655 = tpu.memref_squeeze %dma_wait3A_1654 : memref<1x!tpu.dma_semaphore, #tpu.memory_space<semaphore_mem>> -> memref<!tpu.dma_semaphore, #tpu.memory_space<semaphore_mem>>
    %dma_wait3A_1656 = arith.constant 0 : i32
    %dma_wait3A_1657 = arith.constant 0 : i32
    %dma_wait3A_1658 = arith.constant 0 : i32
    %dma_wait3A_1659 = tpu.memref_slice %arg5[%dma_wait3A_1643, %dma_wait3A_1656, %dma_wait3A_1657, %dma_wait3A_1658] : memref<3x64x4x128xf32, #tpu.memory_space<vmem>> -> memref<1x64x4x128xf32, #tpu.memory_space<vmem>>
    %dma_wait3A_1660 = tpu.memref_squeeze %dma_wait3A_1659 : memref<1x64x4x128xf32, #tpu.memory_space<vmem>> -> memref<64x4x128xf32, #tpu.memory_space<vmem>>
    %dma_wait3A_1661 = arith.constant 0 : i32
    %dma_wait3A_1662 = arith.constant 0 : i32
    %dma_wait3A_1663 = tpu.memref_slice %arg2[%add3A_553, %mul3A_571, %dma_wait3A_1661, %dma_wait3A_1662] : memref<16x2048x4x128xf32, #tpu.memory_space<hbm>> -> memref<1x64x4x128xf32, #tpu.memory_space<hbm>>
    %dma_wait3A_1664 = tpu.memref_squeeze %dma_wait3A_1663 : memref<1x64x4x128xf32, #tpu.memory_space<hbm>> -> memref<64x4x128xf32, #tpu.memory_space<hbm>>
    tpu.wait_dma2 semaphore(%dma_wait3A_1655 : memref<!tpu.dma_semaphore, #tpu.memory_space<semaphore_mem>>) src(%dma_wait3A_1664 : memref<64x4x128xf32, #tpu.memory_space<hbm>>) dst(%dma_wait3A_1660 : memref<64x4x128xf32, #tpu.memory_space<vmem>>)
    %dma_start3A_1665 = arith.constant 0 : i32
    %dma_start3A_1666 = arith.constant 0 : i32
    %dma_start3A_1667 = arith.constant 0 : i32
    %dma_start3A_1668 = arith.constant 0 : i32
    %dma_start3A_1669 = arith.constant 0 : i32
    %dma_start3A_1670 = tpu.memref_slice %arg5[%dma_start3A_1665, %dma_start3A_1667, %dma_start3A_1668, %dma_start3A_1669] : memref<3x64x4x128xf32, #tpu.memory_space<vmem>> -> memref<1x64x4x128xf32, #tpu.memory_space<vmem>>
    %dma_start3A_1671 = tpu.memref_squeeze %dma_start3A_1670 : memref<1x64x4x128xf32, #tpu.memory_space<vmem>> -> memref<64x4x128xf32, #tpu.memory_space<vmem>>
    %dma_start3A_1672 = arith.constant 0 : i32
    %dma_start3A_1673 = arith.constant 0 : i32
    %dma_start3A_1674 = tpu.memref_slice %arg4[%add3A_553, %mul3A_571, %dma_start3A_1672, %dma_start3A_1673] : memref<16x2048x4x128xf32, #tpu.memory_space<hbm>> -> memref<1x64x4x128xf32, #tpu.memory_space<hbm>>
    %dma_start3A_1675 = tpu.memref_squeeze %dma_start3A_1674 : memref<1x64x4x128xf32, #tpu.memory_space<hbm>> -> memref<64x4x128xf32, #tpu.memory_space<hbm>>
    %dma_start3A_1676 = tpu.memref_slice %arg8[%dma_start3A_1666] : memref<3x!tpu.dma_semaphore, #tpu.memory_space<semaphore_mem>> -> memref<1x!tpu.dma_semaphore, #tpu.memory_space<semaphore_mem>>
    %dma_start3A_1677 = tpu.memref_squeeze %dma_start3A_1676 : memref<1x!tpu.dma_semaphore, #tpu.memory_space<semaphore_mem>> -> memref<!tpu.dma_semaphore, #tpu.memory_space<semaphore_mem>>
    %dma_start3A_1678 = arith.constant 0 : i32
    %dma_start3A_1679 = arith.constant 0 : i32
    %dma_start3A_1680 = tpu.memref_slice %arg4[%add3A_553, %mul3A_571, %dma_start3A_1678, %dma_start3A_1679] : memref<16x2048x4x128xf32, #tpu.memory_space<hbm>> -> memref<1x64x4x128xf32, #tpu.memory_space<hbm>>
    %dma_start3A_1681 = tpu.memref_squeeze %dma_start3A_1680 : memref<1x64x4x128xf32, #tpu.memory_space<hbm>> -> memref<64x4x128xf32, #tpu.memory_space<hbm>>
    %dma_start3A_1682 = arith.constant 0 : i32
    %dma_start3A_1683 = arith.constant 0 : i32
    %dma_start3A_1684 = arith.constant 0 : i32
    %dma_start3A_1685 = tpu.memref_slice %arg5[%dma_start3A_1665, %dma_start3A_1682, %dma_start3A_1683, %dma_start3A_1684] : memref<3x64x4x128xf32, #tpu.memory_space<vmem>> -> memref<1x64x4x128xf32, #tpu.memory_space<vmem>>
    %dma_start3A_1686 = tpu.memref_squeeze %dma_start3A_1685 : memref<1x64x4x128xf32, #tpu.memory_space<vmem>> -> memref<64x4x128xf32, #tpu.memory_space<vmem>>
    tpu.enqueue_dma source(%dma_start3A_1686 : memref<64x4x128xf32, #tpu.memory_space<vmem>>) target(%dma_start3A_1681 : memref<64x4x128xf32, #tpu.memory_space<hbm>>) target_semaphore(%dma_start3A_1677 : memref<!tpu.dma_semaphore, #tpu.memory_space<semaphore_mem>>)
    %dma_wait3A_1687 = arith.constant 1 : i32
    %dma_wait3A_1688 = arith.constant 1 : i32
    %dma_wait3A_1689 = arith.constant 0 : i32
    %dma_wait3A_1690 = arith.constant 0 : i32
    %dma_wait3A_1691 = arith.constant 0 : i32
    %dma_wait3A_1692 = tpu.memref_slice %arg5[%dma_wait3A_1687, %dma_wait3A_1689, %dma_wait3A_1690, %dma_wait3A_1691] : memref<3x64x4x128xf32, #tpu.memory_space<vmem>> -> memref<1x64x4x128xf32, #tpu.memory_space<vmem>>
    %dma_wait3A_1693 = tpu.memref_squeeze %dma_wait3A_1692 : memref<1x64x4x128xf32, #tpu.memory_space<vmem>> -> memref<64x4x128xf32, #tpu.memory_space<vmem>>
    %dma_wait3A_1694 = arith.constant 0 : i32
    %dma_wait3A_1695 = arith.constant 0 : i32
    %dma_wait3A_1696 = tpu.memref_slice %arg2[%add3A_611, %mul3A_629, %dma_wait3A_1694, %dma_wait3A_1695] : memref<16x2048x4x128xf32, #tpu.memory_space<hbm>> -> memref<1x64x4x128xf32, #tpu.memory_space<hbm>>
    %dma_wait3A_1697 = tpu.memref_squeeze %dma_wait3A_1696 : memref<1x64x4x128xf32, #tpu.memory_space<hbm>> -> memref<64x4x128xf32, #tpu.memory_space<hbm>>
    %dma_wait3A_1698 = tpu.memref_slice %arg7[%dma_wait3A_1688] : memref<3x!tpu.dma_semaphore, #tpu.memory_space<semaphore_mem>> -> memref<1x!tpu.dma_semaphore, #tpu.memory_space<semaphore_mem>>
    %dma_wait3A_1699 = tpu.memref_squeeze %dma_wait3A_1698 : memref<1x!tpu.dma_semaphore, #tpu.memory_space<semaphore_mem>> -> memref<!tpu.dma_semaphore, #tpu.memory_space<semaphore_mem>>
    %dma_wait3A_1700 = arith.constant 0 : i32
    %dma_wait3A_1701 = arith.constant 0 : i32
    %dma_wait3A_1702 = arith.constant 0 : i32
    %dma_wait3A_1703 = tpu.memref_slice %arg5[%dma_wait3A_1687, %dma_wait3A_1700, %dma_wait3A_1701, %dma_wait3A_1702] : memref<3x64x4x128xf32, #tpu.memory_space<vmem>> -> memref<1x64x4x128xf32, #tpu.memory_space<vmem>>
    %dma_wait3A_1704 = tpu.memref_squeeze %dma_wait3A_1703 : memref<1x64x4x128xf32, #tpu.memory_space<vmem>> -> memref<64x4x128xf32, #tpu.memory_space<vmem>>
    %dma_wait3A_1705 = arith.constant 0 : i32
    %dma_wait3A_1706 = arith.constant 0 : i32
    %dma_wait3A_1707 = tpu.memref_slice %arg2[%add3A_611, %mul3A_629, %dma_wait3A_1705, %dma_wait3A_1706] : memref<16x2048x4x128xf32, #tpu.memory_space<hbm>> -> memref<1x64x4x128xf32, #tpu.memory_space<hbm>>
    %dma_wait3A_1708 = tpu.memref_squeeze %dma_wait3A_1707 : memref<1x64x4x128xf32, #tpu.memory_space<hbm>> -> memref<64x4x128xf32, #tpu.memory_space<hbm>>
    tpu.wait_dma2 semaphore(%dma_wait3A_1699 : memref<!tpu.dma_semaphore, #tpu.memory_space<semaphore_mem>>) src(%dma_wait3A_1708 : memref<64x4x128xf32, #tpu.memory_space<hbm>>) dst(%dma_wait3A_1704 : memref<64x4x128xf32, #tpu.memory_space<vmem>>)
    %dma_start3A_1709 = arith.constant 1 : i32
    %dma_start3A_1710 = arith.constant 1 : i32
    %dma_start3A_1711 = arith.constant 0 : i32
    %dma_start3A_1712 = arith.constant 0 : i32
    %dma_start3A_1713 = arith.constant 0 : i32
    %dma_start3A_1714 = tpu.memref_slice %arg5[%dma_start3A_1709, %dma_start3A_1711, %dma_start3A_1712, %dma_start3A_1713] : memref<3x64x4x128xf32, #tpu.memory_space<vmem>> -> memref<1x64x4x128xf32, #tpu.memory_space<vmem>>
    %dma_start3A_1715 = tpu.memref_squeeze %dma_start3A_1714 : memref<1x64x4x128xf32, #tpu.memory_space<vmem>> -> memref<64x4x128xf32, #tpu.memory_space<vmem>>
    %dma_start3A_1716 = arith.constant 0 : i32
    %dma_start3A_1717 = arith.constant 0 : i32
    %dma_start3A_1718 = tpu.memref_slice %arg4[%add3A_611, %mul3A_629, %dma_start3A_1716, %dma_start3A_1717] : memref<16x2048x4x128xf32, #tpu.memory_space<hbm>> -> memref<1x64x4x128xf32, #tpu.memory_space<hbm>>
    %dma_start3A_1719 = tpu.memref_squeeze %dma_start3A_1718 : memref<1x64x4x128xf32, #tpu.memory_space<hbm>> -> memref<64x4x128xf32, #tpu.memory_space<hbm>>
    %dma_start3A_1720 = tpu.memref_slice %arg8[%dma_start3A_1710] : memref<3x!tpu.dma_semaphore, #tpu.memory_space<semaphore_mem>> -> memref<1x!tpu.dma_semaphore, #tpu.memory_space<semaphore_mem>>
    %dma_start3A_1721 = tpu.memref_squeeze %dma_start3A_1720 : memref<1x!tpu.dma_semaphore, #tpu.memory_space<semaphore_mem>> -> memref<!tpu.dma_semaphore, #tpu.memory_space<semaphore_mem>>
    %dma_start3A_1722 = arith.constant 0 : i32
    %dma_start3A_1723 = arith.constant 0 : i32
    %dma_start3A_1724 = tpu.memref_slice %arg4[%add3A_611, %mul3A_629, %dma_start3A_1722, %dma_start3A_1723] : memref<16x2048x4x128xf32, #tpu.memory_space<hbm>> -> memref<1x64x4x128xf32, #tpu.memory_space<hbm>>
    %dma_start3A_1725 = tpu.memref_squeeze %dma_start3A_1724 : memref<1x64x4x128xf32, #tpu.memory_space<hbm>> -> memref<64x4x128xf32, #tpu.memory_space<hbm>>
    %dma_start3A_1726 = arith.constant 0 : i32
    %dma_start3A_1727 = arith.constant 0 : i32
    %dma_start3A_1728 = arith.constant 0 : i32
    %dma_start3A_1729 = tpu.memref_slice %arg5[%dma_start3A_1709, %dma_start3A_1726, %dma_start3A_1727, %dma_start3A_1728] : memref<3x64x4x128xf32, #tpu.memory_space<vmem>> -> memref<1x64x4x128xf32, #tpu.memory_space<vmem>>
    %dma_start3A_1730 = tpu.memref_squeeze %dma_start3A_1729 : memref<1x64x4x128xf32, #tpu.memory_space<vmem>> -> memref<64x4x128xf32, #tpu.memory_space<vmem>>
    tpu.enqueue_dma source(%dma_start3A_1730 : memref<64x4x128xf32, #tpu.memory_space<vmem>>) target(%dma_start3A_1725 : memref<64x4x128xf32, #tpu.memory_space<hbm>>) target_semaphore(%dma_start3A_1721 : memref<!tpu.dma_semaphore, #tpu.memory_space<semaphore_mem>>)
    %dma_wait3A_1731 = arith.constant 2 : i32
    %dma_wait3A_1732 = arith.constant 2 : i32
    %dma_wait3A_1733 = arith.constant 0 : i32
    %dma_wait3A_1734 = arith.constant 0 : i32
    %dma_wait3A_1735 = arith.constant 0 : i32
    %dma_wait3A_1736 = tpu.memref_slice %arg5[%dma_wait3A_1731, %dma_wait3A_1733, %dma_wait3A_1734, %dma_wait3A_1735] : memref<3x64x4x128xf32, #tpu.memory_space<vmem>> -> memref<1x64x4x128xf32, #tpu.memory_space<vmem>>
    %dma_wait3A_1737 = tpu.memref_squeeze %dma_wait3A_1736 : memref<1x64x4x128xf32, #tpu.memory_space<vmem>> -> memref<64x4x128xf32, #tpu.memory_space<vmem>>
    %dma_wait3A_1738 = arith.constant 0 : i32
    %dma_wait3A_1739 = arith.constant 0 : i32
    %dma_wait3A_1740 = tpu.memref_slice %arg2[%add3A_669, %mul3A_687, %dma_wait3A_1738, %dma_wait3A_1739] : memref<16x2048x4x128xf32, #tpu.memory_space<hbm>> -> memref<1x64x4x128xf32, #tpu.memory_space<hbm>>
    %dma_wait3A_1741 = tpu.memref_squeeze %dma_wait3A_1740 : memref<1x64x4x128xf32, #tpu.memory_space<hbm>> -> memref<64x4x128xf32, #tpu.memory_space<hbm>>
    %dma_wait3A_1742 = tpu.memref_slice %arg7[%dma_wait3A_1732] : memref<3x!tpu.dma_semaphore, #tpu.memory_space<semaphore_mem>> -> memref<1x!tpu.dma_semaphore, #tpu.memory_space<semaphore_mem>>
    %dma_wait3A_1743 = tpu.memref_squeeze %dma_wait3A_1742 : memref<1x!tpu.dma_semaphore, #tpu.memory_space<semaphore_mem>> -> memref<!tpu.dma_semaphore, #tpu.memory_space<semaphore_mem>>
    %dma_wait3A_1744 = arith.constant 0 : i32
    %dma_wait3A_1745 = arith.constant 0 : i32
    %dma_wait3A_1746 = arith.constant 0 : i32
    %dma_wait3A_1747 = tpu.memref_slice %arg5[%dma_wait3A_1731, %dma_wait3A_1744, %dma_wait3A_1745, %dma_wait3A_1746] : memref<3x64x4x128xf32, #tpu.memory_space<vmem>> -> memref<1x64x4x128xf32, #tpu.memory_space<vmem>>
    %dma_wait3A_1748 = tpu.memref_squeeze %dma_wait3A_1747 : memref<1x64x4x128xf32, #tpu.memory_space<vmem>> -> memref<64x4x128xf32, #tpu.memory_space<vmem>>
    %dma_wait3A_1749 = arith.constant 0 : i32
    %dma_wait3A_1750 = arith.constant 0 : i32
    %dma_wait3A_1751 = tpu.memref_slice %arg2[%add3A_669, %mul3A_687, %dma_wait3A_1749, %dma_wait3A_1750] : memref<16x2048x4x128xf32, #tpu.memory_space<hbm>> -> memref<1x64x4x128xf32, #tpu.memory_space<hbm>>
    %dma_wait3A_1752 = tpu.memref_squeeze %dma_wait3A_1751 : memref<1x64x4x128xf32, #tpu.memory_space<hbm>> -> memref<64x4x128xf32, #tpu.memory_space<hbm>>
    tpu.wait_dma2 semaphore(%dma_wait3A_1743 : memref<!tpu.dma_semaphore, #tpu.memory_space<semaphore_mem>>) src(%dma_wait3A_1752 : memref<64x4x128xf32, #tpu.memory_space<hbm>>) dst(%dma_wait3A_1748 : memref<64x4x128xf32, #tpu.memory_space<vmem>>)
    %dma_start3A_1753 = arith.constant 2 : i32
    %dma_start3A_1754 = arith.constant 2 : i32
    %dma_start3A_1755 = arith.constant 0 : i32
    %dma_start3A_1756 = arith.constant 0 : i32
    %dma_start3A_1757 = arith.constant 0 : i32
    %dma_start3A_1758 = tpu.memref_slice %arg5[%dma_start3A_1753, %dma_start3A_1755, %dma_start3A_1756, %dma_start3A_1757] : memref<3x64x4x128xf32, #tpu.memory_space<vmem>> -> memref<1x64x4x128xf32, #tpu.memory_space<vmem>>
    %dma_start3A_1759 = tpu.memref_squeeze %dma_start3A_1758 : memref<1x64x4x128xf32, #tpu.memory_space<vmem>> -> memref<64x4x128xf32, #tpu.memory_space<vmem>>
    %dma_start3A_1760 = arith.constant 0 : i32
    %dma_start3A_1761 = arith.constant 0 : i32
    %dma_start3A_1762 = tpu.memref_slice %arg4[%add3A_669, %mul3A_687, %dma_start3A_1760, %dma_start3A_1761] : memref<16x2048x4x128xf32, #tpu.memory_space<hbm>> -> memref<1x64x4x128xf32, #tpu.memory_space<hbm>>
    %dma_start3A_1763 = tpu.memref_squeeze %dma_start3A_1762 : memref<1x64x4x128xf32, #tpu.memory_space<hbm>> -> memref<64x4x128xf32, #tpu.memory_space<hbm>>
    %dma_start3A_1764 = tpu.memref_slice %arg8[%dma_start3A_1754] : memref<3x!tpu.dma_semaphore, #tpu.memory_space<semaphore_mem>> -> memref<1x!tpu.dma_semaphore, #tpu.memory_space<semaphore_mem>>
    %dma_start3A_1765 = tpu.memref_squeeze %dma_start3A_1764 : memref<1x!tpu.dma_semaphore, #tpu.memory_space<semaphore_mem>> -> memref<!tpu.dma_semaphore, #tpu.memory_space<semaphore_mem>>
    %dma_start3A_1766 = arith.constant 0 : i32
    %dma_start3A_1767 = arith.constant 0 : i32
    %dma_start3A_1768 = tpu.memref_slice %arg4[%add3A_669, %mul3A_687, %dma_start3A_1766, %dma_start3A_1767] : memref<16x2048x4x128xf32, #tpu.memory_space<hbm>> -> memref<1x64x4x128xf32, #tpu.memory_space<hbm>>
    %dma_start3A_1769 = tpu.memref_squeeze %dma_start3A_1768 : memref<1x64x4x128xf32, #tpu.memory_space<hbm>> -> memref<64x4x128xf32, #tpu.memory_space<hbm>>
    %dma_start3A_1770 = arith.constant 0 : i32
    %dma_start3A_1771 = arith.constant 0 : i32
    %dma_start3A_1772 = arith.constant 0 : i32
    %dma_start3A_1773 = tpu.memref_slice %arg5[%dma_start3A_1753, %dma_start3A_1770, %dma_start3A_1771, %dma_start3A_1772] : memref<3x64x4x128xf32, #tpu.memory_space<vmem>> -> memref<1x64x4x128xf32, #tpu.memory_space<vmem>>
    %dma_start3A_1774 = tpu.memref_squeeze %dma_start3A_1773 : memref<1x64x4x128xf32, #tpu.memory_space<vmem>> -> memref<64x4x128xf32, #tpu.memory_space<vmem>>
    tpu.enqueue_dma source(%dma_start3A_1774 : memref<64x4x128xf32, #tpu.memory_space<vmem>>) target(%dma_start3A_1769 : memref<64x4x128xf32, #tpu.memory_space<hbm>>) target_semaphore(%dma_start3A_1765 : memref<!tpu.dma_semaphore, #tpu.memory_space<semaphore_mem>>)
    %dma_wait3A_1775 = arith.constant 1 : i32
    %dma_wait3A_1776 = arith.constant 1 : i32
    %dma_wait3A_1777 = arith.constant 0 : i32
    %dma_wait3A_1778 = arith.constant 0 : i32
    %dma_wait3A_1779 = arith.constant 0 : i32
    %dma_wait3A_1780 = tpu.memref_slice %arg5[%dma_wait3A_1775, %dma_wait3A_1777, %dma_wait3A_1778, %dma_wait3A_1779] : memref<3x64x4x128xf32, #tpu.memory_space<vmem>> -> memref<1x64x4x128xf32, #tpu.memory_space<vmem>>
    %dma_wait3A_1781 = tpu.memref_squeeze %dma_wait3A_1780 : memref<1x64x4x128xf32, #tpu.memory_space<vmem>> -> memref<64x4x128xf32, #tpu.memory_space<vmem>>
    %dma_wait3A_1782 = arith.constant 0 : i32
    %dma_wait3A_1783 = arith.constant 0 : i32
    %dma_wait3A_1784 = tpu.memref_slice %arg4[%add3A_611, %mul3A_629, %dma_wait3A_1782, %dma_wait3A_1783] : memref<16x2048x4x128xf32, #tpu.memory_space<hbm>> -> memref<1x64x4x128xf32, #tpu.memory_space<hbm>>
    %dma_wait3A_1785 = tpu.memref_squeeze %dma_wait3A_1784 : memref<1x64x4x128xf32, #tpu.memory_space<hbm>> -> memref<64x4x128xf32, #tpu.memory_space<hbm>>
    %dma_wait3A_1786 = tpu.memref_slice %arg8[%dma_wait3A_1776] : memref<3x!tpu.dma_semaphore, #tpu.memory_space<semaphore_mem>> -> memref<1x!tpu.dma_semaphore, #tpu.memory_space<semaphore_mem>>
    %dma_wait3A_1787 = tpu.memref_squeeze %dma_wait3A_1786 : memref<1x!tpu.dma_semaphore, #tpu.memory_space<semaphore_mem>> -> memref<!tpu.dma_semaphore, #tpu.memory_space<semaphore_mem>>
    %dma_wait3A_1788 = arith.constant 0 : i32
    %dma_wait3A_1789 = arith.constant 0 : i32
    %dma_wait3A_1790 = tpu.memref_slice %arg4[%add3A_611, %mul3A_629, %dma_wait3A_1788, %dma_wait3A_1789] : memref<16x2048x4x128xf32, #tpu.memory_space<hbm>> -> memref<1x64x4x128xf32, #tpu.memory_space<hbm>>
    %dma_wait3A_1791 = tpu.memref_squeeze %dma_wait3A_1790 : memref<1x64x4x128xf32, #tpu.memory_space<hbm>> -> memref<64x4x128xf32, #tpu.memory_space<hbm>>
    %dma_wait3A_1792 = arith.constant 0 : i32
    %dma_wait3A_1793 = arith.constant 0 : i32
    %dma_wait3A_1794 = arith.constant 0 : i32
    %dma_wait3A_1795 = tpu.memref_slice %arg5[%dma_wait3A_1775, %dma_wait3A_1792, %dma_wait3A_1793, %dma_wait3A_1794] : memref<3x64x4x128xf32, #tpu.memory_space<vmem>> -> memref<1x64x4x128xf32, #tpu.memory_space<vmem>>
    %dma_wait3A_1796 = tpu.memref_squeeze %dma_wait3A_1795 : memref<1x64x4x128xf32, #tpu.memory_space<vmem>> -> memref<64x4x128xf32, #tpu.memory_space<vmem>>
    tpu.wait_dma2 semaphore(%dma_wait3A_1787 : memref<!tpu.dma_semaphore, #tpu.memory_space<semaphore_mem>>) src(%dma_wait3A_1796 : memref<64x4x128xf32, #tpu.memory_space<vmem>>) dst(%dma_wait3A_1791 : memref<64x4x128xf32, #tpu.memory_space<hbm>>)
    %dma_wait3A_1797 = arith.constant 2 : i32
    %dma_wait3A_1798 = arith.constant 2 : i32
    %dma_wait3A_1799 = arith.constant 0 : i32
    %dma_wait3A_1800 = arith.constant 0 : i32
    %dma_wait3A_1801 = arith.constant 0 : i32
    %dma_wait3A_1802 = tpu.memref_slice %arg5[%dma_wait3A_1797, %dma_wait3A_1799, %dma_wait3A_1800, %dma_wait3A_1801] : memref<3x64x4x128xf32, #tpu.memory_space<vmem>> -> memref<1x64x4x128xf32, #tpu.memory_space<vmem>>
    %dma_wait3A_1803 = tpu.memref_squeeze %dma_wait3A_1802 : memref<1x64x4x128xf32, #tpu.memory_space<vmem>> -> memref<64x4x128xf32, #tpu.memory_space<vmem>>
    %dma_wait3A_1804 = arith.constant 0 : i32
    %dma_wait3A_1805 = arith.constant 0 : i32
    %dma_wait3A_1806 = tpu.memref_slice %arg4[%add3A_669, %mul3A_687, %dma_wait3A_1804, %dma_wait3A_1805] : memref<16x2048x4x128xf32, #tpu.memory_space<hbm>> -> memref<1x64x4x128xf32, #tpu.memory_space<hbm>>
    %dma_wait3A_1807 = tpu.memref_squeeze %dma_wait3A_1806 : memref<1x64x4x128xf32, #tpu.memory_space<hbm>> -> memref<64x4x128xf32, #tpu.memory_space<hbm>>
    %dma_wait3A_1808 = tpu.memref_slice %arg8[%dma_wait3A_1798] : memref<3x!tpu.dma_semaphore, #tpu.memory_space<semaphore_mem>> -> memref<1x!tpu.dma_semaphore, #tpu.memory_space<semaphore_mem>>
    %dma_wait3A_1809 = tpu.memref_squeeze %dma_wait3A_1808 : memref<1x!tpu.dma_semaphore, #tpu.memory_space<semaphore_mem>> -> memref<!tpu.dma_semaphore, #tpu.memory_space<semaphore_mem>>
    %dma_wait3A_1810 = arith.constant 0 : i32
    %dma_wait3A_1811 = arith.constant 0 : i32
    %dma_wait3A_1812 = tpu.memref_slice %arg4[%add3A_669, %mul3A_687, %dma_wait3A_1810, %dma_wait3A_1811] : memref<16x2048x4x128xf32, #tpu.memory_space<hbm>> -> memref<1x64x4x128xf32, #tpu.memory_space<hbm>>
    %dma_wait3A_1813 = tpu.memref_squeeze %dma_wait3A_1812 : memref<1x64x4x128xf32, #tpu.memory_space<hbm>> -> memref<64x4x128xf32, #tpu.memory_space<hbm>>
    %dma_wait3A_1814 = arith.constant 0 : i32
    %dma_wait3A_1815 = arith.constant 0 : i32
    %dma_wait3A_1816 = arith.constant 0 : i32
    %dma_wait3A_1817 = tpu.memref_slice %arg5[%dma_wait3A_1797, %dma_wait3A_1814, %dma_wait3A_1815, %dma_wait3A_1816] : memref<3x64x4x128xf32, #tpu.memory_space<vmem>> -> memref<1x64x4x128xf32, #tpu.memory_space<vmem>>
    %dma_wait3A_1818 = tpu.memref_squeeze %dma_wait3A_1817 : memref<1x64x4x128xf32, #tpu.memory_space<vmem>> -> memref<64x4x128xf32, #tpu.memory_space<vmem>>
    tpu.wait_dma2 semaphore(%dma_wait3A_1809 : memref<!tpu.dma_semaphore, #tpu.memory_space<semaphore_mem>>) src(%dma_wait3A_1818 : memref<64x4x128xf32, #tpu.memory_space<vmem>>) dst(%dma_wait3A_1813 : memref<64x4x128xf32, #tpu.memory_space<hbm>>)
    %lt3A_1819 = arith.constant 7 : i32
    %lt3A_1820 = arith.cmpi slt, %select_n3A_727, %lt3A_1819 : i32
    %convert_element_type3A_1821 = arith.extui %lt3A_1820 : i1 to i32
    %cond3A_1822 = arith.constant 0 : i32
    %cond3A_1823 = arith.cmpi ne, %convert_element_type3A_1821, %cond3A_1822 : i32
    scf.if %cond3A_1823 {
      %add3A_1829 = arith.constant 0 : i32
      %add3A_1830 = arith.addi %mul3A_774, %add3A_1829 : i32
      %dma_wait3A_1831 = arith.constant 1 : i32
      %dma_wait3A_1832 = arith.constant 0 : i32
      %dma_wait3A_1833 = arith.constant 0 : i32
      %dma_wait3A_1834 = tpu.memref_slice %arg4[%add3A_772, %add3A_1830, %dma_wait3A_1832, %dma_wait3A_1833] : memref<16x2048x4x128xf32, #tpu.memory_space<hbm>> -> memref<1x32x4x128xf32, #tpu.memory_space<hbm>>
      %dma_wait3A_1835 = tpu.memref_squeeze %dma_wait3A_1834 : memref<1x32x4x128xf32, #tpu.memory_space<hbm>> -> memref<32x4x128xf32, #tpu.memory_space<hbm>>
      %dma_wait3A_1836 = tpu.memref_slice %arg9[%dma_wait3A_1831] : memref<10x!tpu.dma_semaphore, #tpu.memory_space<semaphore_mem>> -> memref<1x!tpu.dma_semaphore, #tpu.memory_space<semaphore_mem>>
      %dma_wait3A_1837 = tpu.memref_squeeze %dma_wait3A_1836 : memref<1x!tpu.dma_semaphore, #tpu.memory_space<semaphore_mem>> -> memref<!tpu.dma_semaphore, #tpu.memory_space<semaphore_mem>>
      %dma_wait3A_1838 = arith.constant 0 : i32
      %dma_wait3A_1839 = arith.constant 0 : i32
      %dma_wait3A_1840 = tpu.memref_slice %arg4[%add3A_772, %add3A_1830, %dma_wait3A_1838, %dma_wait3A_1839] : memref<16x2048x4x128xf32, #tpu.memory_space<hbm>> -> memref<1x32x4x128xf32, #tpu.memory_space<hbm>>
      %dma_wait3A_1841 = tpu.memref_squeeze %dma_wait3A_1840 : memref<1x32x4x128xf32, #tpu.memory_space<hbm>> -> memref<32x4x128xf32, #tpu.memory_space<hbm>>
      tpu.wait_dma2 semaphore(%dma_wait3A_1837 : memref<!tpu.dma_semaphore, #tpu.memory_space<semaphore_mem>>) src(%arg6 : memref<32x4x128xf32, #tpu.memory_space<vmem>>) dst(%dma_wait3A_1841 : memref<32x4x128xf32, #tpu.memory_space<hbm>>)
      %add3A_1842 = arith.constant 32 : i32
      %add3A_1843 = arith.addi %mul3A_774, %add3A_1842 : i32
      %dma_wait3A_1844 = arith.constant 2 : i32
      %dma_wait3A_1845 = arith.constant 0 : i32
      %dma_wait3A_1846 = arith.constant 0 : i32
      %dma_wait3A_1847 = tpu.memref_slice %arg4[%add3A_772, %add3A_1843, %dma_wait3A_1845, %dma_wait3A_1846] : memref<16x2048x4x128xf32, #tpu.memory_space<hbm>> -> memref<1x32x4x128xf32, #tpu.memory_space<hbm>>
      %dma_wait3A_1848 = tpu.memref_squeeze %dma_wait3A_1847 : memref<1x32x4x128xf32, #tpu.memory_space<hbm>> -> memref<32x4x128xf32, #tpu.memory_space<hbm>>
      %dma_wait3A_1849 = tpu.memref_slice %arg9[%dma_wait3A_1844] : memref<10x!tpu.dma_semaphore, #tpu.memory_space<semaphore_mem>> -> memref<1x!tpu.dma_semaphore, #tpu.memory_space<semaphore_mem>>
      %dma_wait3A_1850 = tpu.memref_squeeze %dma_wait3A_1849 : memref<1x!tpu.dma_semaphore, #tpu.memory_space<semaphore_mem>> -> memref<!tpu.dma_semaphore, #tpu.memory_space<semaphore_mem>>
      %dma_wait3A_1851 = arith.constant 0 : i32
      %dma_wait3A_1852 = arith.constant 0 : i32
      %dma_wait3A_1853 = tpu.memref_slice %arg4[%add3A_772, %add3A_1843, %dma_wait3A_1851, %dma_wait3A_1852] : memref<16x2048x4x128xf32, #tpu.memory_space<hbm>> -> memref<1x32x4x128xf32, #tpu.memory_space<hbm>>
      %dma_wait3A_1854 = tpu.memref_squeeze %dma_wait3A_1853 : memref<1x32x4x128xf32, #tpu.memory_space<hbm>> -> memref<32x4x128xf32, #tpu.memory_space<hbm>>
      tpu.wait_dma2 semaphore(%dma_wait3A_1850 : memref<!tpu.dma_semaphore, #tpu.memory_space<semaphore_mem>>) src(%arg6 : memref<32x4x128xf32, #tpu.memory_space<vmem>>) dst(%dma_wait3A_1854 : memref<32x4x128xf32, #tpu.memory_space<hbm>>)
      %add3A_1855 = arith.constant 64 : i32
      %add3A_1856 = arith.addi %mul3A_774, %add3A_1855 : i32
      %dma_wait3A_1857 = arith.constant 3 : i32
      %dma_wait3A_1858 = arith.constant 0 : i32
      %dma_wait3A_1859 = arith.constant 0 : i32
      %dma_wait3A_1860 = tpu.memref_slice %arg4[%add3A_772, %add3A_1856, %dma_wait3A_1858, %dma_wait3A_1859] : memref<16x2048x4x128xf32, #tpu.memory_space<hbm>> -> memref<1x32x4x128xf32, #tpu.memory_space<hbm>>
      %dma_wait3A_1861 = tpu.memref_squeeze %dma_wait3A_1860 : memref<1x32x4x128xf32, #tpu.memory_space<hbm>> -> memref<32x4x128xf32, #tpu.memory_space<hbm>>
      %dma_wait3A_1862 = tpu.memref_slice %arg9[%dma_wait3A_1857] : memref<10x!tpu.dma_semaphore, #tpu.memory_space<semaphore_mem>> -> memref<1x!tpu.dma_semaphore, #tpu.memory_space<semaphore_mem>>
      %dma_wait3A_1863 = tpu.memref_squeeze %dma_wait3A_1862 : memref<1x!tpu.dma_semaphore, #tpu.memory_space<semaphore_mem>> -> memref<!tpu.dma_semaphore, #tpu.memory_space<semaphore_mem>>
      %dma_wait3A_1864 = arith.constant 0 : i32
      %dma_wait3A_1865 = arith.constant 0 : i32
      %dma_wait3A_1866 = tpu.memref_slice %arg4[%add3A_772, %add3A_1856, %dma_wait3A_1864, %dma_wait3A_1865] : memref<16x2048x4x128xf32, #tpu.memory_space<hbm>> -> memref<1x32x4x128xf32, #tpu.memory_space<hbm>>
      %dma_wait3A_1867 = tpu.memref_squeeze %dma_wait3A_1866 : memref<1x32x4x128xf32, #tpu.memory_space<hbm>> -> memref<32x4x128xf32, #tpu.memory_space<hbm>>
      tpu.wait_dma2 semaphore(%dma_wait3A_1863 : memref<!tpu.dma_semaphore, #tpu.memory_space<semaphore_mem>>) src(%arg6 : memref<32x4x128xf32, #tpu.memory_space<vmem>>) dst(%dma_wait3A_1867 : memref<32x4x128xf32, #tpu.memory_space<hbm>>)
      %add3A_1868 = arith.constant 96 : i32
      %add3A_1869 = arith.addi %mul3A_774, %add3A_1868 : i32
      %dma_wait3A_1870 = arith.constant 4 : i32
      %dma_wait3A_1871 = arith.constant 0 : i32
      %dma_wait3A_1872 = arith.constant 0 : i32
      %dma_wait3A_1873 = tpu.memref_slice %arg4[%add3A_772, %add3A_1869, %dma_wait3A_1871, %dma_wait3A_1872] : memref<16x2048x4x128xf32, #tpu.memory_space<hbm>> -> memref<1x32x4x128xf32, #tpu.memory_space<hbm>>
      %dma_wait3A_1874 = tpu.memref_squeeze %dma_wait3A_1873 : memref<1x32x4x128xf32, #tpu.memory_space<hbm>> -> memref<32x4x128xf32, #tpu.memory_space<hbm>>
      %dma_wait3A_1875 = tpu.memref_slice %arg9[%dma_wait3A_1870] : memref<10x!tpu.dma_semaphore, #tpu.memory_space<semaphore_mem>> -> memref<1x!tpu.dma_semaphore, #tpu.memory_space<semaphore_mem>>
      %dma_wait3A_1876 = tpu.memref_squeeze %dma_wait3A_1875 : memref<1x!tpu.dma_semaphore, #tpu.memory_space<semaphore_mem>> -> memref<!tpu.dma_semaphore, #tpu.memory_space<semaphore_mem>>
      %dma_wait3A_1877 = arith.constant 0 : i32
      %dma_wait3A_1878 = arith.constant 0 : i32
      %dma_wait3A_1879 = tpu.memref_slice %arg4[%add3A_772, %add3A_1869, %dma_wait3A_1877, %dma_wait3A_1878] : memref<16x2048x4x128xf32, #tpu.memory_space<hbm>> -> memref<1x32x4x128xf32, #tpu.memory_space<hbm>>
      %dma_wait3A_1880 = tpu.memref_squeeze %dma_wait3A_1879 : memref<1x32x4x128xf32, #tpu.memory_space<hbm>> -> memref<32x4x128xf32, #tpu.memory_space<hbm>>
      tpu.wait_dma2 semaphore(%dma_wait3A_1876 : memref<!tpu.dma_semaphore, #tpu.memory_space<semaphore_mem>>) src(%arg6 : memref<32x4x128xf32, #tpu.memory_space<vmem>>) dst(%dma_wait3A_1880 : memref<32x4x128xf32, #tpu.memory_space<hbm>>)
      %add3A_1881 = arith.constant 128 : i32
      %add3A_1882 = arith.addi %mul3A_774, %add3A_1881 : i32
      %dma_wait3A_1883 = arith.constant 5 : i32
      %dma_wait3A_1884 = arith.constant 0 : i32
      %dma_wait3A_1885 = arith.constant 0 : i32
      %dma_wait3A_1886 = tpu.memref_slice %arg4[%add3A_772, %add3A_1882, %dma_wait3A_1884, %dma_wait3A_1885] : memref<16x2048x4x128xf32, #tpu.memory_space<hbm>> -> memref<1x32x4x128xf32, #tpu.memory_space<hbm>>
      %dma_wait3A_1887 = tpu.memref_squeeze %dma_wait3A_1886 : memref<1x32x4x128xf32, #tpu.memory_space<hbm>> -> memref<32x4x128xf32, #tpu.memory_space<hbm>>
      %dma_wait3A_1888 = tpu.memref_slice %arg9[%dma_wait3A_1883] : memref<10x!tpu.dma_semaphore, #tpu.memory_space<semaphore_mem>> -> memref<1x!tpu.dma_semaphore, #tpu.memory_space<semaphore_mem>>
      %dma_wait3A_1889 = tpu.memref_squeeze %dma_wait3A_1888 : memref<1x!tpu.dma_semaphore, #tpu.memory_space<semaphore_mem>> -> memref<!tpu.dma_semaphore, #tpu.memory_space<semaphore_mem>>
      %dma_wait3A_1890 = arith.constant 0 : i32
      %dma_wait3A_1891 = arith.constant 0 : i32
      %dma_wait3A_1892 = tpu.memref_slice %arg4[%add3A_772, %add3A_1882, %dma_wait3A_1890, %dma_wait3A_1891] : memref<16x2048x4x128xf32, #tpu.memory_space<hbm>> -> memref<1x32x4x128xf32, #tpu.memory_space<hbm>>
      %dma_wait3A_1893 = tpu.memref_squeeze %dma_wait3A_1892 : memref<1x32x4x128xf32, #tpu.memory_space<hbm>> -> memref<32x4x128xf32, #tpu.memory_space<hbm>>
      tpu.wait_dma2 semaphore(%dma_wait3A_1889 : memref<!tpu.dma_semaphore, #tpu.memory_space<semaphore_mem>>) src(%arg6 : memref<32x4x128xf32, #tpu.memory_space<vmem>>) dst(%dma_wait3A_1893 : memref<32x4x128xf32, #tpu.memory_space<hbm>>)
      %add3A_1894 = arith.constant 160 : i32
      %add3A_1895 = arith.addi %mul3A_774, %add3A_1894 : i32
      %dma_wait3A_1896 = arith.constant 6 : i32
      %dma_wait3A_1897 = arith.constant 0 : i32
      %dma_wait3A_1898 = arith.constant 0 : i32
      %dma_wait3A_1899 = tpu.memref_slice %arg4[%add3A_772, %add3A_1895, %dma_wait3A_1897, %dma_wait3A_1898] : memref<16x2048x4x128xf32, #tpu.memory_space<hbm>> -> memref<1x32x4x128xf32, #tpu.memory_space<hbm>>
      %dma_wait3A_1900 = tpu.memref_squeeze %dma_wait3A_1899 : memref<1x32x4x128xf32, #tpu.memory_space<hbm>> -> memref<32x4x128xf32, #tpu.memory_space<hbm>>
      %dma_wait3A_1901 = tpu.memref_slice %arg9[%dma_wait3A_1896] : memref<10x!tpu.dma_semaphore, #tpu.memory_space<semaphore_mem>> -> memref<1x!tpu.dma_semaphore, #tpu.memory_space<semaphore_mem>>
      %dma_wait3A_1902 = tpu.memref_squeeze %dma_wait3A_1901 : memref<1x!tpu.dma_semaphore, #tpu.memory_space<semaphore_mem>> -> memref<!tpu.dma_semaphore, #tpu.memory_space<semaphore_mem>>
      %dma_wait3A_1903 = arith.constant 0 : i32
      %dma_wait3A_1904 = arith.constant 0 : i32
      %dma_wait3A_1905 = tpu.memref_slice %arg4[%add3A_772, %add3A_1895, %dma_wait3A_1903, %dma_wait3A_1904] : memref<16x2048x4x128xf32, #tpu.memory_space<hbm>> -> memref<1x32x4x128xf32, #tpu.memory_space<hbm>>
      %dma_wait3A_1906 = tpu.memref_squeeze %dma_wait3A_1905 : memref<1x32x4x128xf32, #tpu.memory_space<hbm>> -> memref<32x4x128xf32, #tpu.memory_space<hbm>>
      tpu.wait_dma2 semaphore(%dma_wait3A_1902 : memref<!tpu.dma_semaphore, #tpu.memory_space<semaphore_mem>>) src(%arg6 : memref<32x4x128xf32, #tpu.memory_space<vmem>>) dst(%dma_wait3A_1906 : memref<32x4x128xf32, #tpu.memory_space<hbm>>)
      %add3A_1907 = arith.constant 192 : i32
      %add3A_1908 = arith.addi %mul3A_774, %add3A_1907 : i32
      %dma_wait3A_1909 = arith.constant 7 : i32
      %dma_wait3A_1910 = arith.constant 0 : i32
      %dma_wait3A_1911 = arith.constant 0 : i32
      %dma_wait3A_1912 = tpu.memref_slice %arg4[%add3A_772, %add3A_1908, %dma_wait3A_1910, %dma_wait3A_1911] : memref<16x2048x4x128xf32, #tpu.memory_space<hbm>> -> memref<1x32x4x128xf32, #tpu.memory_space<hbm>>
      %dma_wait3A_1913 = tpu.memref_squeeze %dma_wait3A_1912 : memref<1x32x4x128xf32, #tpu.memory_space<hbm>> -> memref<32x4x128xf32, #tpu.memory_space<hbm>>
      %dma_wait3A_1914 = tpu.memref_slice %arg9[%dma_wait3A_1909] : memref<10x!tpu.dma_semaphore, #tpu.memory_space<semaphore_mem>> -> memref<1x!tpu.dma_semaphore, #tpu.memory_space<semaphore_mem>>
      %dma_wait3A_1915 = tpu.memref_squeeze %dma_wait3A_1914 : memref<1x!tpu.dma_semaphore, #tpu.memory_space<semaphore_mem>> -> memref<!tpu.dma_semaphore, #tpu.memory_space<semaphore_mem>>
      %dma_wait3A_1916 = arith.constant 0 : i32
      %dma_wait3A_1917 = arith.constant 0 : i32
      %dma_wait3A_1918 = tpu.memref_slice %arg4[%add3A_772, %add3A_1908, %dma_wait3A_1916, %dma_wait3A_1917] : memref<16x2048x4x128xf32, #tpu.memory_space<hbm>> -> memref<1x32x4x128xf32, #tpu.memory_space<hbm>>
      %dma_wait3A_1919 = tpu.memref_squeeze %dma_wait3A_1918 : memref<1x32x4x128xf32, #tpu.memory_space<hbm>> -> memref<32x4x128xf32, #tpu.memory_space<hbm>>
      tpu.wait_dma2 semaphore(%dma_wait3A_1915 : memref<!tpu.dma_semaphore, #tpu.memory_space<semaphore_mem>>) src(%arg6 : memref<32x4x128xf32, #tpu.memory_space<vmem>>) dst(%dma_wait3A_1919 : memref<32x4x128xf32, #tpu.memory_space<hbm>>)
      %add3A_1920 = arith.constant 224 : i32
      %add3A_1921 = arith.addi %mul3A_774, %add3A_1920 : i32
      %dma_wait3A_1922 = arith.constant 8 : i32
      %dma_wait3A_1923 = arith.constant 0 : i32
      %dma_wait3A_1924 = arith.constant 0 : i32
      %dma_wait3A_1925 = tpu.memref_slice %arg4[%add3A_772, %add3A_1921, %dma_wait3A_1923, %dma_wait3A_1924] : memref<16x2048x4x128xf32, #tpu.memory_space<hbm>> -> memref<1x32x4x128xf32, #tpu.memory_space<hbm>>
      %dma_wait3A_1926 = tpu.memref_squeeze %dma_wait3A_1925 : memref<1x32x4x128xf32, #tpu.memory_space<hbm>> -> memref<32x4x128xf32, #tpu.memory_space<hbm>>
      %dma_wait3A_1927 = tpu.memref_slice %arg9[%dma_wait3A_1922] : memref<10x!tpu.dma_semaphore, #tpu.memory_space<semaphore_mem>> -> memref<1x!tpu.dma_semaphore, #tpu.memory_space<semaphore_mem>>
      %dma_wait3A_1928 = tpu.memref_squeeze %dma_wait3A_1927 : memref<1x!tpu.dma_semaphore, #tpu.memory_space<semaphore_mem>> -> memref<!tpu.dma_semaphore, #tpu.memory_space<semaphore_mem>>
      %dma_wait3A_1929 = arith.constant 0 : i32
      %dma_wait3A_1930 = arith.constant 0 : i32
      %dma_wait3A_1931 = tpu.memref_slice %arg4[%add3A_772, %add3A_1921, %dma_wait3A_1929, %dma_wait3A_1930] : memref<16x2048x4x128xf32, #tpu.memory_space<hbm>> -> memref<1x32x4x128xf32, #tpu.memory_space<hbm>>
      %dma_wait3A_1932 = tpu.memref_squeeze %dma_wait3A_1931 : memref<1x32x4x128xf32, #tpu.memory_space<hbm>> -> memref<32x4x128xf32, #tpu.memory_space<hbm>>
      tpu.wait_dma2 semaphore(%dma_wait3A_1928 : memref<!tpu.dma_semaphore, #tpu.memory_space<semaphore_mem>>) src(%arg6 : memref<32x4x128xf32, #tpu.memory_space<vmem>>) dst(%dma_wait3A_1932 : memref<32x4x128xf32, #tpu.memory_space<hbm>>)
    } else {
    }
    %eq3A_1824 = arith.constant 7 : i32
    %eq3A_1825 = arith.cmpi eq, %select_n3A_727, %eq3A_1824 : i32
    %convert_element_type3A_1826 = arith.extui %eq3A_1825 : i1 to i32
    %cond3A_1827 = arith.constant 0 : i32
    %cond3A_1828 = arith.cmpi ne, %convert_element_type3A_1826, %cond3A_1827 : i32
    scf.if %cond3A_1828 {
      %add3A_1829 = arith.constant 0 : i32
      %add3A_1830 = arith.addi %mul3A_774, %add3A_1829 : i32
      %dma_wait3A_1831 = arith.constant 1 : i32
      %dma_wait3A_1832 = arith.constant 0 : i32
      %dma_wait3A_1833 = arith.constant 0 : i32
      %dma_wait3A_1834 = tpu.memref_slice %arg4[%add3A_772, %add3A_1830, %dma_wait3A_1832, %dma_wait3A_1833] : memref<16x2048x4x128xf32, #tpu.memory_space<hbm>> -> memref<1x32x4x128xf32, #tpu.memory_space<hbm>>
      %dma_wait3A_1835 = tpu.memref_squeeze %dma_wait3A_1834 : memref<1x32x4x128xf32, #tpu.memory_space<hbm>> -> memref<32x4x128xf32, #tpu.memory_space<hbm>>
      %dma_wait3A_1836 = tpu.memref_slice %arg9[%dma_wait3A_1831] : memref<10x!tpu.dma_semaphore, #tpu.memory_space<semaphore_mem>> -> memref<1x!tpu.dma_semaphore, #tpu.memory_space<semaphore_mem>>
      %dma_wait3A_1837 = tpu.memref_squeeze %dma_wait3A_1836 : memref<1x!tpu.dma_semaphore, #tpu.memory_space<semaphore_mem>> -> memref<!tpu.dma_semaphore, #tpu.memory_space<semaphore_mem>>
      %dma_wait3A_1838 = arith.constant 0 : i32
      %dma_wait3A_1839 = arith.constant 0 : i32
      %dma_wait3A_1840 = tpu.memref_slice %arg4[%add3A_772, %add3A_1830, %dma_wait3A_1838, %dma_wait3A_1839] : memref<16x2048x4x128xf32, #tpu.memory_space<hbm>> -> memref<1x32x4x128xf32, #tpu.memory_space<hbm>>
      %dma_wait3A_1841 = tpu.memref_squeeze %dma_wait3A_1840 : memref<1x32x4x128xf32, #tpu.memory_space<hbm>> -> memref<32x4x128xf32, #tpu.memory_space<hbm>>
      tpu.wait_dma2 semaphore(%dma_wait3A_1837 : memref<!tpu.dma_semaphore, #tpu.memory_space<semaphore_mem>>) src(%arg6 : memref<32x4x128xf32, #tpu.memory_space<vmem>>) dst(%dma_wait3A_1841 : memref<32x4x128xf32, #tpu.memory_space<hbm>>)
      %add3A_1842 = arith.constant 32 : i32
      %add3A_1843 = arith.addi %mul3A_774, %add3A_1842 : i32
      %dma_wait3A_1844 = arith.constant 2 : i32
      %dma_wait3A_1845 = arith.constant 0 : i32
      %dma_wait3A_1846 = arith.constant 0 : i32
      %dma_wait3A_1847 = tpu.memref_slice %arg4[%add3A_772, %add3A_1843, %dma_wait3A_1845, %dma_wait3A_1846] : memref<16x2048x4x128xf32, #tpu.memory_space<hbm>> -> memref<1x32x4x128xf32, #tpu.memory_space<hbm>>
      %dma_wait3A_1848 = tpu.memref_squeeze %dma_wait3A_1847 : memref<1x32x4x128xf32, #tpu.memory_space<hbm>> -> memref<32x4x128xf32, #tpu.memory_space<hbm>>
      %dma_wait3A_1849 = tpu.memref_slice %arg9[%dma_wait3A_1844] : memref<10x!tpu.dma_semaphore, #tpu.memory_space<semaphore_mem>> -> memref<1x!tpu.dma_semaphore, #tpu.memory_space<semaphore_mem>>
      %dma_wait3A_1850 = tpu.memref_squeeze %dma_wait3A_1849 : memref<1x!tpu.dma_semaphore, #tpu.memory_space<semaphore_mem>> -> memref<!tpu.dma_semaphore, #tpu.memory_space<semaphore_mem>>
      %dma_wait3A_1851 = arith.constant 0 : i32
      %dma_wait3A_1852 = arith.constant 0 : i32
      %dma_wait3A_1853 = tpu.memref_slice %arg4[%add3A_772, %add3A_1843, %dma_wait3A_1851, %dma_wait3A_1852] : memref<16x2048x4x128xf32, #tpu.memory_space<hbm>> -> memref<1x32x4x128xf32, #tpu.memory_space<hbm>>
      %dma_wait3A_1854 = tpu.memref_squeeze %dma_wait3A_1853 : memref<1x32x4x128xf32, #tpu.memory_space<hbm>> -> memref<32x4x128xf32, #tpu.memory_space<hbm>>
      tpu.wait_dma2 semaphore(%dma_wait3A_1850 : memref<!tpu.dma_semaphore, #tpu.memory_space<semaphore_mem>>) src(%arg6 : memref<32x4x128xf32, #tpu.memory_space<vmem>>) dst(%dma_wait3A_1854 : memref<32x4x128xf32, #tpu.memory_space<hbm>>)
      %add3A_1855 = arith.constant 64 : i32
      %add3A_1856 = arith.addi %mul3A_774, %add3A_1855 : i32
      %dma_wait3A_1857 = arith.constant 3 : i32
      %dma_wait3A_1858 = arith.constant 0 : i32
      %dma_wait3A_1859 = arith.constant 0 : i32
      %dma_wait3A_1860 = tpu.memref_slice %arg4[%add3A_772, %add3A_1856, %dma_wait3A_1858, %dma_wait3A_1859] : memref<16x2048x4x128xf32, #tpu.memory_space<hbm>> -> memref<1x32x4x128xf32, #tpu.memory_space<hbm>>
      %dma_wait3A_1861 = tpu.memref_squeeze %dma_wait3A_1860 : memref<1x32x4x128xf32, #tpu.memory_space<hbm>> -> memref<32x4x128xf32, #tpu.memory_space<hbm>>
      %dma_wait3A_1862 = tpu.memref_slice %arg9[%dma_wait3A_1857] : memref<10x!tpu.dma_semaphore, #tpu.memory_space<semaphore_mem>> -> memref<1x!tpu.dma_semaphore, #tpu.memory_space<semaphore_mem>>
      %dma_wait3A_1863 = tpu.memref_squeeze %dma_wait3A_1862 : memref<1x!tpu.dma_semaphore, #tpu.memory_space<semaphore_mem>> -> memref<!tpu.dma_semaphore, #tpu.memory_space<semaphore_mem>>
      %dma_wait3A_1864 = arith.constant 0 : i32
      %dma_wait3A_1865 = arith.constant 0 : i32
      %dma_wait3A_1866 = tpu.memref_slice %arg4[%add3A_772, %add3A_1856, %dma_wait3A_1864, %dma_wait3A_1865] : memref<16x2048x4x128xf32, #tpu.memory_space<hbm>> -> memref<1x32x4x128xf32, #tpu.memory_space<hbm>>
      %dma_wait3A_1867 = tpu.memref_squeeze %dma_wait3A_1866 : memref<1x32x4x128xf32, #tpu.memory_space<hbm>> -> memref<32x4x128xf32, #tpu.memory_space<hbm>>
      tpu.wait_dma2 semaphore(%dma_wait3A_1863 : memref<!tpu.dma_semaphore, #tpu.memory_space<semaphore_mem>>) src(%arg6 : memref<32x4x128xf32, #tpu.memory_space<vmem>>) dst(%dma_wait3A_1867 : memref<32x4x128xf32, #tpu.memory_space<hbm>>)
      %add3A_1868 = arith.constant 96 : i32
      %add3A_1869 = arith.addi %mul3A_774, %add3A_1868 : i32
      %dma_wait3A_1870 = arith.constant 4 : i32
      %dma_wait3A_1871 = arith.constant 0 : i32
      %dma_wait3A_1872 = arith.constant 0 : i32
      %dma_wait3A_1873 = tpu.memref_slice %arg4[%add3A_772, %add3A_1869, %dma_wait3A_1871, %dma_wait3A_1872] : memref<16x2048x4x128xf32, #tpu.memory_space<hbm>> -> memref<1x32x4x128xf32, #tpu.memory_space<hbm>>
      %dma_wait3A_1874 = tpu.memref_squeeze %dma_wait3A_1873 : memref<1x32x4x128xf32, #tpu.memory_space<hbm>> -> memref<32x4x128xf32, #tpu.memory_space<hbm>>
      %dma_wait3A_1875 = tpu.memref_slice %arg9[%dma_wait3A_1870] : memref<10x!tpu.dma_semaphore, #tpu.memory_space<semaphore_mem>> -> memref<1x!tpu.dma_semaphore, #tpu.memory_space<semaphore_mem>>
      %dma_wait3A_1876 = tpu.memref_squeeze %dma_wait3A_1875 : memref<1x!tpu.dma_semaphore, #tpu.memory_space<semaphore_mem>> -> memref<!tpu.dma_semaphore, #tpu.memory_space<semaphore_mem>>
      %dma_wait3A_1877 = arith.constant 0 : i32
      %dma_wait3A_1878 = arith.constant 0 : i32
      %dma_wait3A_1879 = tpu.memref_slice %arg4[%add3A_772, %add3A_1869, %dma_wait3A_1877, %dma_wait3A_1878] : memref<16x2048x4x128xf32, #tpu.memory_space<hbm>> -> memref<1x32x4x128xf32, #tpu.memory_space<hbm>>
      %dma_wait3A_1880 = tpu.memref_squeeze %dma_wait3A_1879 : memref<1x32x4x128xf32, #tpu.memory_space<hbm>> -> memref<32x4x128xf32, #tpu.memory_space<hbm>>
      tpu.wait_dma2 semaphore(%dma_wait3A_1876 : memref<!tpu.dma_semaphore, #tpu.memory_space<semaphore_mem>>) src(%arg6 : memref<32x4x128xf32, #tpu.memory_space<vmem>>) dst(%dma_wait3A_1880 : memref<32x4x128xf32, #tpu.memory_space<hbm>>)
      %add3A_1881 = arith.constant 128 : i32
      %add3A_1882 = arith.addi %mul3A_774, %add3A_1881 : i32
      %dma_wait3A_1883 = arith.constant 5 : i32
      %dma_wait3A_1884 = arith.constant 0 : i32
      %dma_wait3A_1885 = arith.constant 0 : i32
      %dma_wait3A_1886 = tpu.memref_slice %arg4[%add3A_772, %add3A_1882, %dma_wait3A_1884, %dma_wait3A_1885] : memref<16x2048x4x128xf32, #tpu.memory_space<hbm>> -> memref<1x32x4x128xf32, #tpu.memory_space<hbm>>
      %dma_wait3A_1887 = tpu.memref_squeeze %dma_wait3A_1886 : memref<1x32x4x128xf32, #tpu.memory_space<hbm>> -> memref<32x4x128xf32, #tpu.memory_space<hbm>>
      %dma_wait3A_1888 = tpu.memref_slice %arg9[%dma_wait3A_1883] : memref<10x!tpu.dma_semaphore, #tpu.memory_space<semaphore_mem>> -> memref<1x!tpu.dma_semaphore, #tpu.memory_space<semaphore_mem>>
      %dma_wait3A_1889 = tpu.memref_squeeze %dma_wait3A_1888 : memref<1x!tpu.dma_semaphore, #tpu.memory_space<semaphore_mem>> -> memref<!tpu.dma_semaphore, #tpu.memory_space<semaphore_mem>>
      %dma_wait3A_1890 = arith.constant 0 : i32
      %dma_wait3A_1891 = arith.constant 0 : i32
      %dma_wait3A_1892 = tpu.memref_slice %arg4[%add3A_772, %add3A_1882, %dma_wait3A_1890, %dma_wait3A_1891] : memref<16x2048x4x128xf32, #tpu.memory_space<hbm>> -> memref<1x32x4x128xf32, #tpu.memory_space<hbm>>
      %dma_wait3A_1893 = tpu.memref_squeeze %dma_wait3A_1892 : memref<1x32x4x128xf32, #tpu.memory_space<hbm>> -> memref<32x4x128xf32, #tpu.memory_space<hbm>>
      tpu.wait_dma2 semaphore(%dma_wait3A_1889 : memref<!tpu.dma_semaphore, #tpu.memory_space<semaphore_mem>>) src(%arg6 : memref<32x4x128xf32, #tpu.memory_space<vmem>>) dst(%dma_wait3A_1893 : memref<32x4x128xf32, #tpu.memory_space<hbm>>)
      %add3A_1894 = arith.constant 160 : i32
      %add3A_1895 = arith.addi %mul3A_774, %add3A_1894 : i32
      %dma_wait3A_1896 = arith.constant 6 : i32
      %dma_wait3A_1897 = arith.constant 0 : i32
      %dma_wait3A_1898 = arith.constant 0 : i32
      %dma_wait3A_1899 = tpu.memref_slice %arg4[%add3A_772, %add3A_1895, %dma_wait3A_1897, %dma_wait3A_1898] : memref<16x2048x4x128xf32, #tpu.memory_space<hbm>> -> memref<1x32x4x128xf32, #tpu.memory_space<hbm>>
      %dma_wait3A_1900 = tpu.memref_squeeze %dma_wait3A_1899 : memref<1x32x4x128xf32, #tpu.memory_space<hbm>> -> memref<32x4x128xf32, #tpu.memory_space<hbm>>
      %dma_wait3A_1901 = tpu.memref_slice %arg9[%dma_wait3A_1896] : memref<10x!tpu.dma_semaphore, #tpu.memory_space<semaphore_mem>> -> memref<1x!tpu.dma_semaphore, #tpu.memory_space<semaphore_mem>>
      %dma_wait3A_1902 = tpu.memref_squeeze %dma_wait3A_1901 : memref<1x!tpu.dma_semaphore, #tpu.memory_space<semaphore_mem>> -> memref<!tpu.dma_semaphore, #tpu.memory_space<semaphore_mem>>
      %dma_wait3A_1903 = arith.constant 0 : i32
      %dma_wait3A_1904 = arith.constant 0 : i32
      %dma_wait3A_1905 = tpu.memref_slice %arg4[%add3A_772, %add3A_1895, %dma_wait3A_1903, %dma_wait3A_1904] : memref<16x2048x4x128xf32, #tpu.memory_space<hbm>> -> memref<1x32x4x128xf32, #tpu.memory_space<hbm>>
      %dma_wait3A_1906 = tpu.memref_squeeze %dma_wait3A_1905 : memref<1x32x4x128xf32, #tpu.memory_space<hbm>> -> memref<32x4x128xf32, #tpu.memory_space<hbm>>
      tpu.wait_dma2 semaphore(%dma_wait3A_1902 : memref<!tpu.dma_semaphore, #tpu.memory_space<semaphore_mem>>) src(%arg6 : memref<32x4x128xf32, #tpu.memory_space<vmem>>) dst(%dma_wait3A_1906 : memref<32x4x128xf32, #tpu.memory_space<hbm>>)
      %add3A_1907 = arith.constant 192 : i32
      %add3A_1908 = arith.addi %mul3A_774, %add3A_1907 : i32
      %dma_wait3A_1909 = arith.constant 7 : i32
      %dma_wait3A_1910 = arith.constant 0 : i32
      %dma_wait3A_1911 = arith.constant 0 : i32
      %dma_wait3A_1912 = tpu.memref_slice %arg4[%add3A_772, %add3A_1908, %dma_wait3A_1910, %dma_wait3A_1911] : memref<16x2048x4x128xf32, #tpu.memory_space<hbm>> -> memref<1x32x4x128xf32, #tpu.memory_space<hbm>>
      %dma_wait3A_1913 = tpu.memref_squeeze %dma_wait3A_1912 : memref<1x32x4x128xf32, #tpu.memory_space<hbm>> -> memref<32x4x128xf32, #tpu.memory_space<hbm>>
      %dma_wait3A_1914 = tpu.memref_slice %arg9[%dma_wait3A_1909] : memref<10x!tpu.dma_semaphore, #tpu.memory_space<semaphore_mem>> -> memref<1x!tpu.dma_semaphore, #tpu.memory_space<semaphore_mem>>
      %dma_wait3A_1915 = tpu.memref_squeeze %dma_wait3A_1914 : memref<1x!tpu.dma_semaphore, #tpu.memory_space<semaphore_mem>> -> memref<!tpu.dma_semaphore, #tpu.memory_space<semaphore_mem>>
      %dma_wait3A_1916 = arith.constant 0 : i32
      %dma_wait3A_1917 = arith.constant 0 : i32
      %dma_wait3A_1918 = tpu.memref_slice %arg4[%add3A_772, %add3A_1908, %dma_wait3A_1916, %dma_wait3A_1917] : memref<16x2048x4x128xf32, #tpu.memory_space<hbm>> -> memref<1x32x4x128xf32, #tpu.memory_space<hbm>>
      %dma_wait3A_1919 = tpu.memref_squeeze %dma_wait3A_1918 : memref<1x32x4x128xf32, #tpu.memory_space<hbm>> -> memref<32x4x128xf32, #tpu.memory_space<hbm>>
      tpu.wait_dma2 semaphore(%dma_wait3A_1915 : memref<!tpu.dma_semaphore, #tpu.memory_space<semaphore_mem>>) src(%arg6 : memref<32x4x128xf32, #tpu.memory_space<vmem>>) dst(%dma_wait3A_1919 : memref<32x4x128xf32, #tpu.memory_space<hbm>>)
      %add3A_1920 = arith.constant 224 : i32
      %add3A_1921 = arith.addi %mul3A_774, %add3A_1920 : i32
      %dma_wait3A_1922 = arith.constant 8 : i32
      %dma_wait3A_1923 = arith.constant 0 : i32
      %dma_wait3A_1924 = arith.constant 0 : i32
      %dma_wait3A_1925 = arith.constant 0 : i32
      %dma_wait3A_1926 = tpu.memref_slice %arg6[%dma_wait3A_1923, %dma_wait3A_1924, %dma_wait3A_1925] : memref<32x4x128xf32, #tpu.memory_space<vmem>> -> memref<31x4x128xf32, #tpu.memory_space<vmem>>
      %dma_wait3A_1927 = arith.constant 0 : i32
      %dma_wait3A_1928 = arith.constant 0 : i32
      %dma_wait3A_1929 = tpu.memref_slice %arg4[%add3A_772, %add3A_1921, %dma_wait3A_1927, %dma_wait3A_1928] : memref<16x2048x4x128xf32, #tpu.memory_space<hbm>> -> memref<1x31x4x128xf32, #tpu.memory_space<hbm>>
      %dma_wait3A_1930 = tpu.memref_squeeze %dma_wait3A_1929 : memref<1x31x4x128xf32, #tpu.memory_space<hbm>> -> memref<31x4x128xf32, #tpu.memory_space<hbm>>
      %dma_wait3A_1931 = tpu.memref_slice %arg9[%dma_wait3A_1922] : memref<10x!tpu.dma_semaphore, #tpu.memory_space<semaphore_mem>> -> memref<1x!tpu.dma_semaphore, #tpu.memory_space<semaphore_mem>>
      %dma_wait3A_1932 = tpu.memref_squeeze %dma_wait3A_1931 : memref<1x!tpu.dma_semaphore, #tpu.memory_space<semaphore_mem>> -> memref<!tpu.dma_semaphore, #tpu.memory_space<semaphore_mem>>
      %dma_wait3A_1933 = arith.constant 0 : i32
      %dma_wait3A_1934 = arith.constant 0 : i32
      %dma_wait3A_1935 = tpu.memref_slice %arg4[%add3A_772, %add3A_1921, %dma_wait3A_1933, %dma_wait3A_1934] : memref<16x2048x4x128xf32, #tpu.memory_space<hbm>> -> memref<1x31x4x128xf32, #tpu.memory_space<hbm>>
      %dma_wait3A_1936 = tpu.memref_squeeze %dma_wait3A_1935 : memref<1x31x4x128xf32, #tpu.memory_space<hbm>> -> memref<31x4x128xf32, #tpu.memory_space<hbm>>
      %dma_wait3A_1937 = arith.constant 0 : i32
      %dma_wait3A_1938 = arith.constant 0 : i32
      %dma_wait3A_1939 = arith.constant 0 : i32
      %dma_wait3A_1940 = tpu.memref_slice %arg6[%dma_wait3A_1937, %dma_wait3A_1938, %dma_wait3A_1939] : memref<32x4x128xf32, #tpu.memory_space<vmem>> -> memref<31x4x128xf32, #tpu.memory_space<vmem>>
      tpu.wait_dma2 semaphore(%dma_wait3A_1932 : memref<!tpu.dma_semaphore, #tpu.memory_space<semaphore_mem>>) src(%dma_wait3A_1940 : memref<31x4x128xf32, #tpu.memory_space<vmem>>) dst(%dma_wait3A_1936 : memref<31x4x128xf32, #tpu.memory_space<hbm>>)
      %dma_wait3A_1941 = arith.constant 9 : i32
      %dma_wait3A_1942 = tpu.memref_slice %arg9[%dma_wait3A_1941] : memref<10x!tpu.dma_semaphore, #tpu.memory_space<semaphore_mem>> -> memref<1x!tpu.dma_semaphore, #tpu.memory_space<semaphore_mem>>
      %dma_wait3A_1943 = tpu.memref_squeeze %dma_wait3A_1942 : memref<1x!tpu.dma_semaphore, #tpu.memory_space<semaphore_mem>> -> memref<!tpu.dma_semaphore, #tpu.memory_space<semaphore_mem>>
      %dma_wait3A_1944 = arith.constant 2047 : i32
      %dma_wait3A_1945 = arith.constant 0 : i32
      %dma_wait3A_1946 = arith.constant 0 : i32
      %dma_wait3A_1947 = tpu.memref_slice %arg4[%add3A_772, %dma_wait3A_1944, %dma_wait3A_1945, %dma_wait3A_1946] : memref<16x2048x4x128xf32, #tpu.memory_space<hbm>> -> memref<1x1x4x128xf32, #tpu.memory_space<hbm>>
      %dma_wait3A_1948 = tpu.memref_squeeze %dma_wait3A_1947 : memref<1x1x4x128xf32, #tpu.memory_space<hbm>> -> memref<1x4x128xf32, #tpu.memory_space<hbm>>
      %dma_wait3A_1949 = arith.constant 2047 : i32
      %dma_wait3A_1950 = arith.constant 0 : i32
      %dma_wait3A_1951 = arith.constant 0 : i32
      %dma_wait3A_1952 = tpu.memref_slice %arg2[%add3A_772, %dma_wait3A_1949, %dma_wait3A_1950, %dma_wait3A_1951] : memref<16x2048x4x128xf32, #tpu.memory_space<hbm>> -> memref<1x1x4x128xf32, #tpu.memory_space<hbm>>
      %dma_wait3A_1953 = tpu.memref_squeeze %dma_wait3A_1952 : memref<1x1x4x128xf32, #tpu.memory_space<hbm>> -> memref<1x4x128xf32, #tpu.memory_space<hbm>>
      tpu.wait_dma2 semaphore(%dma_wait3A_1943 : memref<!tpu.dma_semaphore, #tpu.memory_space<semaphore_mem>>) src(%dma_wait3A_1953 : memref<1x4x128xf32, #tpu.memory_space<hbm>>) dst(%dma_wait3A_1948 : memref<1x4x128xf32, #tpu.memory_space<hbm>>)
    } else {
    }
    return
  }
}

</mosaic_0001>

<sc_bundles>
// kernel: kernel.3.cloned.1.call-start
scs
__scs_entry_jumppad:
0x0: {  	(pc) =	sbr.rel $0x88, $3  }
0x1: {  	(tag) =	ssettag $0x0;
	lr =	simm.s32 $0x1  }
0x2: {  	[smem:$0x3FA0] =	sst lr;
	_ =	strace $0xD0000000  }
0x3: {  	_ = 	snop  }
0x4: {  	_ = 	snop  }
0x5: {  	_ = 	snop  }
0x6: {  	_ = 	snop  }
0x7: {  	_ = 	snop  }
__scs_overlays_trampoline_lowered:
0x8: {  	[smem:$0x3FAF] =	sst s0  }
0x9: {  	[smem:$0x3FB0] =	sst s1  }
0xa: {  	[smem:$0x3FB1] =	sst s2  }
0xb: {  	[smem:$0x3FB2] =	sst s3  }
0xc: {  	[smem:$0x3FB3] =	sst s4  }
0xd: {  	[smem:$0x3FB4] =	sst s5  }
0xe: {  	[smem:$0x3FB5] =	sst s6  }
0xf: {  	[smem:$0x3FB6] =	sst s7  }
0x10: {  	[smem:$0x3FB7] =	sst s8  }
0x11: {  	[smem:$0x3FB8] =	sst s9;
	s0 =	simm.s32 @!p0 $0x0  }
0x12: {  	s1 =	sld [smem:$0x3F9E];
	s0 =	simm.s32 @p0 $0x1  }
0x13: {  	[smem:$0x3FB9] =	sst s0;
	s0 =	simm.s32 @!p1 $0x0  }
0x14: {  	s2 =	sld [smem:$0x3F9D];
	s0 =	simm.s32 @p1 $0x1  }
0x15: {  	[smem:$0x3FBA] =	sst s0;
	s0 =	simm.s32 @!p2 $0x0  }
0x16: {  	s3 =	sld [smem:$0x3FDB];
	s0 =	simm.s32 @p2 $0x1  }
0x17: {  	s4 =	simm.s32 $0x1BF5;
	[smem:$0x3FBC] =	sst s0  }
0x18: {  	s0 =	sld [smem:$0x3F9F];
	_ =	swait.ge [sflag:s4], $0x0  }
0x19: {  	s7 =	sld [smem:$0x3FA0]  }
0x1a: {  	s8 =	sadd.s32 $0xFFFFE003, lr  }
0x1b: {  	s9 =	sadd.s32 $0xFFFFFEF7, lr;
	s5 =	simm.s32 $0xFFFFFFFF;
	p2 =	slt.u32 s8, $0xFFFFF086  }
0x1c: {  	p1 =	slt.u32 s9, $0xF7A;
	s5 =	simm.s32 @!p2 $0x0  }
0x1d: {  	s5 =	simm.s32 @p1 $0x1;
	p0 =	seq.s32 s7, s2  }
0x1e: {  	s7 =	smul.u32 @!p0 $0xF7A, s2;
	p2 =	seq.s32 @!p0 s5, $0x0  }
0x1f: {  	s9 =	smul.u32 $0xF7A, s1;
	s8 =	simm.s32 @!p0 $0x1BF5;
	p2 =	por !p2, p0  }
0x20: {  	[sflag:s8] =	ssyncset.s32 @!p0 $0xFFFFF086;
	s6 =	sadd.s32 @!p0 s3, s7;
	s7 =	simm.s32 @!p0 $0x108  }
0x21: {  	s3 =	sadd.s32 s3, s9;
	s6 =	sadd.s32 @!p0 $0x88, s6;
	s7 =	simm.s32 @p2 $0x1082  }
0x22: {  	[simem:s7], [sflag:s8] =	dma.local @!p0 [hbm:s6], $0xF7A  }
0x23: {  	s9 =	sor.u32 $0xD0000000, s2;
	s6 =	simm.s32 $0x108;
	_ =	swait.ge @!p0 [sflag:s8], $0x0  }
0x24: {  	s3 =	sadd.s32 $0x88, s3;
	s6 =	simm.s32 @!p1 $0x1082;
	[sflag:s4] =	ssyncset.s32 $0xFFFFF086  }
0x25: {  	[simem:s6], [sflag:s4] =	dma.local [hbm:s3], $0xF7A  }
0x26: {  	[smem:$0x3FA0] =	sst s1;
	(tag) =	ssettag s2;
	_ =	strace s9  }
0x27: {  	s1 =	sld [smem:$0x3FB0]  }
0x28: {  	s2 =	sld [smem:$0x3FB1]  }
0x29: {  	s4 =	sld [smem:$0x3FB3]  }
0x2a: {  	p0 =	seq.s32 s5, $0x0;
	s5 =	sld [smem:$0x3FB4]  }
0x2b: {  	s6 =	sld [smem:$0x3FB5]  }
0x2c: {  	s7 =	sld [smem:$0x3FB6]  }
0x2d: {  	s3 =	simm.s32 $0x108;
	s8 =	sld [smem:$0x3FB7]  }
0x2e: {  	s3 =	simm.s32 @!p0 $0x1082;
	s9 =	sld [smem:$0x3FB8]  }
0x2f: {  	lr =	sadd.s32 s0, s3;
	s0 =	sld [smem:$0x3FAF]  }
0x30: {  	s3 =	sld [smem:$0x3FB2]  }
0x31: {  	[smem:$0x3FBB] =	sst s10  }
0x32: {  	s10 =	sld [smem:$0x3FB9];
	_ =	sdelay $0x3  }
0x33: {  	p0 =	seq.s32 s10, $0x1;
	s10 =	sld [smem:$0x3FBB];
	_ =	sdelay $0x3  }
0x34: {  	[smem:$0x3FBB] =	sst s10  }
0x35: {  	s10 =	sld [smem:$0x3FBA];
	_ =	sdelay $0x3  }
0x36: {  	p1 =	seq.s32 s10, $0x1;
	s10 =	sld [smem:$0x3FBB];
	_ =	sdelay $0x3  }
0x37: {  	[smem:$0x3FBB] =	sst s10  }
0x38: {  	s10 =	sld [smem:$0x3FBC]  }
0x39: {  	_ = 	snop;
	(pc) =	sbr.ind lr, $3  }
0x3a: {  	_ = 	snop  }
0x3b: {  	_ = 	snop  }
0x3c: {  	p2 =	seq.s32 s10, $0x1;
	s10 =	sld [smem:$0x3FBB]  }
0x3d: {  	_ =	shalt  }
0x3e: {  	_ =	shalt  }
0x3f: {  	_ =	shalt  }
0x40: {  	_ =	shalt  }
0x41: {  	_ =	shalt  }
0x42: {  	_ =	shalt  }
0x43: {  	_ =	shalt  }
0x44: {  	_ =	shalt  }
0x45: {  	_ =	shalt  }
0x46: {  	_ =	shalt  }
0x47: {  	_ =	shalt  }
0x48: {  	_ =	shalt  }
0x49: {  	_ =	shalt  }
0x4a: {  	_ =	shalt  }
0x4b: {  	_ =	shalt  }
0x4c: {  	_ =	shalt  }
0x4d: {  	_ =	shalt  }
0x4e: {  	_ =	shalt  }
0x4f: {  	_ =	shalt  }
0x50: {  	_ =	shalt  }
0x51: {  	_ =	shalt  }
0x52: {  	_ =	shalt  }
0x53: {  	_ =	shalt  }
0x54: {  	_ =	shalt  }
0x55: {  	_ =	shalt  }
0x56: {  	_ =	shalt  }
0x57: {  	_ =	shalt  }
0x58: {  	_ =	shalt  }
0x59: {  	_ =	shalt  }
0x5a: {  	_ =	shalt  }
0x5b: {  	_ =	shalt  }
0x5c: {  	_ =	shalt  }
0x5d: {  	_ =	shalt  }
0x5e: {  	_ =	shalt  }
0x5f: {  	_ =	shalt  }
0x60: {  	_ =	shalt  }
0x61: {  	_ =	shalt  }
0x62: {  	_ =	shalt  }
0x63: {  	_ =	shalt  }
0x64: {  	_ =	shalt  }
0x65: {  	_ =	shalt  }
0x66: {  	_ =	shalt  }
0x67: {  	_ =	shalt  }
0x68: {  	_ =	shalt  }
0x69: {  	_ =	shalt  }
0x6a: {  	_ =	shalt  }
0x6b: {  	_ =	shalt  }
0x6c: {  	_ =	shalt  }
0x6d: {  	_ =	shalt  }
0x6e: {  	_ =	shalt  }
0x6f: {  	_ =	shalt  }
0x70: {  	_ =	shalt  }
0x71: {  	_ =	shalt  }
0x72: {  	_ =	shalt  }
0x73: {  	_ =	shalt  }
0x74: {  	_ =	shalt  }
0x75: {  	_ =	shalt  }
0x76: {  	_ =	shalt  }
0x77: {  	_ =	shalt  }
0x78: {  	_ =	shalt  }
0x79: {  	_ =	shalt  }
0x7a: {  	_ =	shalt  }
0x7b: {  	_ =	shalt  }
0x7c: {  	_ =	shalt  }
0x7d: {  	_ =	shalt  }
0x7e: {  	_ =	shalt  }
0x7f: {  	_ =	shalt  }
0x80: {  	_ =	shalt  }
0x81: {  	_ =	shalt  }
0x82: {  	_ =	shalt  }
0x83: {  	_ =	shalt  }
0x84: {  	_ =	shalt  }
0x85: {  	_ =	shalt  }
0x86: {  	_ =	shalt  }
0x87: {  	_ =	shalt  }
.Lfunc_end0:
.L_simem_size_0:
called_computation_lowered:
.L_overlay_start_0:
0x88: {  	s2 =	sld [smem:$0x3FD9]  }
0x89: {  	s3 =	sld [smem:$0x3FFE];
	_ =	sdelay $0x1  }
0x8a: {  	s1 =	srdreg.scid  }
0x8b: {  	s0 =	sand.u32 $0x1, s1  }
0x8c: {  	s17 =	sshll.u32 s0, $0xA;
	s2 =	sadd.s32 s3, s2  }
0x8d: {  	s2 =	sadd.s32 s2, s17  }
0x8e: {  	[smem:$0x3FC7] =	sst s2  }
0x8f: {  	_ = 	snop  }
0x90: {  	s2 =	sld [smem:$0x3FC9]  }
0x91: {  	s18 =	sld [smem:$0x3FD0];
	(tm) =	ssettm $0x1  }
0x92: {  	s4 =	sld [smem:$0x3FFB];
	_ =	sdelay $0x3  }
0x93: {  	_ =	strace s4  }
0x94: {  	s4 =	sld [smem:$0x3FFC];
	_ =	sdelay $0x3  }
0x95: {  	_ =	strace s4  }
0x96: {  	s4 =	sld [smem:$0x3FFD];
	_ =	sdelay $0x3  }
0x97: {  	_ =	strace s4  }
0x98: {  	_ =	strace $0x8FFFFFFF  }
0x99: {  	s19 =	sld [smem:$0x3FDB];
	_ =	sdelay $0x1  }
0x9a: {  	s5 =	simm.s32 $_scs_section_size  }
0x9b: {  	s6 =	simm.s32 $_size__tile_overlayer_lowered;
	s7 =	simm.s32 $_tile_overlayer_lowered  }
0x9c: {  	s22 =	simm.s32 $0x1BFF;
	s21 =	sshll.u32 s7, $0x1;
	s4 =	sadd.s32 s5, s19  }
0x9d: {  	s8 =	simm.s32 $0x0;
	s20 =	sshll.u32 s6, $0x1;
	s6 =	sadd.s32 s21, s4  }
0x9e: {  	[timem:s8], [sflag:s22] =	dma.local [hbm:s6], s20  }
0x9f: {  	_ =	swait.ge [sflag:s22], s20  }
0xa0: {  	s5 =	ssub.s32 $0x0, s20;
	[sflag:s22] =	ssyncset.done $0x0  }
0xa1: {  	[sflag:s22] =	ssyncadd.s32 s5;
	_ =	sdelay $0x1  }
0xa2: {  	s23 =	simm.s32 $0x1B8B  }
0xa3: {  	_ =	swait.ge [sflag:s23], $0x1  }
0xa4: {  	[sflag:s23] =	ssyncset.done $0x0  }
0xa5: {  	s25 =	simm.s32 $0x1B8E;
	s24 =	sld [smem:$0x3FFE];
	[sflag:s23] =	ssyncadd.s32 $0xFFFFFFFF  }
0xa6: {  	s26 =	simm.s32 $execute0_lowered;
	[smem:$0x3FD2] =	sst s25  }
0xa7: {  	s6 =	sshll.u32 s26, $0x1;
	_ =	strace $0x80000046;
	[dreg:$0x1] =	wrdreg $0xFFFFFFFF  }
0xa8: {  	s28 =	simm.s32 $_size_execute0_lowered;
	s4 =	sadd.s32 s4, s6;
	[dreg:$0x0] =	wrdreg $0x0  }
0xa9: {  	s6 =	sshll.u32 s28, $0x1;
	[dreg:$0x2] =	wrdreg s4  }
0xaa: {  	[dreg:$0x3] =	wrdreg s6  }
0xab: {  	[dreg:$0x4] =	wrdreg $0xC0  }
0xac: {  	_ =	task [dreg:s8], $0x5FFFF  }
0xad: {  	[dreg:$0x1] =	wrdreg $0xFFFFFFFF  }
0xae: {  	[dreg:$0x0] =	wrdreg $0x60  }
0xaf: {  	[dreg:$0x2] =	wrdreg s2  }
0xb0: {  	[dreg:$0x3] =	wrdreg s24  }
0xb1: {  	[dreg:$0x4] =	wrdreg s18  }
0xb2: {  	[dreg:$0x5] =	wrdreg $0x9  }
0xb3: {  	_ =	task.clear_ibuf [dreg:s8], $0x6FFFF;
	_ =	strace $0x90000046  }
0xb4: {  	s29 =	simm.s32 $0x9;
	_ =	strace $0x80000048  }
0xb5: {  	_ =	swait.ge [sflag:s29], $0x1  }
0xb6: {  	[sflag:s29] =	ssyncadd.s32 $0xFFFFFFFF  }
0xb7: {  	_ =	strace $0x90000048  }
0xb8: {  	_ =	sfence  }
0xb9: {  	s30 =	sld [smem:$0x0];
	_ =	sdelay $0x2  }
0xba: {  	s31 =	sshll.u32 s1, $0xD;
	s1 =	sshrl.u32 s1, $0x2  }
0xbb: {  	s3 =	sand.u32 $0x4000, s31;
	s1 =	sadd.s32 s1, s30  }
0xbc: {  	s0 =	sor.u32 s3, s0;
	s1 =	sshll.u32 s1, $0x11  }
0xbd: {  	s0 =	sor.u32 s1, s0  }
0xbe: {  	s0 =	sadd.s32 $0x8F2B, s0  }
0xbf: {  	[sflag:s0] =	ssyncadd.remote.s32 $0x1  }
0xc0: {  	_ =	sfence.sel $0xFFFF  }
0xc1: {  	[dreg:$0x0] =	wrdreg $0xFFFFFFFF;
	(pc) =	sbr.abs _section_cstart, $3  }
0xc2: {  	[dreg:$0x1] =	wrdreg $0xFFFFFFFF  }
0xc3: {  	_ =	task.clear_ibuf [dreg:s8], $0x2FFFF;
	_ =	strace $0x9FFFFFFF  }
0xc4: {  	(tm) =	ssettm $0x7FFFFFFF  }
0xc5: {  	_ =	shalt  }
tec
execute0_lowered:
.L_overlay_start_1:
0x0: {  	(tag) =	ssettag $0x1  }
0x1: {  	s4 =	rddreg [dreg:$0x0]  }
0x2: {  	s3 =	rddreg [dreg:$0x1]  }
0x3: {  	s19 =	rddreg [dreg:$0x2]  }
0x4: {  	s5 =	srdreg.scid;
	s0 =	stileid.u32;
	s2 =	simm.s32 $0x0  }
0x5: {  	s7 =	simm.s32 $0x2;
	s8 =	simm.s32 $0x2;
	s17 =	simm.s32 $0x0  }
0x6: {  	s28 =	sand.u32 $0x1, s5;
	s23 =	sshll.u32 s0, $0x1;
	[smem:$0x7FF] =	sst s2  }
0x7: {  	s3 =	sadd.s32 $0x400, s3;
	p0 =	sgt.u32 s0, $0x2;
	s18 =	sshrl.u32 s0, $0x2  }
0x8: {  	s6 =	sor.u32 s28, s23;
	_ =	strace $0x80000047;
	[dreg:$0x4] =	wrdreg s3  }
0x9: {  	s7 =	simm.s32 @!p0 $0x0;
	s5 =	smul.u32 $0xC, s6;
	p0 =	sgt.u32 s6, $0xA  }
0xa: {  	s9 =	smul.u32 $0x60000, s6;
	s8 =	simm.s32 @!p0 $0x0;
	p0 =	slt.u32 s6, $0x5  }
0xb: {  	s6 =	sand.u32 $0x7, s6;
	s24 =	sshrl.u32 s5, $0x5;
	s11 =	sadd.s32 $0x4, s5  }
0xc: {  	s17 =	simm.s32 @!p0 $0x2;
	s15 =	sand.u32 $0xE0000, s9;
	s1 =	sadd.s32 $0x5, s5  }
0xd: {  	s9 =	sshrl.u32 s0, $0x1;
	s21 =	sadd.s32 $0x6, s5;
	s22 =	sshll.u32 s6, $0xE  }
0xe: {  	p0 =	sgt.u32 s0, $0x4;
	s3 =	sadd.s32 s7, s24;
	s25 =	sshrl.u32 s11, $0x5  }
0xf: {  	s13 =	sadd.s32 s17, s8;
	s26 =	sshll.u32 s11, $0xF;
	s11 =	sshrl.u32 s1, $0x5  }
0x10: {  	s12 =	sand.u32 $0x4, s9;
	s23 =	sshrl.u32 s21, $0x5;
	s24 =	sshll.u32 s21, $0xF  }
0x11: {  	s21 =	sadd.s32 $0x7, s5;
	s16 =	sadd.s32 s8, s3;
	s10 =	sadd.s32 s25, s13  }
0x12: {  	s14 =	sand.u32 $0xE0000, s26;
	s20 =	sor.u32 s12, s18;
	s8 =	sshll.u32 s1, $0xF  }
0x13: {  	s7 =	sadd.s32 s11, s13;
	s20 =	sshll.u32 s20, $0x11;
	s12 =	sand.u32 $0xE8000, s8  }
0x14: {  	s8 =	sadd.s32 s23, s13;
	s16 =	sshll.u32 s16, $0x14;
	s10 =	sshll.u32 s10, $0x14  }
0x15: {  	s7 =	sshll.u32 s7, $0x14;
	s18 =	sor.u32 $0x40000, s20;
	s20 =	sor.u32 $0x5FFC0, s20  }
0x16: {  	s15 =	sor.u32 s15, s16;
	s10 =	sor.u32 s14, s10;
	s7 =	sor.u32 s12, s7  }
0x17: {  	s8 =	sshll.u32 s8, $0x14;
	s9 =	sor.u32 s22, s18;
	s22 =	sshrl.u32 s21, $0x5  }
0x18: {  	s21 =	sshll.u32 s21, $0xF;
	s15 =	sshrl.u32 s15, $0x3;
	s1 =	sadd.s32 s19, s9  }
0x19: {  	s10 =	sshrl.u32 s10, $0x3;
	s7 =	sshrl.u32 s7, $0x3;
	s25 =	sadd.s32 $0x800, s1  }
0x1a: {  	s9 =	sand.u32 $0xF0000, s24;
	s23 =	sadd.s32 $0x1000, s1;
	[dreg:$0x5] =	wrdreg s25  }
0x1b: {  	s11 =	sadd.s32 s22, s13;
	s26 =	sadd.s32 $0x1800, s1;
	[dreg:$0x6] =	wrdreg s23  }
0x1c: {  	s13 =	sand.u32 $0xF8000, s21;
	s3 =	sadd.s32 $0x2000, s1;
	[dreg:$0x7] =	wrdreg s26  }
0x1d: {  	s24 =	sadd.s32 $0x3000, s1;
	s8 =	sor.u32 s9, s8;
	[dreg:$0x8] =	wrdreg s3  }
0x1e: {  	s11 =	sshll.u32 s11, $0x14;
	s23 =	sadd.s32 $0x2800, s1;
	[dreg:$0xa] =	wrdreg s24  }
0x1f: {  	s25 =	sadd.s32 $0x3800, s1;
	s8 =	sshrl.u32 s8, $0x3;
	[dreg:$0x9] =	wrdreg s23  }
0x20: {  	s11 =	sor.u32 s13, s11;
	s13 =	sadd.s32 s19, s10;
	[dreg:$0xb] =	wrdreg s25  }
0x21: {  	s23 =	sadd.s32 s18, s19;
	s12 =	sadd.s32 s4, s8;
	[smem:$0x7F2] =	sst s13  }
0x22: {  	s22 =	sadd.s32 $0x8, s5;
	s26 =	sadd.s32 $0x1C000, s23;
	[smem:$0x7F1] =	sst s12  }
0x23: {  	s24 =	simm.s32 $0x2;
	s3 =	sadd.s32 $0x1C800, s23;
	[dreg:$0xc] =	wrdreg s26  }
0x24: {  	s18 =	sshrl.u32 s22, $0x5;
	s25 =	sadd.s32 $0x1D000, s23;
	[dreg:$0xd] =	wrdreg s3  }
0x25: {  	s24 =	simm.s32 @!p0 $0x0;
	s21 =	sadd.s32 $0x1E800, s23;
	[dreg:$0xe] =	wrdreg s25  }
0x26: {  	s22 =	sshll.u32 s22, $0xF;
	s26 =	sadd.s32 $0x1D800, s23;
	[dreg:$0x11] =	wrdreg s21  }
0x27: {  	s24 =	sadd.s32 s24, s17;
	s3 =	sadd.s32 $0x1E000, s23;
	[dreg:$0xf] =	wrdreg s26  }
0x28: {  	s17 =	sadd.s32 s18, s24;
	s25 =	sadd.s32 $0x1F000, s23;
	[dreg:$0x10] =	wrdreg s3  }
0x29: {  	s18 =	sand.u32 $0xE0000, s22;
	[dreg:$0x12] =	wrdreg s25;
	s26 =	sadd.s32 $0x1F800, s23  }
0x2a: {  	s21 =	sadd.s32 $0x9, s5;
	s3 =	sadd.s32 s19, s20;
	[dreg:$0x13] =	wrdreg s26  }
0x2b: {  	s22 =	sor.u32 $0x2000, s15;
	s23 =	sadd.s32 s4, s20;
	[dreg:$0x14] =	wrdreg s3  }
0x2c: {  	s25 =	sadd.s32 s4, s15;
	s20 =	sor.u32 $0x1000, s15;
	[dreg:$0x15] =	wrdreg s23  }
0x2d: {  	s17 =	sshll.u32 s17, $0x14;
	[dreg:$0x16] =	wrdreg s25;
	s26 =	sadd.s32 s4, s20  }
0x2e: {  	s3 =	sshrl.u32 s21, $0x5;
	s25 =	sadd.s32 s4, s22;
	[dreg:$0x17] =	wrdreg s26  }
0x2f: {  	s21 =	sshll.u32 s21, $0xF;
	s20 =	sadd.s32 s19, s20;
	[dreg:$0x18] =	wrdreg s25  }
0x30: {  	s26 =	sadd.s32 s19, s15;
	s15 =	sor.u32 $0x3000, s15;
	s23 =	sadd.s32 s3, s24  }
0x31: {  	s25 =	sadd.s32 $0xA, s5;
	s21 =	sand.u32 $0xE8000, s21;
	[dreg:$0x1b] =	wrdreg s20  }
0x32: {  	s5 =	sadd.s32 $0xB, s5;
	[dreg:$0x19] =	wrdreg s26;
	s3 =	sadd.s32 s4, s15  }
0x33: {  	s26 =	sshrl.u32 s25, $0x5;
	s16 =	sshll.u32 s25, $0xF;
	s20 =	sshrl.u32 s5, $0x5  }
0x34: {  	s25 =	sadd.s32 s19, s22;
	s22 =	sor.u32 s18, s17;
	s17 =	rddreg [dreg:$0x4]  }
0x35: {  	s5 =	sshll.u32 s5, $0xF;
	[dreg:$0x1a] =	wrdreg s3;
	s14 =	sadd.s32 s26, s24  }
0x36: {  	s16 =	sand.u32 $0xF0000, s16;
	s3 =	sadd.s32 s4, s10;
	[dreg:$0x1d] =	wrdreg s25  }
0x37: {  	s26 =	sadd.s32 s4, s7;
	s20 =	sadd.s32 s20, s24;
	s10 =	sshrl.u32 s11, $0x3  }
0x38: {  	s7 =	sadd.s32 s19, s7;
	s9 =	sshrl.u32 s22, $0x3;
	[dreg:$0x1c] =	wrdreg s3  }
0x39: {  	s24 =	sshll.u32 s23, $0x14;
	s5 =	sand.u32 $0xF8000, s5;
	[dreg:$0x1e] =	wrdreg s26  }
0x3a: {  	s3 =	sadd.s32 s19, s15;
	s15 =	sadd.s32 s4, s10;
	[smem:$0x7F4] =	sst s7  }
0x3b: {  	s25 =	sadd.s32 s4, s9;
	s11 =	sor.u32 s21, s24;
	[dreg:$0x1f] =	wrdreg s3  }
0x3c: {  	s26 =	sadd.s32 s19, s8;
	s12 =	sshll.u32 s14, $0x14;
	[smem:$0x7F3] =	sst s15  }
0x3d: {  	s10 =	sadd.s32 s19, s10;
	s14 =	sshll.u32 s20, $0x14;
	[smem:$0x7F5] =	sst s25  }
0x3e: {  	s9 =	sadd.s32 s19, s9;
	s21 =	simm.s32 $0x18000;
	[smem:$0x7F6] =	sst s26  }
0x3f: {  	s3 =	sshrl.u32 s11, $0x3;
	s13 =	sor.u32 s16, s12;
	[smem:$0x7F8] =	sst s10  }
0x40: {  	[tilespmem:s21], [sflag:$0x7] =	stream.linear.gather [hbm4b:s17+s2], $0x4000, $0x38;
	[tilespmem:$0x1C000] =	vst v63  }
0x41: {  	s5 =	sor.u32 s5, s14;
	[smem:$0x7FA] =	sst s9;
	s11 =	sadd.s32 s4, s3  }
0x42: {  	s7 =	sshrl.u32 s13, $0x3;
	s16 =	sadd.s32 s19, s3;
	[smem:$0x7F7] =	sst s11  }
0x43: {  	s20 =	sshrl.u32 s5, $0x3;
	s15 =	sadd.s32 s4, s7;
	[smem:$0x7FC] =	sst s16  }
0x44: {  	s4 =	sadd.s32 s4, s20;
	[smem:$0x7F9] =	sst s15  }
0x45: {  	s18 =	sadd.s32 s19, s7;
	[smem:$0x7FB] =	sst s4  }
0x46: {  	s5 =	simm.s32 $0x7;
	[smem:$0x7FD] =	sst s18  }
0x47: {  	_ =	swait.ge [sflag:s5], $0x4000  }
0x48: {  	p0 =	seq.s32 s6, $0x7;
	s9 =	rddreg [dreg:$0x14]  }
0x49: {  	s6 =	simm.s32 @p0 $0x18000;
	s12 =	sshll.u32 @p0 s0, $0x6;
	s8 =	rddreg [dreg:$0xc]  }
0x4a: {  	s0 =	sor.u32 @p0 $0x1C10, s12;
	[sflag:s5] =	ssyncset.done $0x0;
	s10 =	rddreg [dreg:$0xd]  }
0x4b: {  	s7 =	simm.s32 @p0 $0x0;
	s11 =	rddreg [dreg:$0x15];
	[sflag:s5] =	ssyncadd.s32 $0xFFFFC000  }
0x4c: {  	[hbm4b:s8+s7] =	stream.linear.scatter @p0 [tilespmem:s6], [sflag:$0x8], $0x4000, $0x38;
	[tilespmem:$0x1C000] =	vst v63  }
0x4d: {  	[smem:$0x7F0] =	sst s0  }
0x4e: {  	[hbm4b:s10+s7] =	stream.linear.scatter @p0 [tilespmem:s6], [sflag:$0x9], $0x4000, $0x38;
	[tilespmem:$0x1C000] =	vst v63  }
0x4f: {  	s8 =	rddreg [dreg:$0xe]  }
0x50: {  	[hbm4b:s8+s7] =	stream.linear.scatter @p0 [tilespmem:s6], [sflag:$0xA], $0x4000, $0x38;
	[tilespmem:$0x1C000] =	vst v63  }
0x51: {  	s10 =	rddreg [dreg:$0xf]  }
0x52: {  	[hbm4b:s10+s7] =	stream.linear.scatter @p0 [tilespmem:s6], [sflag:$0xB], $0x4000, $0x38;
	[tilespmem:$0x1C000] =	vst v63  }
0x53: {  	s8 =	rddreg [dreg:$0x10]  }
0x54: {  	[hbm4b:s8+s7] =	stream.linear.scatter @p0 [tilespmem:s6], [sflag:$0xC], $0x4000, $0x38;
	[tilespmem:$0x1C000] =	vst v63  }
0x55: {  	s10 =	rddreg [dreg:$0x11]  }
0x56: {  	[hbm4b:s10+s7] =	stream.linear.scatter @p0 [tilespmem:s6], [sflag:$0xD], $0x4000, $0x38;
	[tilespmem:$0x1C000] =	vst v63  }
0x57: {  	s8 =	rddreg [dreg:$0x12]  }
0x58: {  	[hbm4b:s8+s7] =	stream.linear.scatter @p0 [tilespmem:s6], [sflag:$0xE], $0x4000, $0x38;
	[tilespmem:$0x1C000] =	vst v63  }
0x59: {  	s10 =	rddreg [dreg:$0x13]  }
0x5a: {  	[hbm4b:s10+s7] =	stream.linear.scatter @p0 [tilespmem:s6], [sflag:$0xF], $0x3E00, $0x38;
	[tilespmem:$0x1C000] =	vst v63  }
0x5b: {  	[hbm:s9], [sflag:s0] =	dma.local @p0 [hbm:s11], $0x40  }
0x5c: {  	s10 =	simm.s32 @!p0 $0x18000;
	s9 =	simm.s32 @!p0 $0x0  }
0x5d: {  	[hbm4b:s1+s9] =	stream.linear.scatter @!p0 [tilespmem:s10], [sflag:$0x8], $0x4000, $0x38;
	[tilespmem:$0x1C000] =	vst v63  }
0x5e: {  	s11 =	rddreg [dreg:$0x5]  }
0x5f: {  	[hbm4b:s11+s9] =	stream.linear.scatter @!p0 [tilespmem:s10], [sflag:$0x9], $0x4000, $0x38;
	[tilespmem:$0x1C000] =	vst v63  }
0x60: {  	s12 =	rddreg [dreg:$0x6]  }
0x61: {  	[hbm4b:s12+s9] =	stream.linear.scatter @!p0 [tilespmem:s10], [sflag:$0xA], $0x4000, $0x38;
	[tilespmem:$0x1C000] =	vst v63  }
0x62: {  	s11 =	rddreg [dreg:$0x7]  }
0x63: {  	[hbm4b:s11+s9] =	stream.linear.scatter @!p0 [tilespmem:s10], [sflag:$0xB], $0x4000, $0x38;
	[tilespmem:$0x1C000] =	vst v63  }
0x64: {  	s12 =	rddreg [dreg:$0x8]  }
0x65: {  	[hbm4b:s12+s9] =	stream.linear.scatter @!p0 [tilespmem:s10], [sflag:$0xC], $0x4000, $0x38;
	[tilespmem:$0x1C000] =	vst v63  }
0x66: {  	s11 =	rddreg [dreg:$0x9]  }
0x67: {  	[hbm4b:s11+s9] =	stream.linear.scatter @!p0 [tilespmem:s10], [sflag:$0xD], $0x4000, $0x38;
	[tilespmem:$0x1C000] =	vst v63  }
0x68: {  	s12 =	rddreg [dreg:$0xa]  }
0x69: {  	[hbm4b:s12+s9] =	stream.linear.scatter @!p0 [tilespmem:s10], [sflag:$0xE], $0x4000, $0x38;
	[tilespmem:$0x1C000] =	vst v63  }
0x6a: {  	s11 =	rddreg [dreg:$0xb]  }
0x6b: {  	[hbm4b:s11+s9] =	stream.linear.scatter @!p0 [tilespmem:s10], [sflag:$0xF], $0x4000, $0x38;
	[tilespmem:$0x1C000] =	vst v63  }
0x6c: {  	s22 =	rddreg [dreg:$0x16]  }
0x6d: {  	[tilespmem:s2], [sflag:$0x1] =	stream.linear.gather [hbm4b:s22+s2], $0x8000, $0x38;
	[tilespmem:$0x1C000] =	vst v63  }
0x6e: {  	s23 =	rddreg [dreg:$0x17];
	s11 =	simm.s32 $0x8000  }
0x6f: {  	[tilespmem:s11], [sflag:$0x2] =	stream.linear.gather [hbm4b:s23+s2], $0x8000, $0x38;
	[tilespmem:$0x1C000] =	vst v63  }
0x70: {  	s13 =	simm.s32 $0x1;
	s24 =	rddreg [dreg:$0x18];
	s12 =	simm.s32 $0x10000  }
0x71: {  	[tilespmem:s12], [sflag:$0x3] =	stream.linear.gather [hbm4b:s24+s2], $0x8000, $0x38;
	[tilespmem:$0x1C000] =	vst v63  }
0x72: {  	_ =	swait.ge [sflag:s13], $0x8000  }
0x73: {  	[sflag:s13] =	ssyncset.done $0x0  }
0x74: {  	s14 =	simm.s32 $0x4;
	s25 =	rddreg [dreg:$0x19];
	[sflag:s13] =	ssyncadd.s32 $0xFFFF8000  }
0x75: {  	[hbm4b:s25+s2] =	stream.linear.scatter [tilespmem:s2], [sflag:$0x4], $0x8000, $0x38;
	[tilespmem:$0x1C000] =	vst v63  }
0x76: {  	_ =	swait.ge [sflag:s14], $0x8000  }
0x77: {  	[sflag:s14] =	ssyncset.done $0x0  }
0x78: {  	s15 =	simm.s32 $0x2;
	s26 =	rddreg [dreg:$0x1a];
	[sflag:s14] =	ssyncadd.s32 $0xFFFF8000  }
0x79: {  	[tilespmem:s2], [sflag:$0x1] =	stream.linear.gather [hbm4b:s26+s2], $0x8000, $0x38;
	[tilespmem:$0x1C000] =	vst v63  }
0x7a: {  	_ =	swait.ge [sflag:s15], $0x8000  }
0x7b: {  	[sflag:s15] =	ssyncset.done $0x0  }
0x7c: {  	s16 =	simm.s32 $0x5;
	s0 =	rddreg [dreg:$0x1b];
	[sflag:s15] =	ssyncadd.s32 $0xFFFF8000  }
0x7d: {  	[hbm4b:s0+s2] =	stream.linear.scatter [tilespmem:s11], [sflag:$0x5], $0x8000, $0x38;
	[tilespmem:$0x1C000] =	vst v63  }
0x7e: {  	_ =	swait.ge [sflag:s16], $0x8000  }
0x7f: {  	[sflag:s16] =	ssyncset.done $0x0  }
0x80: {  	s17 =	simm.s32 $0x3;
	s3 =	rddreg [dreg:$0x1c];
	[sflag:s16] =	ssyncadd.s32 $0xFFFF8000  }
0x81: {  	[tilespmem:s11], [sflag:$0x2] =	stream.linear.gather [hbm4b:s3+s2], $0x8000, $0x38;
	[tilespmem:$0x1C000] =	vst v63  }
0x82: {  	_ =	swait.ge [sflag:s17], $0x8000  }
0x83: {  	[sflag:s17] =	ssyncset.done $0x0  }
0x84: {  	s18 =	simm.s32 $0x6;
	s4 =	rddreg [dreg:$0x1d];
	[sflag:s17] =	ssyncadd.s32 $0xFFFF8000  }
0x85: {  	[hbm4b:s4+s2] =	stream.linear.scatter [tilespmem:s12], [sflag:$0x6], $0x8000, $0x38;
	[tilespmem:$0x1C000] =	vst v63  }
0x86: {  	_ =	swait.ge [sflag:s18], $0x8000  }
0x87: {  	[sflag:s18] =	ssyncset.done $0x0  }
0x88: {  	s8 =	rddreg [dreg:$0x1e];
	[sflag:s18] =	ssyncadd.s32 $0xFFFF8000  }
0x89: {  	[tilespmem:s12], [sflag:$0x3] =	stream.linear.gather [hbm4b:s8+s2], $0x8000, $0x38;
	[tilespmem:$0x1C000] =	vst v63  }
0x8a: {  	_ =	swait.ge [sflag:s13], $0x8000  }
0x8b: {  	[sflag:s13] =	ssyncset.done $0x0  }
0x8c: {  	s22 =	rddreg [dreg:$0x1f];
	[sflag:s13] =	ssyncadd.s32 $0xFFFF8000  }
0x8d: {  	[hbm4b:s22+s2] =	stream.linear.scatter [tilespmem:s2], [sflag:$0x4], $0x8000, $0x38;
	[tilespmem:$0x1C000] =	vst v63  }
0x8e: {  	_ =	swait.ge [sflag:s14], $0x8000  }
0x8f: {  	s23 =	sld [smem:$0x7F1]  }
0x90: {  	[sflag:s14] =	ssyncset.done $0x0  }
0x91: {  	[sflag:s14] =	ssyncadd.s32 $0xFFFF8000  }
0x92: {  	[tilespmem:s2], [sflag:$0x1] =	stream.linear.gather [hbm4b:s23+s2], $0x8000, $0x38;
	[tilespmem:$0x1C000] =	vst v63  }
0x93: {  	_ =	swait.ge [sflag:s15], $0x8000  }
0x94: {  	s24 =	sld [smem:$0x7F2]  }
0x95: {  	[sflag:s15] =	ssyncset.done $0x0  }
0x96: {  	[sflag:s15] =	ssyncadd.s32 $0xFFFF8000  }
0x97: {  	[hbm4b:s24+s2] =	stream.linear.scatter [tilespmem:s11], [sflag:$0x5], $0x8000, $0x38;
	[tilespmem:$0x1C000] =	vst v63  }
0x98: {  	_ =	swait.ge [sflag:s16], $0x8000  }
0x99: {  	s25 =	sld [smem:$0x7F3]  }
0x9a: {  	[sflag:s16] =	ssyncset.done $0x0  }
0x9b: {  	[sflag:s16] =	ssyncadd.s32 $0xFFFF8000  }
0x9c: {  	[tilespmem:s11], [sflag:$0x2] =	stream.linear.gather [hbm4b:s25+s2], $0x8000, $0x38;
	[tilespmem:$0x1C000] =	vst v63  }
0x9d: {  	_ =	swait.ge [sflag:s17], $0x8000  }
0x9e: {  	s26 =	sld [smem:$0x7F4]  }
0x9f: {  	[sflag:s17] =	ssyncset.done $0x0  }
0xa0: {  	[sflag:s17] =	ssyncadd.s32 $0xFFFF8000  }
0xa1: {  	[hbm4b:s26+s2] =	stream.linear.scatter [tilespmem:s12], [sflag:$0x6], $0x8000, $0x38;
	[tilespmem:$0x1C000] =	vst v63  }
0xa2: {  	_ =	swait.ge [sflag:s18], $0x8000  }
0xa3: {  	s0 =	sld [smem:$0x7F5]  }
0xa4: {  	[sflag:s18] =	ssyncset.done $0x0  }
0xa5: {  	[sflag:s18] =	ssyncadd.s32 $0xFFFF8000  }
0xa6: {  	[tilespmem:s12], [sflag:$0x3] =	stream.linear.gather [hbm4b:s0+s2], $0x8000, $0x38;
	[tilespmem:$0x1C000] =	vst v63  }
0xa7: {  	_ =	swait.ge [sflag:s13], $0x8000  }
0xa8: {  	s3 =	sld [smem:$0x7F6]  }
0xa9: {  	[sflag:s13] =	ssyncset.done $0x0  }
0xaa: {  	[sflag:s13] =	ssyncadd.s32 $0xFFFF8000  }
0xab: {  	[hbm4b:s3+s2] =	stream.linear.scatter [tilespmem:s2], [sflag:$0x4], $0x8000, $0x38;
	[tilespmem:$0x1C000] =	vst v63  }
0xac: {  	_ =	swait.ge [sflag:s14], $0x8000  }
0xad: {  	s4 =	sld [smem:$0x7F7]  }
0xae: {  	[sflag:s14] =	ssyncset.done $0x0  }
0xaf: {  	[sflag:s14] =	ssyncadd.s32 $0xFFFF8000  }
0xb0: {  	[tilespmem:s2], [sflag:$0x1] =	stream.linear.gather [hbm4b:s4+s2], $0x8000, $0x38;
	[tilespmem:$0x1C000] =	vst v63  }
0xb1: {  	_ =	swait.ge [sflag:s15], $0x8000  }
0xb2: {  	s8 =	sld [smem:$0x7F8]  }
0xb3: {  	[sflag:s15] =	ssyncset.done $0x0  }
0xb4: {  	[sflag:s15] =	ssyncadd.s32 $0xFFFF8000  }
0xb5: {  	[hbm4b:s8+s2] =	stream.linear.scatter [tilespmem:s11], [sflag:$0x5], $0x8000, $0x38;
	[tilespmem:$0x1C000] =	vst v63  }
0xb6: {  	_ =	swait.ge [sflag:s16], $0x8000  }
0xb7: {  	s22 =	sld [smem:$0x7F9]  }
0xb8: {  	[sflag:s16] =	ssyncset.done $0x0  }
0xb9: {  	[sflag:s16] =	ssyncadd.s32 $0xFFFF8000  }
0xba: {  	[tilespmem:s11], [sflag:$0x2] =	stream.linear.gather [hbm4b:s22+s2], $0x8000, $0x38;
	[tilespmem:$0x1C000] =	vst v63  }
0xbb: {  	_ =	swait.ge [sflag:s17], $0x8000  }
0xbc: {  	s23 =	sld [smem:$0x7FA]  }
0xbd: {  	[sflag:s17] =	ssyncset.done $0x0  }
0xbe: {  	[sflag:s17] =	ssyncadd.s32 $0xFFFF8000  }
0xbf: {  	[hbm4b:s23+s2] =	stream.linear.scatter [tilespmem:s12], [sflag:$0x6], $0x8000, $0x38;
	[tilespmem:$0x1C000] =	vst v63  }
0xc0: {  	_ =	swait.ge [sflag:s18], $0x8000  }
0xc1: {  	s24 =	sld [smem:$0x7FB]  }
0xc2: {  	[sflag:s18] =	ssyncset.done $0x0  }
0xc3: {  	[sflag:s18] =	ssyncadd.s32 $0xFFFF8000  }
0xc4: {  	[tilespmem:s12], [sflag:$0x3] =	stream.linear.gather [hbm4b:s24+s2], $0x8000, $0x38;
	[tilespmem:$0x1C000] =	vst v63  }
0xc5: {  	_ =	swait.ge [sflag:s13], $0x8000  }
0xc6: {  	s25 =	sld [smem:$0x7FC]  }
0xc7: {  	[sflag:s13] =	ssyncset.done $0x0  }
0xc8: {  	[sflag:s13] =	ssyncadd.s32 $0xFFFF8000  }
0xc9: {  	[hbm4b:s25+s2] =	stream.linear.scatter [tilespmem:s2], [sflag:$0x4], $0x8000, $0x38;
	[tilespmem:$0x1C000] =	vst v63  }
0xca: {  	_ =	swait.ge [sflag:s15], $0x8000  }
0xcb: {  	s26 =	sld [smem:$0x7FD]  }
0xcc: {  	[sflag:s15] =	ssyncset.done $0x0  }
0xcd: {  	[sflag:s15] =	ssyncadd.s32 $0xFFFF8000  }
0xce: {  	[hbm4b:s26+s2] =	stream.linear.scatter [tilespmem:s11], [sflag:$0x5], $0x8000, $0x38;
	[tilespmem:$0x1C000] =	vst v63  }
0xcf: {  	_ =	swait.ge [sflag:s17], $0x8000  }
0xd0: {  	[sflag:s17] =	ssyncset.done $0x0  }
0xd1: {  	s19 =	sadd.s32 s19, s20;
	[sflag:s17] =	ssyncadd.s32 $0xFFFF8000  }
0xd2: {  	[hbm4b:s19+s2] =	stream.linear.scatter [tilespmem:s12], [sflag:$0x6], $0x8000, $0x38;
	[tilespmem:$0x1C000] =	vst v63  }
0xd3: {  	_ =	swait.ge [sflag:s16], $0x8000  }
0xd4: {  	[sflag:s16] =	ssyncset.done $0x0  }
0xd5: {  	[sflag:s16] =	ssyncadd.s32 $0xFFFF8000  }
0xd6: {  	_ =	swait.ge [sflag:s18], $0x8000  }
0xd7: {  	[sflag:s18] =	ssyncset.done $0x0  }
0xd8: {  	s20 =	simm.s32 $0x8;
	[sflag:s18] =	ssyncadd.s32 $0xFFFF8000  }
0xd9: {  	_ =	swait.ge [sflag:s20], $0x4000  }
0xda: {  	[sflag:s20] =	ssyncset.done $0x0  }
0xdb: {  	s21 =	simm.s32 $0x9;
	[sflag:s20] =	ssyncadd.s32 $0xFFFFC000  }
0xdc: {  	_ =	swait.ge [sflag:s21], $0x4000  }
0xdd: {  	[sflag:s21] =	ssyncset.done $0x0  }
0xde: {  	s22 =	simm.s32 $0xA;
	[sflag:s21] =	ssyncadd.s32 $0xFFFFC000  }
0xdf: {  	_ =	swait.ge [sflag:s22], $0x4000  }
0xe0: {  	[sflag:s22] =	ssyncset.done $0x0  }
0xe1: {  	s23 =	simm.s32 $0xB;
	[sflag:s22] =	ssyncadd.s32 $0xFFFFC000  }
0xe2: {  	_ =	swait.ge [sflag:s23], $0x4000  }
0xe3: {  	[sflag:s23] =	ssyncset.done $0x0  }
0xe4: {  	s24 =	simm.s32 $0xC;
	[sflag:s23] =	ssyncadd.s32 $0xFFFFC000  }
0xe5: {  	_ =	swait.ge [sflag:s24], $0x4000  }
0xe6: {  	[sflag:s24] =	ssyncset.done $0x0  }
0xe7: {  	s25 =	simm.s32 $0xD;
	[sflag:s24] =	ssyncadd.s32 $0xFFFFC000  }
0xe8: {  	_ =	swait.ge [sflag:s25], $0x4000  }
0xe9: {  	s29 =	ssub.s32 $0x2, s28;
	[sflag:s25] =	ssyncset.done $0x0  }
0xea: {  	s30 =	sshrl.u32 s29, $0x1;
	s26 =	simm.s32 $0xE;
	[sflag:s25] =	ssyncadd.s32 $0xFFFFC000  }
0xeb: {  	s29 =	ssub.s32 s29, s30;
	_ =	swait.ge [sflag:s26], $0x4000  }
0xec: {  	s29 =	smax.u32 s29, $0x1;
	[sflag:s26] =	ssyncset.done $0x0  }
0xed: {  	s31 =	sadd.s32 $0xFFFFFFFF, s29;
	s28 =	simm.s32 @p0 $0xF;
	[sflag:s26] =	ssyncadd.s32 $0xFFFFC000  }
0xee: {  	p1 =	sne.s32 s31, $0x0;
	_ =	swait.ge @p0 [sflag:s28], $0x3E00  }
.Ltmp0:
0xef: {  	[sflag:s28] =	ssyncset.done @p0 $0x0;
	(pc) =	sbr.rel @!p1 .LBB2_3-.Ltmp0, $4  }
0xf0: {  	s30 =	simm.s32 @p0 $0x10;
	[sflag:s28] =	ssyncadd.s32 @p0 $0xFFFFC200  }
0xf1: {  	_ =	swait.ge @p0 [sflag:s30], $0x40  }
0xf2: {  	[sflag:s30] =	ssyncset.done @p0 $0x0  }
0xf3: {  	s29 =	simm.s32 @!p0 $0xF;
	[sflag:s30] =	ssyncadd.s32 @p0 $0xFFFFFFC0  }
0xf4: {  	s8 =	smov.u32 s1  }
.LBB2_2:
0xf5: {  	_ =	swait.ge @!p0 [sflag:s29], $0x4000  }
0xf6: {  	[sflag:s29] =	ssyncset.done @!p0 $0x0  }
0xf7: {  	s1 =	simm.s32 $0x18000;
	s0 =	rddreg [dreg:$0x4];
	[sflag:s29] =	ssyncadd.s32 @!p0 $0xFFFFC000  }
0xf8: {  	[tilespmem:s1], [sflag:$0x7] =	stream.linear.gather [hbm4b:s0+s2], $0x4000, $0x38;
	[tilespmem:$0x1C000] =	vst v63  }
0xf9: {  	_ =	swait.ge [sflag:s5], $0x4000  }
0xfa: {  	s0 =	rddreg [dreg:$0x14]  }
0xfb: {  	[sflag:s5] =	ssyncset.done $0x0;
	s1 =	rddreg [dreg:$0xc]  }
0xfc: {  	s4 =	rddreg [dreg:$0xd];
	[sflag:s5] =	ssyncadd.s32 $0xFFFFC000  }
0xfd: {  	[hbm4b:s1+s7] =	stream.linear.scatter @p0 [tilespmem:s6], [sflag:$0x8], $0x4000, $0x38;
	[tilespmem:$0x1C000] =	vst v63  }
0xfe: {  	s3 =	rddreg [dreg:$0x15]  }
0xff: {  	[hbm4b:s4+s7] =	stream.linear.scatter @p0 [tilespmem:s6], [sflag:$0x9], $0x4000, $0x38;
	[tilespmem:$0x1C000] =	vst v63  }
0x100: {  	s1 =	rddreg [dreg:$0xe]  }
0x101: {  	[hbm4b:s1+s7] =	stream.linear.scatter @p0 [tilespmem:s6], [sflag:$0xA], $0x4000, $0x38;
	[tilespmem:$0x1C000] =	vst v63  }
0x102: {  	s4 =	rddreg [dreg:$0xf]  }
0x103: {  	[hbm4b:s4+s7] =	stream.linear.scatter @p0 [tilespmem:s6], [sflag:$0xB], $0x4000, $0x38;
	[tilespmem:$0x1C000] =	vst v63  }
0x104: {  	s1 =	rddreg [dreg:$0x10]  }
0x105: {  	[hbm4b:s1+s7] =	stream.linear.scatter @p0 [tilespmem:s6], [sflag:$0xC], $0x4000, $0x38;
	[tilespmem:$0x1C000] =	vst v63  }
0x106: {  	s4 =	rddreg [dreg:$0x11]  }
0x107: {  	[hbm4b:s4+s7] =	stream.linear.scatter @p0 [tilespmem:s6], [sflag:$0xD], $0x4000, $0x38;
	[tilespmem:$0x1C000] =	vst v63  }
0x108: {  	s1 =	rddreg [dreg:$0x12]  }
0x109: {  	[hbm4b:s1+s7] =	stream.linear.scatter @p0 [tilespmem:s6], [sflag:$0xE], $0x4000, $0x38;
	[tilespmem:$0x1C000] =	vst v63  }
0x10a: {  	s1 =	sld [smem:$0x7F0]  }
0x10b: {  	s4 =	rddreg [dreg:$0x13]  }
0x10c: {  	[hbm4b:s4+s7] =	stream.linear.scatter @p0 [tilespmem:s6], [sflag:$0xF], $0x3E00, $0x38;
	[tilespmem:$0x1C000] =	vst v63  }
0x10d: {  	[hbm:s0], [sflag:s1] =	dma.local @p0 [hbm:s3], $0x40  }
0x10e: {  	[hbm4b:s8+s9] =	stream.linear.scatter @!p0 [tilespmem:s10], [sflag:$0x8], $0x4000, $0x38;
	[tilespmem:$0x1C000] =	vst v63  }
0x10f: {  	s0 =	rddreg [dreg:$0x5]  }
0x110: {  	[hbm4b:s0+s9] =	stream.linear.scatter @!p0 [tilespmem:s10], [sflag:$0x9], $0x4000, $0x38;
	[tilespmem:$0x1C000] =	vst v63  }
0x111: {  	s3 =	rddreg [dreg:$0x6]  }
0x112: {  	[hbm4b:s3+s9] =	stream.linear.scatter @!p0 [tilespmem:s10], [sflag:$0xA], $0x4000, $0x38;
	[tilespmem:$0x1C000] =	vst v63  }
0x113: {  	s1 =	rddreg [dreg:$0x7]  }
0x114: {  	[hbm4b:s1+s9] =	stream.linear.scatter @!p0 [tilespmem:s10], [sflag:$0xB], $0x4000, $0x38;
	[tilespmem:$0x1C000] =	vst v63  }
0x115: {  	s0 =	rddreg [dreg:$0x8]  }
0x116: {  	[hbm4b:s0+s9] =	stream.linear.scatter @!p0 [tilespmem:s10], [sflag:$0xC], $0x4000, $0x38;
	[tilespmem:$0x1C000] =	vst v63  }
0x117: {  	s3 =	rddreg [dreg:$0x9]  }
0x118: {  	[hbm4b:s3+s9] =	stream.linear.scatter @!p0 [tilespmem:s10], [sflag:$0xD], $0x4000, $0x38;
	[tilespmem:$0x1C000] =	vst v63  }
0x119: {  	s1 =	rddreg [dreg:$0xa]  }
0x11a: {  	[hbm4b:s1+s9] =	stream.linear.scatter @!p0 [tilespmem:s10], [sflag:$0xE], $0x4000, $0x38;
	[tilespmem:$0x1C000] =	vst v63  }
0x11b: {  	s0 =	rddreg [dreg:$0xb]  }
0x11c: {  	[hbm4b:s0+s9] =	stream.linear.scatter @!p0 [tilespmem:s10], [sflag:$0xF], $0x4000, $0x38;
	[tilespmem:$0x1C000] =	vst v63  }
0x11d: {  	s3 =	rddreg [dreg:$0x16]  }
0x11e: {  	[tilespmem:s2], [sflag:$0x1] =	stream.linear.gather [hbm4b:s3+s2], $0x8000, $0x38;
	[tilespmem:$0x1C000] =	vst v63  }
0x11f: {  	s1 =	rddreg [dreg:$0x17]  }
0x120: {  	[tilespmem:s11], [sflag:$0x2] =	stream.linear.gather [hbm4b:s1+s2], $0x8000, $0x38;
	[tilespmem:$0x1C000] =	vst v63  }
0x121: {  	s4 =	rddreg [dreg:$0x18]  }
0x122: {  	[tilespmem:s12], [sflag:$0x3] =	stream.linear.gather [hbm4b:s4+s2], $0x8000, $0x38;
	[tilespmem:$0x1C000] =	vst v63  }
0x123: {  	_ =	swait.ge [sflag:s13], $0x8000  }
0x124: {  	[sflag:s13] =	ssyncset.done $0x0  }
0x125: {  	s3 =	rddreg [dreg:$0x19];
	[sflag:s13] =	ssyncadd.s32 $0xFFFF8000  }
0x126: {  	[hbm4b:s3+s2] =	stream.linear.scatter [tilespmem:s2], [sflag:$0x4], $0x8000, $0x38;
	[tilespmem:$0x1C000] =	vst v63  }
0x127: {  	_ =	swait.ge [sflag:s14], $0x8000  }
0x128: {  	[sflag:s14] =	ssyncset.done $0x0  }
0x129: {  	s4 =	rddreg [dreg:$0x1a];
	[sflag:s14] =	ssyncadd.s32 $0xFFFF8000  }
0x12a: {  	[tilespmem:s2], [sflag:$0x1] =	stream.linear.gather [hbm4b:s4+s2], $0x8000, $0x38;
	[tilespmem:$0x1C000] =	vst v63  }
0x12b: {  	_ =	swait.ge [sflag:s15], $0x8000  }
0x12c: {  	[sflag:s15] =	ssyncset.done $0x0  }
0x12d: {  	s1 =	rddreg [dreg:$0x1b];
	[sflag:s15] =	ssyncadd.s32 $0xFFFF8000  }
0x12e: {  	[hbm4b:s1+s2] =	stream.linear.scatter [tilespmem:s11], [sflag:$0x5], $0x8000, $0x38;
	[tilespmem:$0x1C000] =	vst v63  }
0x12f: {  	_ =	swait.ge [sflag:s16], $0x8000  }
0x130: {  	[sflag:s16] =	ssyncset.done $0x0  }
0x131: {  	s3 =	rddreg [dreg:$0x1c];
	[sflag:s16] =	ssyncadd.s32 $0xFFFF8000  }
0x132: {  	[tilespmem:s11], [sflag:$0x2] =	stream.linear.gather [hbm4b:s3+s2], $0x8000, $0x38;
	[tilespmem:$0x1C000] =	vst v63  }
0x133: {  	_ =	swait.ge [sflag:s17], $0x8000  }
0x134: {  	[sflag:s17] =	ssyncset.done $0x0  }
0x135: {  	s4 =	rddreg [dreg:$0x1d];
	[sflag:s17] =	ssyncadd.s32 $0xFFFF8000  }
0x136: {  	[hbm4b:s4+s2] =	stream.linear.scatter [tilespmem:s12], [sflag:$0x6], $0x8000, $0x38;
	[tilespmem:$0x1C000] =	vst v63  }
0x137: {  	_ =	swait.ge [sflag:s18], $0x8000  }
0x138: {  	[sflag:s18] =	ssyncset.done $0x0  }
0x139: {  	s1 =	rddreg [dreg:$0x1e];
	[sflag:s18] =	ssyncadd.s32 $0xFFFF8000  }
0x13a: {  	[tilespmem:s12], [sflag:$0x3] =	stream.linear.gather [hbm4b:s1+s2], $0x8000, $0x38;
	[tilespmem:$0x1C000] =	vst v63  }
0x13b: {  	_ =	swait.ge [sflag:s13], $0x8000  }
0x13c: {  	[sflag:s13] =	ssyncset.done $0x0  }
0x13d: {  	s3 =	rddreg [dreg:$0x1f];
	[sflag:s13] =	ssyncadd.s32 $0xFFFF8000  }
0x13e: {  	[hbm4b:s3+s2] =	stream.linear.scatter [tilespmem:s2], [sflag:$0x4], $0x8000, $0x38;
	[tilespmem:$0x1C000] =	vst v63  }
0x13f: {  	_ =	swait.ge [sflag:s14], $0x8000  }
0x140: {  	s4 =	sld [smem:$0x7F1]  }
0x141: {  	[sflag:s14] =	ssyncset.done $0x0  }
0x142: {  	[sflag:s14] =	ssyncadd.s32 $0xFFFF8000  }
0x143: {  	[tilespmem:s2], [sflag:$0x1] =	stream.linear.gather [hbm4b:s4+s2], $0x8000, $0x38;
	[tilespmem:$0x1C000] =	vst v63  }
0x144: {  	_ =	swait.ge [sflag:s15], $0x8000  }
0x145: {  	s1 =	sld [smem:$0x7F2]  }
0x146: {  	[sflag:s15] =	ssyncset.done $0x0  }
0x147: {  	[sflag:s15] =	ssyncadd.s32 $0xFFFF8000  }
0x148: {  	[hbm4b:s1+s2] =	stream.linear.scatter [tilespmem:s11], [sflag:$0x5], $0x8000, $0x38;
	[tilespmem:$0x1C000] =	vst v63  }
0x149: {  	_ =	swait.ge [sflag:s16], $0x8000  }
0x14a: {  	s3 =	sld [smem:$0x7F3]  }
0x14b: {  	[sflag:s16] =	ssyncset.done $0x0  }
0x14c: {  	[sflag:s16] =	ssyncadd.s32 $0xFFFF8000  }
0x14d: {  	[tilespmem:s11], [sflag:$0x2] =	stream.linear.gather [hbm4b:s3+s2], $0x8000, $0x38;
	[tilespmem:$0x1C000] =	vst v63  }
0x14e: {  	_ =	swait.ge [sflag:s17], $0x8000  }
0x14f: {  	s4 =	sld [smem:$0x7F4]  }
0x150: {  	[sflag:s17] =	ssyncset.done $0x0  }
0x151: {  	[sflag:s17] =	ssyncadd.s32 $0xFFFF8000  }
0x152: {  	[hbm4b:s4+s2] =	stream.linear.scatter [tilespmem:s12], [sflag:$0x6], $0x8000, $0x38;
	[tilespmem:$0x1C000] =	vst v63  }
0x153: {  	_ =	swait.ge [sflag:s18], $0x8000  }
0x154: {  	s1 =	sld [smem:$0x7F5]  }
0x155: {  	[sflag:s18] =	ssyncset.done $0x0  }
0x156: {  	[sflag:s18] =	ssyncadd.s32 $0xFFFF8000  }
0x157: {  	[tilespmem:s12], [sflag:$0x3] =	stream.linear.gather [hbm4b:s1+s2], $0x8000, $0x38;
	[tilespmem:$0x1C000] =	vst v63  }
0x158: {  	_ =	swait.ge [sflag:s13], $0x8000  }
0x159: {  	s3 =	sld [smem:$0x7F6]  }
0x15a: {  	[sflag:s13] =	ssyncset.done $0x0  }
0x15b: {  	[sflag:s13] =	ssyncadd.s32 $0xFFFF8000  }
0x15c: {  	[hbm4b:s3+s2] =	stream.linear.scatter [tilespmem:s2], [sflag:$0x4], $0x8000, $0x38;
	[tilespmem:$0x1C000] =	vst v63  }
0x15d: {  	_ =	swait.ge [sflag:s14], $0x8000  }
0x15e: {  	s4 =	sld [smem:$0x7F7]  }
0x15f: {  	[sflag:s14] =	ssyncset.done $0x0  }
0x160: {  	[sflag:s14] =	ssyncadd.s32 $0xFFFF8000  }
0x161: {  	[tilespmem:s2], [sflag:$0x1] =	stream.linear.gather [hbm4b:s4+s2], $0x8000, $0x38;
	[tilespmem:$0x1C000] =	vst v63  }
0x162: {  	_ =	swait.ge [sflag:s15], $0x8000  }
0x163: {  	s1 =	sld [smem:$0x7F8]  }
0x164: {  	[sflag:s15] =	ssyncset.done $0x0  }
0x165: {  	[sflag:s15] =	ssyncadd.s32 $0xFFFF8000  }
0x166: {  	[hbm4b:s1+s2] =	stream.linear.scatter [tilespmem:s11], [sflag:$0x5], $0x8000, $0x38;
	[tilespmem:$0x1C000] =	vst v63  }
0x167: {  	_ =	swait.ge [sflag:s16], $0x8000  }
0x168: {  	s3 =	sld [smem:$0x7F9]  }
0x169: {  	[sflag:s16] =	ssyncset.done $0x0  }
0x16a: {  	[sflag:s16] =	ssyncadd.s32 $0xFFFF8000  }
0x16b: {  	[tilespmem:s11], [sflag:$0x2] =	stream.linear.gather [hbm4b:s3+s2], $0x8000, $0x38;
	[tilespmem:$0x1C000] =	vst v63  }
0x16c: {  	_ =	swait.ge [sflag:s17], $0x8000  }
0x16d: {  	s4 =	sld [smem:$0x7FA]  }
0x16e: {  	[sflag:s17] =	ssyncset.done $0x0  }
0x16f: {  	[sflag:s17] =	ssyncadd.s32 $0xFFFF8000  }
0x170: {  	[hbm4b:s4+s2] =	stream.linear.scatter [tilespmem:s12], [sflag:$0x6], $0x8000, $0x38;
	[tilespmem:$0x1C000] =	vst v63  }
0x171: {  	_ =	swait.ge [sflag:s18], $0x8000  }
0x172: {  	s1 =	sld [smem:$0x7FB]  }
0x173: {  	[sflag:s18] =	ssyncset.done $0x0  }
0x174: {  	[sflag:s18] =	ssyncadd.s32 $0xFFFF8000  }
0x175: {  	[tilespmem:s12], [sflag:$0x3] =	stream.linear.gather [hbm4b:s1+s2], $0x8000, $0x38;
	[tilespmem:$0x1C000] =	vst v63  }
0x176: {  	_ =	swait.ge [sflag:s13], $0x8000  }
0x177: {  	s3 =	sld [smem:$0x7FC]  }
0x178: {  	[sflag:s13] =	ssyncset.done $0x0  }
0x179: {  	[sflag:s13] =	ssyncadd.s32 $0xFFFF8000  }
0x17a: {  	[hbm4b:s3+s2] =	stream.linear.scatter [tilespmem:s2], [sflag:$0x4], $0x8000, $0x38;
	[tilespmem:$0x1C000] =	vst v63  }
0x17b: {  	_ =	swait.ge [sflag:s15], $0x8000  }
0x17c: {  	s4 =	sld [smem:$0x7FD]  }
0x17d: {  	[sflag:s15] =	ssyncset.done $0x0  }
0x17e: {  	[sflag:s15] =	ssyncadd.s32 $0xFFFF8000  }
0x17f: {  	[hbm4b:s4+s2] =	stream.linear.scatter [tilespmem:s11], [sflag:$0x5], $0x8000, $0x38;
	[tilespmem:$0x1C000] =	vst v63  }
0x180: {  	_ =	swait.ge [sflag:s17], $0x8000  }
0x181: {  	[sflag:s17] =	ssyncset.done $0x0  }
0x182: {  	[sflag:s17] =	ssyncadd.s32 $0xFFFF8000  }
0x183: {  	[hbm4b:s19+s2] =	stream.linear.scatter [tilespmem:s12], [sflag:$0x6], $0x8000, $0x38;
	[tilespmem:$0x1C000] =	vst v63  }
0x184: {  	_ =	swait.ge [sflag:s16], $0x8000  }
0x185: {  	[sflag:s16] =	ssyncset.done $0x0  }
0x186: {  	[sflag:s16] =	ssyncadd.s32 $0xFFFF8000  }
0x187: {  	_ =	swait.ge [sflag:s18], $0x8000  }
0x188: {  	[sflag:s18] =	ssyncset.done $0x0  }
0x189: {  	[sflag:s18] =	ssyncadd.s32 $0xFFFF8000  }
0x18a: {  	_ =	swait.ge [sflag:s20], $0x4000  }
0x18b: {  	[sflag:s20] =	ssyncset.done $0x0  }
0x18c: {  	[sflag:s20] =	ssyncadd.s32 $0xFFFFC000  }
0x18d: {  	_ =	swait.ge [sflag:s21], $0x4000  }
0x18e: {  	[sflag:s21] =	ssyncset.done $0x0  }
0x18f: {  	[sflag:s21] =	ssyncadd.s32 $0xFFFFC000  }
0x190: {  	_ =	swait.ge [sflag:s22], $0x4000  }
0x191: {  	[sflag:s22] =	ssyncset.done $0x0  }
0x192: {  	[sflag:s22] =	ssyncadd.s32 $0xFFFFC000  }
0x193: {  	_ =	swait.ge [sflag:s23], $0x4000  }
0x194: {  	[sflag:s23] =	ssyncset.done $0x0  }
0x195: {  	[sflag:s23] =	ssyncadd.s32 $0xFFFFC000  }
0x196: {  	_ =	swait.ge [sflag:s24], $0x4000  }
0x197: {  	[sflag:s24] =	ssyncset.done $0x0  }
0x198: {  	[sflag:s24] =	ssyncadd.s32 $0xFFFFC000  }
0x199: {  	_ =	swait.ge [sflag:s25], $0x4000  }
0x19a: {  	[sflag:s25] =	ssyncset.done $0x0  }
0x19b: {  	[sflag:s25] =	ssyncadd.s32 $0xFFFFC000  }
0x19c: {  	_ =	swait.ge [sflag:s26], $0x4000  }
0x19d: {  	[sflag:s26] =	ssyncset.done $0x0  }
0x19e: {  	s31 =	sadd.s32 $0xFFFFFFFF, s31;
	[sflag:s26] =	ssyncadd.s32 $0xFFFFC000  }
0x19f: {  	p1 =	sne.s32 s31, $0x0;
	_ =	swait.ge @p0 [sflag:s28], $0x3E00  }
.Ltmp1:
0x1a0: {  	[sflag:s28] =	ssyncset.done @p0 $0x0;
	(pc) =	sbr.rel @p1 .LBB2_2-.Ltmp1, $4  }
0x1a1: {  	[sflag:s28] =	ssyncadd.s32 @p0 $0xFFFFC200  }
0x1a2: {  	_ =	swait.ge @p0 [sflag:s30], $0x40  }
0x1a3: {  	[sflag:s30] =	ssyncset.done @p0 $0x0  }
0x1a4: {  	[sflag:s30] =	ssyncadd.s32 @p0 $0xFFFFFFC0  }
.LBB2_3:
0x1a5: {  	_ =	swait.ge @!p0 [sflag:s29], $0x4000  }
0x1a6: {  	[sflag:s29] =	ssyncset.done @!p0 $0x0  }
0x1a7: {  	[sflag:s29] =	ssyncadd.s32 @!p0 $0xFFFFC000  }
0x1a8: {  	_ =	sfence.sel $0x180000  }
0x1a9: {  	[bflag:$0x0] =	sbarrier.arrive $0xFFFF  }
0x1aa: {  	_ =	strace $0x90000047  }
0x1ab: {  	s0 =	stileid.u32;
	[bflag:$0x2] =	sbarrier.arrive $0xFFFF  }
0x1ac: {  	p0 =	sne.s32 s0, $0x0;
	s0 =	rddreg [dreg:$0x3]  }
0x1ad: {  	s0 =	sadd.s32 @!p0 $0x100000, s0  }
0x1ae: {  	[sflag:s0] =	ssyncadd.tile.s32 @!p0 $0x1;
	_ =	shalt  }
.Lfunc_end2:
_tile_overlayer_lowered:
.L_overlay_start_2:
0x1af: {  	(tag) =	ssettag $0x2  }
0x1b0: {  	s0 =	rddreg [dreg:$0x0];
	s2 =	stileid.u32  }
0x1b1: {  	s1 =	rddreg [dreg:$0x1];
	p0 =	sne.s32 s2, $0x0  }
0x1b2: {  	s3 =	rddreg [dreg:$0x2];
	[bflag:$0x3] =	sbarrier.arrive $0xFFFF;
	s2 =	simm.s32 @!p0 $0x1C11  }
0x1b3: {  	[timem:s3], [sflag:s2] =	dma.local @!p0 [hbm:s0], s1  }
0x1b4: {  	s0 =	simm.s32 @!p0 $0x11  }
0x1b5: {  	_ =	swait.ge @!p0 [sflag:s0], s1  }
0x1b6: {  	s1 =	ssub.s32 @!p0 $0x0, s1;
	[sflag:s0] =	ssyncset.done @!p0 $0x0  }
0x1b7: {  	[sflag:s0] =	ssyncadd.s32 @!p0 s1  }
0x1b8: {  	[bflag:$0x3] =	sbarrier.arrive $0xFFFF  }
0x1b9: {  	_ =	shalt  }

</sc_bundles>
